<compile_context>
chip_gen: v7x
topology: tpu7x:2x2x1
jax: 0.10.2.dev20260603
libtpu: 0.0.44.dev20260713+nightly
codegen_flags: <defaults>
</compile_context>

<pallas_src>
import functools

import jax
import jax.numpy as jnp
from jax import lax
from jax.experimental import pallas as pl
from jax.experimental.pallas import tpu as pltpu
from jax.experimental.pallas import tpu_sc as plsc

TOPK = 15
W_TILE = 2048
INT_MAX = 2**31 - 1


def _make_sc_gather(n_rows, table_shape, dtype):
    V, D = table_shape
    info = plsc.get_sparse_core_info()
    NC, NS = info.num_cores, info.num_subcores
    NW = NC * NS
    assert n_rows % NW == 0
    b_per_w = n_rows // NW
    mesh = plsc.VectorSubcoreMesh(core_axis_name="c", subcore_axis_name="s")

    @functools.partial(
        pl.kernel,
        mesh=mesh,
        out_type=jax.ShapeDtypeStruct((n_rows, D), dtype),
        scratch_types=[
            pltpu.VMEM((b_per_w,), jnp.int32),
            pltpu.VMEM((b_per_w, D), dtype),
            pltpu.SemaphoreType.DMA,
        ],
    )
    def gather(table_hbm, idx_hbm, out_hbm, idx_v, rows_v, sem):
        wid = lax.axis_index("s") * NC + lax.axis_index("c")
        base = wid * b_per_w
        pltpu.sync_copy(idx_hbm.at[pl.ds(base, b_per_w)], idx_v)
        cps = []
        for j in range(b_per_w):
            if j % 16 == 0:
                chunk = idx_v[pl.ds(j, 16)]
            r = chunk[j % 16]
            cps.append(pltpu.async_copy(table_hbm.at[pl.ds(r, 1)],
                                        rows_v.at[pl.ds(j, 1)], sem))
        for cp in cps:
            cp.wait()
        pltpu.sync_copy(rows_v, out_hbm.at[pl.ds(base, b_per_w)])

    return gather


def _tc_body(ent_ref, att_ref, tok_ref, ctx_ref, ctx_hbm_ref, out_ref,
             scores_ref, rowbuf_ref, sem, *, n_tiles, w_tile, k):
    i = pl.program_id(0)
    es = ent_ref[...] * att_ref[...]
    c = ctx_ref[...]
    s = lax.dot_general(es, c, (((1,), (1,)), ((), ())),
                        preferred_element_type=jnp.float32,
                        precision=lax.Precision.DEFAULT)
    scores_ref[pl.ds(i, 1), :] = jnp.max(s, axis=0)[None, :]

    @pl.when(i == n_tiles - 1)
    def _finish():
        sc = scores_ref[...]
        flat = (lax.broadcasted_iota(jnp.int32, sc.shape, 0) * w_tile
                + lax.broadcasted_iota(jnp.int32, sc.shape, 1))
        vals, ids = [], []
        cur = sc
        for _ in range(k):
            m = jnp.max(cur)
            idx = jnp.min(jnp.where(cur == m, flat, INT_MAX))
            vals.append(m)
            ids.append(idx)
            cur = jnp.where(flat == idx, -jnp.inf, cur)

        lane = lax.broadcasted_iota(jnp.int32, (1, 128), 1)
        vv = jnp.full((1, 128), -jnp.inf, dtype=jnp.float32)
        for j in range(k):
            vv = jnp.where(lane == j, vals[j], vv)
        e = jnp.exp(vv - vals[0])
        p = e / jnp.sum(e)
        p16 = p[:, :16]

        rowbuf_ref[pl.ds(k, 1), :] = jnp.zeros((1, rowbuf_ref.shape[1]),
                                               jnp.float32)
        copies = [
            pltpu.make_async_copy(ctx_hbm_ref.at[pl.ds(ids[j], 1)],
                                  rowbuf_ref.at[pl.ds(j, 1)], sem)
            for j in range(k)
        ]
        for cp in copies:
            cp.start()
        for cp in copies:
            cp.wait()

        ctxv = lax.dot_general(p16, rowbuf_ref[...], (((1,), (0,)), ((), ())),
                               preferred_element_type=jnp.float32,
                               precision=lax.Precision.HIGHEST)
        ctxv = ctxv * tok_ref[...]
        out_ref[...] = lax.dot_general(ctxv, ent_ref[...],
                                       (((1,), (1,)), ((), ())),
                                       preferred_element_type=jnp.float32,
                                       precision=lax.Precision.HIGHEST)


def _make_tc_main(n_ent, n_words, d, w_tile, k):
    n_tiles = n_words // w_tile
    return pl.pallas_call(
        functools.partial(_tc_body, n_tiles=n_tiles, w_tile=w_tile, k=k),
        grid=(n_tiles,),
        in_specs=[
            pl.BlockSpec((n_ent, d), lambda i: (0, 0)),
            pl.BlockSpec((1, d), lambda i: (0, 0)),
            pl.BlockSpec((1, d), lambda i: (0, 0)),
            pl.BlockSpec((w_tile, d), lambda i: (i, 0)),
            pl.BlockSpec(memory_space=pl.ANY),
        ],
        out_specs=pl.BlockSpec((1, n_ent), lambda i: (0, 0)),
        out_shape=jax.ShapeDtypeStruct((1, n_ent), jnp.float32),
        scratch_shapes=[
            pltpu.VMEM((n_tiles, w_tile), jnp.float32),
            pltpu.VMEM((k + 1, d), jnp.float32),
            pltpu.SemaphoreType.DMA,
        ],
        compiler_params=pltpu.CompilerParams(
            dimension_semantics=("arbitrary",)),
    )


def kernel(candidates, context_embed, entity_table, att_mat_diag,
           tok_score_mat_diag):
    b, n_words, d = context_embed.shape
    n_ent = candidates.shape[0]
    k = min(TOPK, n_words)
    ctx = context_embed.reshape(n_words, d)
    gather = _make_sc_gather(n_ent, entity_table.shape, entity_table.dtype)
    ent = gather(entity_table, candidates.astype(jnp.int32))
    main = _make_tc_main(n_ent, n_words, d, W_TILE, k)
    out = main(ent, att_mat_diag.reshape(1, d), tok_score_mat_diag.reshape(1, d),
               ctx, ctx)
    return out

# --- scband reference (transcript-rebuilt; emitter-appended) ---
"""Pipeline reference for scband-local-ctx-att-ranker-12910671692200 (READ-ONLY COPY).

The authoritative reference and input builder live on the scoring server;
editing this copy changes nothing except your own understanding.
"""

import jax, jax.numpy as jnp
import numpy as np

TOK_TOP_N = 15
EMB_DIMS = 300
N_ENTITIES_TABLE = 100000


def setup_inputs(seed: int = 0) -> dict:
    key = jax.random.key(seed)
    k1, k2, k3 = jax.random.split(key, 3)
    candidates = jax.random.randint(k1, (1024,), 0, N_ENTITIES_TABLE)
    context_embed = jax.random.normal(k2, (1, 32768, EMB_DIMS), dtype=jnp.float32)
    entity_table = jax.random.normal(k3, (N_ENTITIES_TABLE, EMB_DIMS), dtype=jnp.float32) * 0.02
    att_mat_diag = jnp.ones((EMB_DIMS,), dtype=jnp.float32)
    tok_score_mat_diag = jnp.ones((EMB_DIMS,), dtype=jnp.float32)
    return {
        "candidates": candidates,
        "context_embed": context_embed,
        "entity_table": entity_table,
        "att_mat_diag": att_mat_diag,
        "tok_score_mat_diag": tok_score_mat_diag,
    }


def reference(candidates, context_embed, entity_table, att_mat_diag, tok_score_mat_diag):
    batch_size, n_words, embed_size = context_embed.shape
    # embedding lookup replaces the python-loop pickle lookup in the original
    entity_embed = jnp.take(entity_table, candidates, axis=0)[None, :, :]  # [1, n_ent, d]
    n_entities = entity_embed.shape[1]
    # bmm(entity_embed * diag, context_embed^T)
    ent_tok_att_scores = jnp.einsum("bed,bwd->bew", entity_embed * att_mat_diag, context_embed)
    tok_att_scores = jnp.max(ent_tok_att_scores, axis=1)  # [b, n_words]
    k = min(TOK_TOP_N, n_words)
    top_att_scores, top_tok_att_ids = jax.lax.top_k(tok_att_scores, k)
    att_probs = jax.nn.softmax(top_att_scores, axis=1).reshape(batch_size, -1, 1)
    att_probs = att_probs / jnp.sum(att_probs, axis=1, keepdims=True)
    idx = jnp.broadcast_to(top_tok_att_ids[:, :, None], (batch_size, k, embed_size))
    selected_tok_vecs = jnp.take_along_axis(context_embed, idx, axis=1)  # [b, k, d]
    ctx_vecs = jnp.sum(selected_tok_vecs * tok_score_mat_diag * att_probs, axis=1, keepdims=True)  # [b, 1, d]
    # dropout p=0 is identity
    ent_ctx_scores = jnp.einsum("bed,bkd->bek", entity_embed, ctx_vecs).reshape(batch_size, n_entities)
    return ent_ctx_scores

if __name__ == "__main__":
    import jax
    _d = setup_inputs()
    print(jax.jit(kernel)(*tuple(_d.values())))

</pallas_src>

<mosaic_0001>
#map = affine_map<(d0, d1) -> (0, 0)>
#map1 = affine_map<(d0, d1) -> (0)>
module attributes {stable_mosaic.version = 14 : i64} {
  func.func @gather(%arg0: i32, %arg1: i32, %arg2: memref<100000x300xf32, #tpu.memory_space<hbm>>, %arg3: memref<1024xi32, #tpu.memory_space<hbm>>, %arg4: memref<1024x300xf32, #tpu.memory_space<hbm>>, %arg5: memref<32xi32, #tpu.memory_space<vmem>>, %arg6: memref<32x300xf32, #tpu.memory_space<vmem>>, %arg7: memref<!tpu.dma_semaphore, #tpu.memory_space<semaphore_mem>>) attributes {dimension_semantics = [#tpu.dimension_semantics<core_parallel>, #tpu.dimension_semantics<subcore_parallel>], iteration_bounds = array<i64: 2, 16>, scalar_prefetch = 0 : i64, scratch_operands = 3 : i64, tpu.core_type = #tpu.core_type<sc_vector_subcore>, window_params = [{transform_indices = #map}, {transform_indices = #map1}, {transform_indices = #map}]} {
    %mul3A = arith.constant 2 : i32
    %mul3A_0 = arith.muli %arg1, %mul3A : i32
    %add3A = arith.addi %mul3A_0, %arg0 : i32
    %mul3A_1 = arith.constant 32 : i32
    %mul3A_2 = arith.muli %add3A, %mul3A_1 : i32
    "tpu.region"() ({
      %run_scoped3A = tpu.sem_alloc : memref<!tpu.dma_semaphore, #tpu.memory_space<semaphore_mem>>
      %dma_start3A_708 = tpu.memref_slice %arg3[%mul3A_2] : memref<1024xi32, #tpu.memory_space<hbm>> -> memref<32xi32, #tpu.memory_space<hbm>>
      %dma_start3A_709 = tpu.memref_slice %arg3[%mul3A_2] : memref<1024xi32, #tpu.memory_space<hbm>> -> memref<32xi32, #tpu.memory_space<hbm>>
      tpu.enqueue_dma source(%dma_start3A_709 : memref<32xi32, #tpu.memory_space<hbm>>) target(%arg5 : memref<32xi32, #tpu.memory_space<vmem>>) target_semaphore(%run_scoped3A : memref<!tpu.dma_semaphore, #tpu.memory_space<semaphore_mem>>)
      %dma_wait3A_710 = tpu.memref_slice %arg3[%mul3A_2] : memref<1024xi32, #tpu.memory_space<hbm>> -> memref<32xi32, #tpu.memory_space<hbm>>
      %dma_wait3A_711 = tpu.memref_slice %arg3[%mul3A_2] : memref<1024xi32, #tpu.memory_space<hbm>> -> memref<32xi32, #tpu.memory_space<hbm>>
      tpu.wait_dma2 semaphore(%run_scoped3A : memref<!tpu.dma_semaphore, #tpu.memory_space<semaphore_mem>>) src(%dma_wait3A_711 : memref<32xi32, #tpu.memory_space<hbm>>) dst(%arg5 : memref<32xi32, #tpu.memory_space<vmem>>)
      tpu.yield
    }) : () -> ()
    %get3A = arith.constant 0 : index
    %get3A_3 = tpu.vector_load %arg5[%get3A] {strides = array<i32>} : memref<32xi32, #tpu.memory_space<vmem>>, vector<16xi32>,
    %get3A_4 = vector.shape_cast %get3A_3 : vector<16xi32> to vector<16xi32>
    %slice3A = vector.extract_strided_slice %get3A_4 {offsets = [0], sizes = [1], strides = [1]} : vector<16xi32> to vector<1xi32>
    %squeeze3A = vector.extract %slice3A[0] : i32 from vector<1xi32>
    %dma_start3A = arith.constant 0 : i32
    %dma_start3A_5 = arith.constant 0 : i32
    %dma_start3A_6 = tpu.memref_slice %arg6[%dma_start3A, %dma_start3A_5] : memref<32x300xf32, #tpu.memory_space<vmem>> -> memref<1x300xf32, #tpu.memory_space<vmem>>
    %dma_start3A_7 = arith.constant 0 : i32
    %dma_start3A_8 = tpu.memref_slice %arg2[%squeeze3A, %dma_start3A_7] : memref<100000x300xf32, #tpu.memory_space<hbm>> -> memref<1x300xf32, #tpu.memory_space<hbm>>
    %dma_start3A_9 = arith.constant 0 : i32
    %dma_start3A_10 = arith.constant 0 : i32
    %dma_start3A_11 = tpu.memref_slice %arg6[%dma_start3A_9, %dma_start3A_10] : memref<32x300xf32, #tpu.memory_space<vmem>> -> memref<1x300xf32, #tpu.memory_space<vmem>>
    %dma_start3A_12 = arith.constant 0 : i32
    %dma_start3A_13 = tpu.memref_slice %arg2[%squeeze3A, %dma_start3A_12] : memref<100000x300xf32, #tpu.memory_space<hbm>> -> memref<1x300xf32, #tpu.memory_space<hbm>>
    tpu.enqueue_dma source(%dma_start3A_13 : memref<1x300xf32, #tpu.memory_space<hbm>>) target(%dma_start3A_11 : memref<1x300xf32, #tpu.memory_space<vmem>>) target_semaphore(%arg7 : memref<!tpu.dma_semaphore, #tpu.memory_space<semaphore_mem>>)
    %slice3A_14 = vector.extract_strided_slice %get3A_4 {offsets = [1], sizes = [1], strides = [1]} : vector<16xi32> to vector<1xi32>
    %squeeze3A_15 = vector.extract %slice3A_14[0] : i32 from vector<1xi32>
    %dma_start3A_16 = arith.constant 1 : i32
    %dma_start3A_17 = arith.constant 0 : i32
    %dma_start3A_18 = tpu.memref_slice %arg6[%dma_start3A_16, %dma_start3A_17] : memref<32x300xf32, #tpu.memory_space<vmem>> -> memref<1x300xf32, #tpu.memory_space<vmem>>
    %dma_start3A_19 = arith.constant 0 : i32
    %dma_start3A_20 = tpu.memref_slice %arg2[%squeeze3A_15, %dma_start3A_19] : memref<100000x300xf32, #tpu.memory_space<hbm>> -> memref<1x300xf32, #tpu.memory_space<hbm>>
    %dma_start3A_21 = arith.constant 1 : i32
    %dma_start3A_22 = arith.constant 0 : i32
    %dma_start3A_23 = tpu.memref_slice %arg6[%dma_start3A_21, %dma_start3A_22] : memref<32x300xf32, #tpu.memory_space<vmem>> -> memref<1x300xf32, #tpu.memory_space<vmem>>
    %dma_start3A_24 = arith.constant 0 : i32
    %dma_start3A_25 = tpu.memref_slice %arg2[%squeeze3A_15, %dma_start3A_24] : memref<100000x300xf32, #tpu.memory_space<hbm>> -> memref<1x300xf32, #tpu.memory_space<hbm>>
    tpu.enqueue_dma source(%dma_start3A_25 : memref<1x300xf32, #tpu.memory_space<hbm>>) target(%dma_start3A_23 : memref<1x300xf32, #tpu.memory_space<vmem>>) target_semaphore(%arg7 : memref<!tpu.dma_semaphore, #tpu.memory_space<semaphore_mem>>)
    %slice3A_26 = vector.extract_strided_slice %get3A_4 {offsets = [2], sizes = [1], strides = [1]} : vector<16xi32> to vector<1xi32>
    %squeeze3A_27 = vector.extract %slice3A_26[0] : i32 from vector<1xi32>
    %dma_start3A_28 = arith.constant 2 : i32
    %dma_start3A_29 = arith.constant 0 : i32
    %dma_start3A_30 = tpu.memref_slice %arg6[%dma_start3A_28, %dma_start3A_29] : memref<32x300xf32, #tpu.memory_space<vmem>> -> memref<1x300xf32, #tpu.memory_space<vmem>>
    %dma_start3A_31 = arith.constant 0 : i32
    %dma_start3A_32 = tpu.memref_slice %arg2[%squeeze3A_27, %dma_start3A_31] : memref<100000x300xf32, #tpu.memory_space<hbm>> -> memref<1x300xf32, #tpu.memory_space<hbm>>
    %dma_start3A_33 = arith.constant 2 : i32
    %dma_start3A_34 = arith.constant 0 : i32
    %dma_start3A_35 = tpu.memref_slice %arg6[%dma_start3A_33, %dma_start3A_34] : memref<32x300xf32, #tpu.memory_space<vmem>> -> memref<1x300xf32, #tpu.memory_space<vmem>>
    %dma_start3A_36 = arith.constant 0 : i32
    %dma_start3A_37 = tpu.memref_slice %arg2[%squeeze3A_27, %dma_start3A_36] : memref<100000x300xf32, #tpu.memory_space<hbm>> -> memref<1x300xf32, #tpu.memory_space<hbm>>
    tpu.enqueue_dma source(%dma_start3A_37 : memref<1x300xf32, #tpu.memory_space<hbm>>) target(%dma_start3A_35 : memref<1x300xf32, #tpu.memory_space<vmem>>) target_semaphore(%arg7 : memref<!tpu.dma_semaphore, #tpu.memory_space<semaphore_mem>>)
    %slice3A_38 = vector.extract_strided_slice %get3A_4 {offsets = [3], sizes = [1], strides = [1]} : vector<16xi32> to vector<1xi32>
    %squeeze3A_39 = vector.extract %slice3A_38[0] : i32 from vector<1xi32>
    %dma_start3A_40 = arith.constant 3 : i32
    %dma_start3A_41 = arith.constant 0 : i32
    %dma_start3A_42 = tpu.memref_slice %arg6[%dma_start3A_40, %dma_start3A_41] : memref<32x300xf32, #tpu.memory_space<vmem>> -> memref<1x300xf32, #tpu.memory_space<vmem>>
    %dma_start3A_43 = arith.constant 0 : i32
    %dma_start3A_44 = tpu.memref_slice %arg2[%squeeze3A_39, %dma_start3A_43] : memref<100000x300xf32, #tpu.memory_space<hbm>> -> memref<1x300xf32, #tpu.memory_space<hbm>>
    %dma_start3A_45 = arith.constant 3 : i32
    %dma_start3A_46 = arith.constant 0 : i32
    %dma_start3A_47 = tpu.memref_slice %arg6[%dma_start3A_45, %dma_start3A_46] : memref<32x300xf32, #tpu.memory_space<vmem>> -> memref<1x300xf32, #tpu.memory_space<vmem>>
    %dma_start3A_48 = arith.constant 0 : i32
    %dma_start3A_49 = tpu.memref_slice %arg2[%squeeze3A_39, %dma_start3A_48] : memref<100000x300xf32, #tpu.memory_space<hbm>> -> memref<1x300xf32, #tpu.memory_space<hbm>>
    tpu.enqueue_dma source(%dma_start3A_49 : memref<1x300xf32, #tpu.memory_space<hbm>>) target(%dma_start3A_47 : memref<1x300xf32, #tpu.memory_space<vmem>>) target_semaphore(%arg7 : memref<!tpu.dma_semaphore, #tpu.memory_space<semaphore_mem>>)
    %slice3A_50 = vector.extract_strided_slice %get3A_4 {offsets = [4], sizes = [1], strides = [1]} : vector<16xi32> to vector<1xi32>
    %squeeze3A_51 = vector.extract %slice3A_50[0] : i32 from vector<1xi32>
    %dma_start3A_52 = arith.constant 4 : i32
    %dma_start3A_53 = arith.constant 0 : i32
    %dma_start3A_54 = tpu.memref_slice %arg6[%dma_start3A_52, %dma_start3A_53] : memref<32x300xf32, #tpu.memory_space<vmem>> -> memref<1x300xf32, #tpu.memory_space<vmem>>
    %dma_start3A_55 = arith.constant 0 : i32
    %dma_start3A_56 = tpu.memref_slice %arg2[%squeeze3A_51, %dma_start3A_55] : memref<100000x300xf32, #tpu.memory_space<hbm>> -> memref<1x300xf32, #tpu.memory_space<hbm>>
    %dma_start3A_57 = arith.constant 4 : i32
    %dma_start3A_58 = arith.constant 0 : i32
    %dma_start3A_59 = tpu.memref_slice %arg6[%dma_start3A_57, %dma_start3A_58] : memref<32x300xf32, #tpu.memory_space<vmem>> -> memref<1x300xf32, #tpu.memory_space<vmem>>
    %dma_start3A_60 = arith.constant 0 : i32
    %dma_start3A_61 = tpu.memref_slice %arg2[%squeeze3A_51, %dma_start3A_60] : memref<100000x300xf32, #tpu.memory_space<hbm>> -> memref<1x300xf32, #tpu.memory_space<hbm>>
    tpu.enqueue_dma source(%dma_start3A_61 : memref<1x300xf32, #tpu.memory_space<hbm>>) target(%dma_start3A_59 : memref<1x300xf32, #tpu.memory_space<vmem>>) target_semaphore(%arg7 : memref<!tpu.dma_semaphore, #tpu.memory_space<semaphore_mem>>)
    %slice3A_62 = vector.extract_strided_slice %get3A_4 {offsets = [5], sizes = [1], strides = [1]} : vector<16xi32> to vector<1xi32>
    %squeeze3A_63 = vector.extract %slice3A_62[0] : i32 from vector<1xi32>
    %dma_start3A_64 = arith.constant 5 : i32
    %dma_start3A_65 = arith.constant 0 : i32
    %dma_start3A_66 = tpu.memref_slice %arg6[%dma_start3A_64, %dma_start3A_65] : memref<32x300xf32, #tpu.memory_space<vmem>> -> memref<1x300xf32, #tpu.memory_space<vmem>>
    %dma_start3A_67 = arith.constant 0 : i32
    %dma_start3A_68 = tpu.memref_slice %arg2[%squeeze3A_63, %dma_start3A_67] : memref<100000x300xf32, #tpu.memory_space<hbm>> -> memref<1x300xf32, #tpu.memory_space<hbm>>
    %dma_start3A_69 = arith.constant 5 : i32
    %dma_start3A_70 = arith.constant 0 : i32
    %dma_start3A_71 = tpu.memref_slice %arg6[%dma_start3A_69, %dma_start3A_70] : memref<32x300xf32, #tpu.memory_space<vmem>> -> memref<1x300xf32, #tpu.memory_space<vmem>>
    %dma_start3A_72 = arith.constant 0 : i32
    %dma_start3A_73 = tpu.memref_slice %arg2[%squeeze3A_63, %dma_start3A_72] : memref<100000x300xf32, #tpu.memory_space<hbm>> -> memref<1x300xf32, #tpu.memory_space<hbm>>
    tpu.enqueue_dma source(%dma_start3A_73 : memref<1x300xf32, #tpu.memory_space<hbm>>) target(%dma_start3A_71 : memref<1x300xf32, #tpu.memory_space<vmem>>) target_semaphore(%arg7 : memref<!tpu.dma_semaphore, #tpu.memory_space<semaphore_mem>>)
    %slice3A_74 = vector.extract_strided_slice %get3A_4 {offsets = [6], sizes = [1], strides = [1]} : vector<16xi32> to vector<1xi32>
    %squeeze3A_75 = vector.extract %slice3A_74[0] : i32 from vector<1xi32>
    %dma_start3A_76 = arith.constant 6 : i32
    %dma_start3A_77 = arith.constant 0 : i32
    %dma_start3A_78 = tpu.memref_slice %arg6[%dma_start3A_76, %dma_start3A_77] : memref<32x300xf32, #tpu.memory_space<vmem>> -> memref<1x300xf32, #tpu.memory_space<vmem>>
    %dma_start3A_79 = arith.constant 0 : i32
    %dma_start3A_80 = tpu.memref_slice %arg2[%squeeze3A_75, %dma_start3A_79] : memref<100000x300xf32, #tpu.memory_space<hbm>> -> memref<1x300xf32, #tpu.memory_space<hbm>>
    %dma_start3A_81 = arith.constant 6 : i32
    %dma_start3A_82 = arith.constant 0 : i32
    %dma_start3A_83 = tpu.memref_slice %arg6[%dma_start3A_81, %dma_start3A_82] : memref<32x300xf32, #tpu.memory_space<vmem>> -> memref<1x300xf32, #tpu.memory_space<vmem>>
    %dma_start3A_84 = arith.constant 0 : i32
    %dma_start3A_85 = tpu.memref_slice %arg2[%squeeze3A_75, %dma_start3A_84] : memref<100000x300xf32, #tpu.memory_space<hbm>> -> memref<1x300xf32, #tpu.memory_space<hbm>>
    tpu.enqueue_dma source(%dma_start3A_85 : memref<1x300xf32, #tpu.memory_space<hbm>>) target(%dma_start3A_83 : memref<1x300xf32, #tpu.memory_space<vmem>>) target_semaphore(%arg7 : memref<!tpu.dma_semaphore, #tpu.memory_space<semaphore_mem>>)
    %slice3A_86 = vector.extract_strided_slice %get3A_4 {offsets = [7], sizes = [1], strides = [1]} : vector<16xi32> to vector<1xi32>
    %squeeze3A_87 = vector.extract %slice3A_86[0] : i32 from vector<1xi32>
    %dma_start3A_88 = arith.constant 7 : i32
    %dma_start3A_89 = arith.constant 0 : i32
    %dma_start3A_90 = tpu.memref_slice %arg6[%dma_start3A_88, %dma_start3A_89] : memref<32x300xf32, #tpu.memory_space<vmem>> -> memref<1x300xf32, #tpu.memory_space<vmem>>
    %dma_start3A_91 = arith.constant 0 : i32
    %dma_start3A_92 = tpu.memref_slice %arg2[%squeeze3A_87, %dma_start3A_91] : memref<100000x300xf32, #tpu.memory_space<hbm>> -> memref<1x300xf32, #tpu.memory_space<hbm>>
    %dma_start3A_93 = arith.constant 7 : i32
    %dma_start3A_94 = arith.constant 0 : i32
    %dma_start3A_95 = tpu.memref_slice %arg6[%dma_start3A_93, %dma_start3A_94] : memref<32x300xf32, #tpu.memory_space<vmem>> -> memref<1x300xf32, #tpu.memory_space<vmem>>
    %dma_start3A_96 = arith.constant 0 : i32
    %dma_start3A_97 = tpu.memref_slice %arg2[%squeeze3A_87, %dma_start3A_96] : memref<100000x300xf32, #tpu.memory_space<hbm>> -> memref<1x300xf32, #tpu.memory_space<hbm>>
    tpu.enqueue_dma source(%dma_start3A_97 : memref<1x300xf32, #tpu.memory_space<hbm>>) target(%dma_start3A_95 : memref<1x300xf32, #tpu.memory_space<vmem>>) target_semaphore(%arg7 : memref<!tpu.dma_semaphore, #tpu.memory_space<semaphore_mem>>)
    %slice3A_98 = vector.extract_strided_slice %get3A_4 {offsets = [8], sizes = [1], strides = [1]} : vector<16xi32> to vector<1xi32>
    %squeeze3A_99 = vector.extract %slice3A_98[0] : i32 from vector<1xi32>
    %dma_start3A_100 = arith.constant 8 : i32
    %dma_start3A_101 = arith.constant 0 : i32
    %dma_start3A_102 = tpu.memref_slice %arg6[%dma_start3A_100, %dma_start3A_101] : memref<32x300xf32, #tpu.memory_space<vmem>> -> memref<1x300xf32, #tpu.memory_space<vmem>>
    %dma_start3A_103 = arith.constant 0 : i32
    %dma_start3A_104 = tpu.memref_slice %arg2[%squeeze3A_99, %dma_start3A_103] : memref<100000x300xf32, #tpu.memory_space<hbm>> -> memref<1x300xf32, #tpu.memory_space<hbm>>
    %dma_start3A_105 = arith.constant 8 : i32
    %dma_start3A_106 = arith.constant 0 : i32
    %dma_start3A_107 = tpu.memref_slice %arg6[%dma_start3A_105, %dma_start3A_106] : memref<32x300xf32, #tpu.memory_space<vmem>> -> memref<1x300xf32, #tpu.memory_space<vmem>>
    %dma_start3A_108 = arith.constant 0 : i32
    %dma_start3A_109 = tpu.memref_slice %arg2[%squeeze3A_99, %dma_start3A_108] : memref<100000x300xf32, #tpu.memory_space<hbm>> -> memref<1x300xf32, #tpu.memory_space<hbm>>
    tpu.enqueue_dma source(%dma_start3A_109 : memref<1x300xf32, #tpu.memory_space<hbm>>) target(%dma_start3A_107 : memref<1x300xf32, #tpu.memory_space<vmem>>) target_semaphore(%arg7 : memref<!tpu.dma_semaphore, #tpu.memory_space<semaphore_mem>>)
    %slice3A_110 = vector.extract_strided_slice %get3A_4 {offsets = [9], sizes = [1], strides = [1]} : vector<16xi32> to vector<1xi32>
    %squeeze3A_111 = vector.extract %slice3A_110[0] : i32 from vector<1xi32>
    %dma_start3A_112 = arith.constant 9 : i32
    %dma_start3A_113 = arith.constant 0 : i32
    %dma_start3A_114 = tpu.memref_slice %arg6[%dma_start3A_112, %dma_start3A_113] : memref<32x300xf32, #tpu.memory_space<vmem>> -> memref<1x300xf32, #tpu.memory_space<vmem>>
    %dma_start3A_115 = arith.constant 0 : i32
    %dma_start3A_116 = tpu.memref_slice %arg2[%squeeze3A_111, %dma_start3A_115] : memref<100000x300xf32, #tpu.memory_space<hbm>> -> memref<1x300xf32, #tpu.memory_space<hbm>>
    %dma_start3A_117 = arith.constant 9 : i32
    %dma_start3A_118 = arith.constant 0 : i32
    %dma_start3A_119 = tpu.memref_slice %arg6[%dma_start3A_117, %dma_start3A_118] : memref<32x300xf32, #tpu.memory_space<vmem>> -> memref<1x300xf32, #tpu.memory_space<vmem>>
    %dma_start3A_120 = arith.constant 0 : i32
    %dma_start3A_121 = tpu.memref_slice %arg2[%squeeze3A_111, %dma_start3A_120] : memref<100000x300xf32, #tpu.memory_space<hbm>> -> memref<1x300xf32, #tpu.memory_space<hbm>>
    tpu.enqueue_dma source(%dma_start3A_121 : memref<1x300xf32, #tpu.memory_space<hbm>>) target(%dma_start3A_119 : memref<1x300xf32, #tpu.memory_space<vmem>>) target_semaphore(%arg7 : memref<!tpu.dma_semaphore, #tpu.memory_space<semaphore_mem>>)
    %slice3A_122 = vector.extract_strided_slice %get3A_4 {offsets = [10], sizes = [1], strides = [1]} : vector<16xi32> to vector<1xi32>
    %squeeze3A_123 = vector.extract %slice3A_122[0] : i32 from vector<1xi32>
    %dma_start3A_124 = arith.constant 10 : i32
    %dma_start3A_125 = arith.constant 0 : i32
    %dma_start3A_126 = tpu.memref_slice %arg6[%dma_start3A_124, %dma_start3A_125] : memref<32x300xf32, #tpu.memory_space<vmem>> -> memref<1x300xf32, #tpu.memory_space<vmem>>
    %dma_start3A_127 = arith.constant 0 : i32
    %dma_start3A_128 = tpu.memref_slice %arg2[%squeeze3A_123, %dma_start3A_127] : memref<100000x300xf32, #tpu.memory_space<hbm>> -> memref<1x300xf32, #tpu.memory_space<hbm>>
    %dma_start3A_129 = arith.constant 10 : i32
    %dma_start3A_130 = arith.constant 0 : i32
    %dma_start3A_131 = tpu.memref_slice %arg6[%dma_start3A_129, %dma_start3A_130] : memref<32x300xf32, #tpu.memory_space<vmem>> -> memref<1x300xf32, #tpu.memory_space<vmem>>
    %dma_start3A_132 = arith.constant 0 : i32
    %dma_start3A_133 = tpu.memref_slice %arg2[%squeeze3A_123, %dma_start3A_132] : memref<100000x300xf32, #tpu.memory_space<hbm>> -> memref<1x300xf32, #tpu.memory_space<hbm>>
    tpu.enqueue_dma source(%dma_start3A_133 : memref<1x300xf32, #tpu.memory_space<hbm>>) target(%dma_start3A_131 : memref<1x300xf32, #tpu.memory_space<vmem>>) target_semaphore(%arg7 : memref<!tpu.dma_semaphore, #tpu.memory_space<semaphore_mem>>)
    %slice3A_134 = vector.extract_strided_slice %get3A_4 {offsets = [11], sizes = [1], strides = [1]} : vector<16xi32> to vector<1xi32>
    %squeeze3A_135 = vector.extract %slice3A_134[0] : i32 from vector<1xi32>
    %dma_start3A_136 = arith.constant 11 : i32
    %dma_start3A_137 = arith.constant 0 : i32
    %dma_start3A_138 = tpu.memref_slice %arg6[%dma_start3A_136, %dma_start3A_137] : memref<32x300xf32, #tpu.memory_space<vmem>> -> memref<1x300xf32, #tpu.memory_space<vmem>>
    %dma_start3A_139 = arith.constant 0 : i32
    %dma_start3A_140 = tpu.memref_slice %arg2[%squeeze3A_135, %dma_start3A_139] : memref<100000x300xf32, #tpu.memory_space<hbm>> -> memref<1x300xf32, #tpu.memory_space<hbm>>
    %dma_start3A_141 = arith.constant 11 : i32
    %dma_start3A_142 = arith.constant 0 : i32
    %dma_start3A_143 = tpu.memref_slice %arg6[%dma_start3A_141, %dma_start3A_142] : memref<32x300xf32, #tpu.memory_space<vmem>> -> memref<1x300xf32, #tpu.memory_space<vmem>>
    %dma_start3A_144 = arith.constant 0 : i32
    %dma_start3A_145 = tpu.memref_slice %arg2[%squeeze3A_135, %dma_start3A_144] : memref<100000x300xf32, #tpu.memory_space<hbm>> -> memref<1x300xf32, #tpu.memory_space<hbm>>
    tpu.enqueue_dma source(%dma_start3A_145 : memref<1x300xf32, #tpu.memory_space<hbm>>) target(%dma_start3A_143 : memref<1x300xf32, #tpu.memory_space<vmem>>) target_semaphore(%arg7 : memref<!tpu.dma_semaphore, #tpu.memory_space<semaphore_mem>>)
    %slice3A_146 = vector.extract_strided_slice %get3A_4 {offsets = [12], sizes = [1], strides = [1]} : vector<16xi32> to vector<1xi32>
    %squeeze3A_147 = vector.extract %slice3A_146[0] : i32 from vector<1xi32>
    %dma_start3A_148 = arith.constant 12 : i32
    %dma_start3A_149 = arith.constant 0 : i32
    %dma_start3A_150 = tpu.memref_slice %arg6[%dma_start3A_148, %dma_start3A_149] : memref<32x300xf32, #tpu.memory_space<vmem>> -> memref<1x300xf32, #tpu.memory_space<vmem>>
    %dma_start3A_151 = arith.constant 0 : i32
    %dma_start3A_152 = tpu.memref_slice %arg2[%squeeze3A_147, %dma_start3A_151] : memref<100000x300xf32, #tpu.memory_space<hbm>> -> memref<1x300xf32, #tpu.memory_space<hbm>>
    %dma_start3A_153 = arith.constant 12 : i32
    %dma_start3A_154 = arith.constant 0 : i32
    %dma_start3A_155 = tpu.memref_slice %arg6[%dma_start3A_153, %dma_start3A_154] : memref<32x300xf32, #tpu.memory_space<vmem>> -> memref<1x300xf32, #tpu.memory_space<vmem>>
    %dma_start3A_156 = arith.constant 0 : i32
    %dma_start3A_157 = tpu.memref_slice %arg2[%squeeze3A_147, %dma_start3A_156] : memref<100000x300xf32, #tpu.memory_space<hbm>> -> memref<1x300xf32, #tpu.memory_space<hbm>>
    tpu.enqueue_dma source(%dma_start3A_157 : memref<1x300xf32, #tpu.memory_space<hbm>>) target(%dma_start3A_155 : memref<1x300xf32, #tpu.memory_space<vmem>>) target_semaphore(%arg7 : memref<!tpu.dma_semaphore, #tpu.memory_space<semaphore_mem>>)
    %slice3A_158 = vector.extract_strided_slice %get3A_4 {offsets = [13], sizes = [1], strides = [1]} : vector<16xi32> to vector<1xi32>
    %squeeze3A_159 = vector.extract %slice3A_158[0] : i32 from vector<1xi32>
    %dma_start3A_160 = arith.constant 13 : i32
    %dma_start3A_161 = arith.constant 0 : i32
    %dma_start3A_162 = tpu.memref_slice %arg6[%dma_start3A_160, %dma_start3A_161] : memref<32x300xf32, #tpu.memory_space<vmem>> -> memref<1x300xf32, #tpu.memory_space<vmem>>
    %dma_start3A_163 = arith.constant 0 : i32
    %dma_start3A_164 = tpu.memref_slice %arg2[%squeeze3A_159, %dma_start3A_163] : memref<100000x300xf32, #tpu.memory_space<hbm>> -> memref<1x300xf32, #tpu.memory_space<hbm>>
    %dma_start3A_165 = arith.constant 13 : i32
    %dma_start3A_166 = arith.constant 0 : i32
    %dma_start3A_167 = tpu.memref_slice %arg6[%dma_start3A_165, %dma_start3A_166] : memref<32x300xf32, #tpu.memory_space<vmem>> -> memref<1x300xf32, #tpu.memory_space<vmem>>
    %dma_start3A_168 = arith.constant 0 : i32
    %dma_start3A_169 = tpu.memref_slice %arg2[%squeeze3A_159, %dma_start3A_168] : memref<100000x300xf32, #tpu.memory_space<hbm>> -> memref<1x300xf32, #tpu.memory_space<hbm>>
    tpu.enqueue_dma source(%dma_start3A_169 : memref<1x300xf32, #tpu.memory_space<hbm>>) target(%dma_start3A_167 : memref<1x300xf32, #tpu.memory_space<vmem>>) target_semaphore(%arg7 : memref<!tpu.dma_semaphore, #tpu.memory_space<semaphore_mem>>)
    %slice3A_170 = vector.extract_strided_slice %get3A_4 {offsets = [14], sizes = [1], strides = [1]} : vector<16xi32> to vector<1xi32>
    %squeeze3A_171 = vector.extract %slice3A_170[0] : i32 from vector<1xi32>
    %dma_start3A_172 = arith.constant 14 : i32
    %dma_start3A_173 = arith.constant 0 : i32
    %dma_start3A_174 = tpu.memref_slice %arg6[%dma_start3A_172, %dma_start3A_173] : memref<32x300xf32, #tpu.memory_space<vmem>> -> memref<1x300xf32, #tpu.memory_space<vmem>>
    %dma_start3A_175 = arith.constant 0 : i32
    %dma_start3A_176 = tpu.memref_slice %arg2[%squeeze3A_171, %dma_start3A_175] : memref<100000x300xf32, #tpu.memory_space<hbm>> -> memref<1x300xf32, #tpu.memory_space<hbm>>
    %dma_start3A_177 = arith.constant 14 : i32
    %dma_start3A_178 = arith.constant 0 : i32
    %dma_start3A_179 = tpu.memref_slice %arg6[%dma_start3A_177, %dma_start3A_178] : memref<32x300xf32, #tpu.memory_space<vmem>> -> memref<1x300xf32, #tpu.memory_space<vmem>>
    %dma_start3A_180 = arith.constant 0 : i32
    %dma_start3A_181 = tpu.memref_slice %arg2[%squeeze3A_171, %dma_start3A_180] : memref<100000x300xf32, #tpu.memory_space<hbm>> -> memref<1x300xf32, #tpu.memory_space<hbm>>
    tpu.enqueue_dma source(%dma_start3A_181 : memref<1x300xf32, #tpu.memory_space<hbm>>) target(%dma_start3A_179 : memref<1x300xf32, #tpu.memory_space<vmem>>) target_semaphore(%arg7 : memref<!tpu.dma_semaphore, #tpu.memory_space<semaphore_mem>>)
    %slice3A_182 = vector.extract_strided_slice %get3A_4 {offsets = [15], sizes = [1], strides = [1]} : vector<16xi32> to vector<1xi32>
    %squeeze3A_183 = vector.extract %slice3A_182[0] : i32 from vector<1xi32>
    %dma_start3A_184 = arith.constant 15 : i32
    %dma_start3A_185 = arith.constant 0 : i32
    %dma_start3A_186 = tpu.memref_slice %arg6[%dma_start3A_184, %dma_start3A_185] : memref<32x300xf32, #tpu.memory_space<vmem>> -> memref<1x300xf32, #tpu.memory_space<vmem>>
    %dma_start3A_187 = arith.constant 0 : i32
    %dma_start3A_188 = tpu.memref_slice %arg2[%squeeze3A_183, %dma_start3A_187] : memref<100000x300xf32, #tpu.memory_space<hbm>> -> memref<1x300xf32, #tpu.memory_space<hbm>>
    %dma_start3A_189 = arith.constant 15 : i32
    %dma_start3A_190 = arith.constant 0 : i32
    %dma_start3A_191 = tpu.memref_slice %arg6[%dma_start3A_189, %dma_start3A_190] : memref<32x300xf32, #tpu.memory_space<vmem>> -> memref<1x300xf32, #tpu.memory_space<vmem>>
    %dma_start3A_192 = arith.constant 0 : i32
    %dma_start3A_193 = tpu.memref_slice %arg2[%squeeze3A_183, %dma_start3A_192] : memref<100000x300xf32, #tpu.memory_space<hbm>> -> memref<1x300xf32, #tpu.memory_space<hbm>>
    tpu.enqueue_dma source(%dma_start3A_193 : memref<1x300xf32, #tpu.memory_space<hbm>>) target(%dma_start3A_191 : memref<1x300xf32, #tpu.memory_space<vmem>>) target_semaphore(%arg7 : memref<!tpu.dma_semaphore, #tpu.memory_space<semaphore_mem>>)
    %get3A_194 = arith.constant 16 : index
    %get3A_195 = tpu.vector_load %arg5[%get3A_194] {strides = array<i32>} : memref<32xi32, #tpu.memory_space<vmem>>, vector<16xi32>,
    %get3A_196 = vector.shape_cast %get3A_195 : vector<16xi32> to vector<16xi32>
    %slice3A_197 = vector.extract_strided_slice %get3A_196 {offsets = [0], sizes = [1], strides = [1]} : vector<16xi32> to vector<1xi32>
    %squeeze3A_198 = vector.extract %slice3A_197[0] : i32 from vector<1xi32>
    %dma_start3A_199 = arith.constant 16 : i32
    %dma_start3A_200 = arith.constant 0 : i32
    %dma_start3A_201 = tpu.memref_slice %arg6[%dma_start3A_199, %dma_start3A_200] : memref<32x300xf32, #tpu.memory_space<vmem>> -> memref<1x300xf32, #tpu.memory_space<vmem>>
    %dma_start3A_202 = arith.constant 0 : i32
    %dma_start3A_203 = tpu.memref_slice %arg2[%squeeze3A_198, %dma_start3A_202] : memref<100000x300xf32, #tpu.memory_space<hbm>> -> memref<1x300xf32, #tpu.memory_space<hbm>>
    %dma_start3A_204 = arith.constant 16 : i32
    %dma_start3A_205 = arith.constant 0 : i32
    %dma_start3A_206 = tpu.memref_slice %arg6[%dma_start3A_204, %dma_start3A_205] : memref<32x300xf32, #tpu.memory_space<vmem>> -> memref<1x300xf32, #tpu.memory_space<vmem>>
    %dma_start3A_207 = arith.constant 0 : i32
    %dma_start3A_208 = tpu.memref_slice %arg2[%squeeze3A_198, %dma_start3A_207] : memref<100000x300xf32, #tpu.memory_space<hbm>> -> memref<1x300xf32, #tpu.memory_space<hbm>>
    tpu.enqueue_dma source(%dma_start3A_208 : memref<1x300xf32, #tpu.memory_space<hbm>>) target(%dma_start3A_206 : memref<1x300xf32, #tpu.memory_space<vmem>>) target_semaphore(%arg7 : memref<!tpu.dma_semaphore, #tpu.memory_space<semaphore_mem>>)
    %slice3A_209 = vector.extract_strided_slice %get3A_196 {offsets = [1], sizes = [1], strides = [1]} : vector<16xi32> to vector<1xi32>
    %squeeze3A_210 = vector.extract %slice3A_209[0] : i32 from vector<1xi32>
    %dma_start3A_211 = arith.constant 17 : i32
    %dma_start3A_212 = arith.constant 0 : i32
    %dma_start3A_213 = tpu.memref_slice %arg6[%dma_start3A_211, %dma_start3A_212] : memref<32x300xf32, #tpu.memory_space<vmem>> -> memref<1x300xf32, #tpu.memory_space<vmem>>
    %dma_start3A_214 = arith.constant 0 : i32
    %dma_start3A_215 = tpu.memref_slice %arg2[%squeeze3A_210, %dma_start3A_214] : memref<100000x300xf32, #tpu.memory_space<hbm>> -> memref<1x300xf32, #tpu.memory_space<hbm>>
    %dma_start3A_216 = arith.constant 17 : i32
    %dma_start3A_217 = arith.constant 0 : i32
    %dma_start3A_218 = tpu.memref_slice %arg6[%dma_start3A_216, %dma_start3A_217] : memref<32x300xf32, #tpu.memory_space<vmem>> -> memref<1x300xf32, #tpu.memory_space<vmem>>
    %dma_start3A_219 = arith.constant 0 : i32
    %dma_start3A_220 = tpu.memref_slice %arg2[%squeeze3A_210, %dma_start3A_219] : memref<100000x300xf32, #tpu.memory_space<hbm>> -> memref<1x300xf32, #tpu.memory_space<hbm>>
    tpu.enqueue_dma source(%dma_start3A_220 : memref<1x300xf32, #tpu.memory_space<hbm>>) target(%dma_start3A_218 : memref<1x300xf32, #tpu.memory_space<vmem>>) target_semaphore(%arg7 : memref<!tpu.dma_semaphore, #tpu.memory_space<semaphore_mem>>)
    %slice3A_221 = vector.extract_strided_slice %get3A_196 {offsets = [2], sizes = [1], strides = [1]} : vector<16xi32> to vector<1xi32>
    %squeeze3A_222 = vector.extract %slice3A_221[0] : i32 from vector<1xi32>
    %dma_start3A_223 = arith.constant 18 : i32
    %dma_start3A_224 = arith.constant 0 : i32
    %dma_start3A_225 = tpu.memref_slice %arg6[%dma_start3A_223, %dma_start3A_224] : memref<32x300xf32, #tpu.memory_space<vmem>> -> memref<1x300xf32, #tpu.memory_space<vmem>>
    %dma_start3A_226 = arith.constant 0 : i32
    %dma_start3A_227 = tpu.memref_slice %arg2[%squeeze3A_222, %dma_start3A_226] : memref<100000x300xf32, #tpu.memory_space<hbm>> -> memref<1x300xf32, #tpu.memory_space<hbm>>
    %dma_start3A_228 = arith.constant 18 : i32
    %dma_start3A_229 = arith.constant 0 : i32
    %dma_start3A_230 = tpu.memref_slice %arg6[%dma_start3A_228, %dma_start3A_229] : memref<32x300xf32, #tpu.memory_space<vmem>> -> memref<1x300xf32, #tpu.memory_space<vmem>>
    %dma_start3A_231 = arith.constant 0 : i32
    %dma_start3A_232 = tpu.memref_slice %arg2[%squeeze3A_222, %dma_start3A_231] : memref<100000x300xf32, #tpu.memory_space<hbm>> -> memref<1x300xf32, #tpu.memory_space<hbm>>
    tpu.enqueue_dma source(%dma_start3A_232 : memref<1x300xf32, #tpu.memory_space<hbm>>) target(%dma_start3A_230 : memref<1x300xf32, #tpu.memory_space<vmem>>) target_semaphore(%arg7 : memref<!tpu.dma_semaphore, #tpu.memory_space<semaphore_mem>>)
    %slice3A_233 = vector.extract_strided_slice %get3A_196 {offsets = [3], sizes = [1], strides = [1]} : vector<16xi32> to vector<1xi32>
    %squeeze3A_234 = vector.extract %slice3A_233[0] : i32 from vector<1xi32>
    %dma_start3A_235 = arith.constant 19 : i32
    %dma_start3A_236 = arith.constant 0 : i32
    %dma_start3A_237 = tpu.memref_slice %arg6[%dma_start3A_235, %dma_start3A_236] : memref<32x300xf32, #tpu.memory_space<vmem>> -> memref<1x300xf32, #tpu.memory_space<vmem>>
    %dma_start3A_238 = arith.constant 0 : i32
    %dma_start3A_239 = tpu.memref_slice %arg2[%squeeze3A_234, %dma_start3A_238] : memref<100000x300xf32, #tpu.memory_space<hbm>> -> memref<1x300xf32, #tpu.memory_space<hbm>>
    %dma_start3A_240 = arith.constant 19 : i32
    %dma_start3A_241 = arith.constant 0 : i32
    %dma_start3A_242 = tpu.memref_slice %arg6[%dma_start3A_240, %dma_start3A_241] : memref<32x300xf32, #tpu.memory_space<vmem>> -> memref<1x300xf32, #tpu.memory_space<vmem>>
    %dma_start3A_243 = arith.constant 0 : i32
    %dma_start3A_244 = tpu.memref_slice %arg2[%squeeze3A_234, %dma_start3A_243] : memref<100000x300xf32, #tpu.memory_space<hbm>> -> memref<1x300xf32, #tpu.memory_space<hbm>>
    tpu.enqueue_dma source(%dma_start3A_244 : memref<1x300xf32, #tpu.memory_space<hbm>>) target(%dma_start3A_242 : memref<1x300xf32, #tpu.memory_space<vmem>>) target_semaphore(%arg7 : memref<!tpu.dma_semaphore, #tpu.memory_space<semaphore_mem>>)
    %slice3A_245 = vector.extract_strided_slice %get3A_196 {offsets = [4], sizes = [1], strides = [1]} : vector<16xi32> to vector<1xi32>
    %squeeze3A_246 = vector.extract %slice3A_245[0] : i32 from vector<1xi32>
    %dma_start3A_247 = arith.constant 20 : i32
    %dma_start3A_248 = arith.constant 0 : i32
    %dma_start3A_249 = tpu.memref_slice %arg6[%dma_start3A_247, %dma_start3A_248] : memref<32x300xf32, #tpu.memory_space<vmem>> -> memref<1x300xf32, #tpu.memory_space<vmem>>
    %dma_start3A_250 = arith.constant 0 : i32
    %dma_start3A_251 = tpu.memref_slice %arg2[%squeeze3A_246, %dma_start3A_250] : memref<100000x300xf32, #tpu.memory_space<hbm>> -> memref<1x300xf32, #tpu.memory_space<hbm>>
    %dma_start3A_252 = arith.constant 20 : i32
    %dma_start3A_253 = arith.constant 0 : i32
    %dma_start3A_254 = tpu.memref_slice %arg6[%dma_start3A_252, %dma_start3A_253] : memref<32x300xf32, #tpu.memory_space<vmem>> -> memref<1x300xf32, #tpu.memory_space<vmem>>
    %dma_start3A_255 = arith.constant 0 : i32
    %dma_start3A_256 = tpu.memref_slice %arg2[%squeeze3A_246, %dma_start3A_255] : memref<100000x300xf32, #tpu.memory_space<hbm>> -> memref<1x300xf32, #tpu.memory_space<hbm>>
    tpu.enqueue_dma source(%dma_start3A_256 : memref<1x300xf32, #tpu.memory_space<hbm>>) target(%dma_start3A_254 : memref<1x300xf32, #tpu.memory_space<vmem>>) target_semaphore(%arg7 : memref<!tpu.dma_semaphore, #tpu.memory_space<semaphore_mem>>)
    %slice3A_257 = vector.extract_strided_slice %get3A_196 {offsets = [5], sizes = [1], strides = [1]} : vector<16xi32> to vector<1xi32>
    %squeeze3A_258 = vector.extract %slice3A_257[0] : i32 from vector<1xi32>
    %dma_start3A_259 = arith.constant 21 : i32
    %dma_start3A_260 = arith.constant 0 : i32
    %dma_start3A_261 = tpu.memref_slice %arg6[%dma_start3A_259, %dma_start3A_260] : memref<32x300xf32, #tpu.memory_space<vmem>> -> memref<1x300xf32, #tpu.memory_space<vmem>>
    %dma_start3A_262 = arith.constant 0 : i32
    %dma_start3A_263 = tpu.memref_slice %arg2[%squeeze3A_258, %dma_start3A_262] : memref<100000x300xf32, #tpu.memory_space<hbm>> -> memref<1x300xf32, #tpu.memory_space<hbm>>
    %dma_start3A_264 = arith.constant 21 : i32
    %dma_start3A_265 = arith.constant 0 : i32
    %dma_start3A_266 = tpu.memref_slice %arg6[%dma_start3A_264, %dma_start3A_265] : memref<32x300xf32, #tpu.memory_space<vmem>> -> memref<1x300xf32, #tpu.memory_space<vmem>>
    %dma_start3A_267 = arith.constant 0 : i32
    %dma_start3A_268 = tpu.memref_slice %arg2[%squeeze3A_258, %dma_start3A_267] : memref<100000x300xf32, #tpu.memory_space<hbm>> -> memref<1x300xf32, #tpu.memory_space<hbm>>
    tpu.enqueue_dma source(%dma_start3A_268 : memref<1x300xf32, #tpu.memory_space<hbm>>) target(%dma_start3A_266 : memref<1x300xf32, #tpu.memory_space<vmem>>) target_semaphore(%arg7 : memref<!tpu.dma_semaphore, #tpu.memory_space<semaphore_mem>>)
    %slice3A_269 = vector.extract_strided_slice %get3A_196 {offsets = [6], sizes = [1], strides = [1]} : vector<16xi32> to vector<1xi32>
    %squeeze3A_270 = vector.extract %slice3A_269[0] : i32 from vector<1xi32>
    %dma_start3A_271 = arith.constant 22 : i32
    %dma_start3A_272 = arith.constant 0 : i32
    %dma_start3A_273 = tpu.memref_slice %arg6[%dma_start3A_271, %dma_start3A_272] : memref<32x300xf32, #tpu.memory_space<vmem>> -> memref<1x300xf32, #tpu.memory_space<vmem>>
    %dma_start3A_274 = arith.constant 0 : i32
    %dma_start3A_275 = tpu.memref_slice %arg2[%squeeze3A_270, %dma_start3A_274] : memref<100000x300xf32, #tpu.memory_space<hbm>> -> memref<1x300xf32, #tpu.memory_space<hbm>>
    %dma_start3A_276 = arith.constant 22 : i32
    %dma_start3A_277 = arith.constant 0 : i32
    %dma_start3A_278 = tpu.memref_slice %arg6[%dma_start3A_276, %dma_start3A_277] : memref<32x300xf32, #tpu.memory_space<vmem>> -> memref<1x300xf32, #tpu.memory_space<vmem>>
    %dma_start3A_279 = arith.constant 0 : i32
    %dma_start3A_280 = tpu.memref_slice %arg2[%squeeze3A_270, %dma_start3A_279] : memref<100000x300xf32, #tpu.memory_space<hbm>> -> memref<1x300xf32, #tpu.memory_space<hbm>>
    tpu.enqueue_dma source(%dma_start3A_280 : memref<1x300xf32, #tpu.memory_space<hbm>>) target(%dma_start3A_278 : memref<1x300xf32, #tpu.memory_space<vmem>>) target_semaphore(%arg7 : memref<!tpu.dma_semaphore, #tpu.memory_space<semaphore_mem>>)
    %slice3A_281 = vector.extract_strided_slice %get3A_196 {offsets = [7], sizes = [1], strides = [1]} : vector<16xi32> to vector<1xi32>
    %squeeze3A_282 = vector.extract %slice3A_281[0] : i32 from vector<1xi32>
    %dma_start3A_283 = arith.constant 23 : i32
    %dma_start3A_284 = arith.constant 0 : i32
    %dma_start3A_285 = tpu.memref_slice %arg6[%dma_start3A_283, %dma_start3A_284] : memref<32x300xf32, #tpu.memory_space<vmem>> -> memref<1x300xf32, #tpu.memory_space<vmem>>
    %dma_start3A_286 = arith.constant 0 : i32
    %dma_start3A_287 = tpu.memref_slice %arg2[%squeeze3A_282, %dma_start3A_286] : memref<100000x300xf32, #tpu.memory_space<hbm>> -> memref<1x300xf32, #tpu.memory_space<hbm>>
    %dma_start3A_288 = arith.constant 23 : i32
    %dma_start3A_289 = arith.constant 0 : i32
    %dma_start3A_290 = tpu.memref_slice %arg6[%dma_start3A_288, %dma_start3A_289] : memref<32x300xf32, #tpu.memory_space<vmem>> -> memref<1x300xf32, #tpu.memory_space<vmem>>
    %dma_start3A_291 = arith.constant 0 : i32
    %dma_start3A_292 = tpu.memref_slice %arg2[%squeeze3A_282, %dma_start3A_291] : memref<100000x300xf32, #tpu.memory_space<hbm>> -> memref<1x300xf32, #tpu.memory_space<hbm>>
    tpu.enqueue_dma source(%dma_start3A_292 : memref<1x300xf32, #tpu.memory_space<hbm>>) target(%dma_start3A_290 : memref<1x300xf32, #tpu.memory_space<vmem>>) target_semaphore(%arg7 : memref<!tpu.dma_semaphore, #tpu.memory_space<semaphore_mem>>)
    %slice3A_293 = vector.extract_strided_slice %get3A_196 {offsets = [8], sizes = [1], strides = [1]} : vector<16xi32> to vector<1xi32>
    %squeeze3A_294 = vector.extract %slice3A_293[0] : i32 from vector<1xi32>
    %dma_start3A_295 = arith.constant 24 : i32
    %dma_start3A_296 = arith.constant 0 : i32
    %dma_start3A_297 = tpu.memref_slice %arg6[%dma_start3A_295, %dma_start3A_296] : memref<32x300xf32, #tpu.memory_space<vmem>> -> memref<1x300xf32, #tpu.memory_space<vmem>>
    %dma_start3A_298 = arith.constant 0 : i32
    %dma_start3A_299 = tpu.memref_slice %arg2[%squeeze3A_294, %dma_start3A_298] : memref<100000x300xf32, #tpu.memory_space<hbm>> -> memref<1x300xf32, #tpu.memory_space<hbm>>
    %dma_start3A_300 = arith.constant 24 : i32
    %dma_start3A_301 = arith.constant 0 : i32
    %dma_start3A_302 = tpu.memref_slice %arg6[%dma_start3A_300, %dma_start3A_301] : memref<32x300xf32, #tpu.memory_space<vmem>> -> memref<1x300xf32, #tpu.memory_space<vmem>>
    %dma_start3A_303 = arith.constant 0 : i32
    %dma_start3A_304 = tpu.memref_slice %arg2[%squeeze3A_294, %dma_start3A_303] : memref<100000x300xf32, #tpu.memory_space<hbm>> -> memref<1x300xf32, #tpu.memory_space<hbm>>
    tpu.enqueue_dma source(%dma_start3A_304 : memref<1x300xf32, #tpu.memory_space<hbm>>) target(%dma_start3A_302 : memref<1x300xf32, #tpu.memory_space<vmem>>) target_semaphore(%arg7 : memref<!tpu.dma_semaphore, #tpu.memory_space<semaphore_mem>>)
    %slice3A_305 = vector.extract_strided_slice %get3A_196 {offsets = [9], sizes = [1], strides = [1]} : vector<16xi32> to vector<1xi32>
    %squeeze3A_306 = vector.extract %slice3A_305[0] : i32 from vector<1xi32>
    %dma_start3A_307 = arith.constant 25 : i32
    %dma_start3A_308 = arith.constant 0 : i32
    %dma_start3A_309 = tpu.memref_slice %arg6[%dma_start3A_307, %dma_start3A_308] : memref<32x300xf32, #tpu.memory_space<vmem>> -> memref<1x300xf32, #tpu.memory_space<vmem>>
    %dma_start3A_310 = arith.constant 0 : i32
    %dma_start3A_311 = tpu.memref_slice %arg2[%squeeze3A_306, %dma_start3A_310] : memref<100000x300xf32, #tpu.memory_space<hbm>> -> memref<1x300xf32, #tpu.memory_space<hbm>>
    %dma_start3A_312 = arith.constant 25 : i32
    %dma_start3A_313 = arith.constant 0 : i32
    %dma_start3A_314 = tpu.memref_slice %arg6[%dma_start3A_312, %dma_start3A_313] : memref<32x300xf32, #tpu.memory_space<vmem>> -> memref<1x300xf32, #tpu.memory_space<vmem>>
    %dma_start3A_315 = arith.constant 0 : i32
    %dma_start3A_316 = tpu.memref_slice %arg2[%squeeze3A_306, %dma_start3A_315] : memref<100000x300xf32, #tpu.memory_space<hbm>> -> memref<1x300xf32, #tpu.memory_space<hbm>>
    tpu.enqueue_dma source(%dma_start3A_316 : memref<1x300xf32, #tpu.memory_space<hbm>>) target(%dma_start3A_314 : memref<1x300xf32, #tpu.memory_space<vmem>>) target_semaphore(%arg7 : memref<!tpu.dma_semaphore, #tpu.memory_space<semaphore_mem>>)
    %slice3A_317 = vector.extract_strided_slice %get3A_196 {offsets = [10], sizes = [1], strides = [1]} : vector<16xi32> to vector<1xi32>
    %squeeze3A_318 = vector.extract %slice3A_317[0] : i32 from vector<1xi32>
    %dma_start3A_319 = arith.constant 26 : i32
    %dma_start3A_320 = arith.constant 0 : i32
    %dma_start3A_321 = tpu.memref_slice %arg6[%dma_start3A_319, %dma_start3A_320] : memref<32x300xf32, #tpu.memory_space<vmem>> -> memref<1x300xf32, #tpu.memory_space<vmem>>
    %dma_start3A_322 = arith.constant 0 : i32
    %dma_start3A_323 = tpu.memref_slice %arg2[%squeeze3A_318, %dma_start3A_322] : memref<100000x300xf32, #tpu.memory_space<hbm>> -> memref<1x300xf32, #tpu.memory_space<hbm>>
    %dma_start3A_324 = arith.constant 26 : i32
    %dma_start3A_325 = arith.constant 0 : i32
    %dma_start3A_326 = tpu.memref_slice %arg6[%dma_start3A_324, %dma_start3A_325] : memref<32x300xf32, #tpu.memory_space<vmem>> -> memref<1x300xf32, #tpu.memory_space<vmem>>
    %dma_start3A_327 = arith.constant 0 : i32
    %dma_start3A_328 = tpu.memref_slice %arg2[%squeeze3A_318, %dma_start3A_327] : memref<100000x300xf32, #tpu.memory_space<hbm>> -> memref<1x300xf32, #tpu.memory_space<hbm>>
    tpu.enqueue_dma source(%dma_start3A_328 : memref<1x300xf32, #tpu.memory_space<hbm>>) target(%dma_start3A_326 : memref<1x300xf32, #tpu.memory_space<vmem>>) target_semaphore(%arg7 : memref<!tpu.dma_semaphore, #tpu.memory_space<semaphore_mem>>)
    %slice3A_329 = vector.extract_strided_slice %get3A_196 {offsets = [11], sizes = [1], strides = [1]} : vector<16xi32> to vector<1xi32>
    %squeeze3A_330 = vector.extract %slice3A_329[0] : i32 from vector<1xi32>
    %dma_start3A_331 = arith.constant 27 : i32
    %dma_start3A_332 = arith.constant 0 : i32
    %dma_start3A_333 = tpu.memref_slice %arg6[%dma_start3A_331, %dma_start3A_332] : memref<32x300xf32, #tpu.memory_space<vmem>> -> memref<1x300xf32, #tpu.memory_space<vmem>>
    %dma_start3A_334 = arith.constant 0 : i32
    %dma_start3A_335 = tpu.memref_slice %arg2[%squeeze3A_330, %dma_start3A_334] : memref<100000x300xf32, #tpu.memory_space<hbm>> -> memref<1x300xf32, #tpu.memory_space<hbm>>
    %dma_start3A_336 = arith.constant 27 : i32
    %dma_start3A_337 = arith.constant 0 : i32
    %dma_start3A_338 = tpu.memref_slice %arg6[%dma_start3A_336, %dma_start3A_337] : memref<32x300xf32, #tpu.memory_space<vmem>> -> memref<1x300xf32, #tpu.memory_space<vmem>>
    %dma_start3A_339 = arith.constant 0 : i32
    %dma_start3A_340 = tpu.memref_slice %arg2[%squeeze3A_330, %dma_start3A_339] : memref<100000x300xf32, #tpu.memory_space<hbm>> -> memref<1x300xf32, #tpu.memory_space<hbm>>
    tpu.enqueue_dma source(%dma_start3A_340 : memref<1x300xf32, #tpu.memory_space<hbm>>) target(%dma_start3A_338 : memref<1x300xf32, #tpu.memory_space<vmem>>) target_semaphore(%arg7 : memref<!tpu.dma_semaphore, #tpu.memory_space<semaphore_mem>>)
    %slice3A_341 = vector.extract_strided_slice %get3A_196 {offsets = [12], sizes = [1], strides = [1]} : vector<16xi32> to vector<1xi32>
    %squeeze3A_342 = vector.extract %slice3A_341[0] : i32 from vector<1xi32>
    %dma_start3A_343 = arith.constant 28 : i32
    %dma_start3A_344 = arith.constant 0 : i32
    %dma_start3A_345 = tpu.memref_slice %arg6[%dma_start3A_343, %dma_start3A_344] : memref<32x300xf32, #tpu.memory_space<vmem>> -> memref<1x300xf32, #tpu.memory_space<vmem>>
    %dma_start3A_346 = arith.constant 0 : i32
    %dma_start3A_347 = tpu.memref_slice %arg2[%squeeze3A_342, %dma_start3A_346] : memref<100000x300xf32, #tpu.memory_space<hbm>> -> memref<1x300xf32, #tpu.memory_space<hbm>>
    %dma_start3A_348 = arith.constant 28 : i32
    %dma_start3A_349 = arith.constant 0 : i32
    %dma_start3A_350 = tpu.memref_slice %arg6[%dma_start3A_348, %dma_start3A_349] : memref<32x300xf32, #tpu.memory_space<vmem>> -> memref<1x300xf32, #tpu.memory_space<vmem>>
    %dma_start3A_351 = arith.constant 0 : i32
    %dma_start3A_352 = tpu.memref_slice %arg2[%squeeze3A_342, %dma_start3A_351] : memref<100000x300xf32, #tpu.memory_space<hbm>> -> memref<1x300xf32, #tpu.memory_space<hbm>>
    tpu.enqueue_dma source(%dma_start3A_352 : memref<1x300xf32, #tpu.memory_space<hbm>>) target(%dma_start3A_350 : memref<1x300xf32, #tpu.memory_space<vmem>>) target_semaphore(%arg7 : memref<!tpu.dma_semaphore, #tpu.memory_space<semaphore_mem>>)
    %slice3A_353 = vector.extract_strided_slice %get3A_196 {offsets = [13], sizes = [1], strides = [1]} : vector<16xi32> to vector<1xi32>
    %squeeze3A_354 = vector.extract %slice3A_353[0] : i32 from vector<1xi32>
    %dma_start3A_355 = arith.constant 29 : i32
    %dma_start3A_356 = arith.constant 0 : i32
    %dma_start3A_357 = tpu.memref_slice %arg6[%dma_start3A_355, %dma_start3A_356] : memref<32x300xf32, #tpu.memory_space<vmem>> -> memref<1x300xf32, #tpu.memory_space<vmem>>
    %dma_start3A_358 = arith.constant 0 : i32
    %dma_start3A_359 = tpu.memref_slice %arg2[%squeeze3A_354, %dma_start3A_358] : memref<100000x300xf32, #tpu.memory_space<hbm>> -> memref<1x300xf32, #tpu.memory_space<hbm>>
    %dma_start3A_360 = arith.constant 29 : i32
    %dma_start3A_361 = arith.constant 0 : i32
    %dma_start3A_362 = tpu.memref_slice %arg6[%dma_start3A_360, %dma_start3A_361] : memref<32x300xf32, #tpu.memory_space<vmem>> -> memref<1x300xf32, #tpu.memory_space<vmem>>
    %dma_start3A_363 = arith.constant 0 : i32
    %dma_start3A_364 = tpu.memref_slice %arg2[%squeeze3A_354, %dma_start3A_363] : memref<100000x300xf32, #tpu.memory_space<hbm>> -> memref<1x300xf32, #tpu.memory_space<hbm>>
    tpu.enqueue_dma source(%dma_start3A_364 : memref<1x300xf32, #tpu.memory_space<hbm>>) target(%dma_start3A_362 : memref<1x300xf32, #tpu.memory_space<vmem>>) target_semaphore(%arg7 : memref<!tpu.dma_semaphore, #tpu.memory_space<semaphore_mem>>)
    %slice3A_365 = vector.extract_strided_slice %get3A_196 {offsets = [14], sizes = [1], strides = [1]} : vector<16xi32> to vector<1xi32>
    %squeeze3A_366 = vector.extract %slice3A_365[0] : i32 from vector<1xi32>
    %dma_start3A_367 = arith.constant 30 : i32
    %dma_start3A_368 = arith.constant 0 : i32
    %dma_start3A_369 = tpu.memref_slice %arg6[%dma_start3A_367, %dma_start3A_368] : memref<32x300xf32, #tpu.memory_space<vmem>> -> memref<1x300xf32, #tpu.memory_space<vmem>>
    %dma_start3A_370 = arith.constant 0 : i32
    %dma_start3A_371 = tpu.memref_slice %arg2[%squeeze3A_366, %dma_start3A_370] : memref<100000x300xf32, #tpu.memory_space<hbm>> -> memref<1x300xf32, #tpu.memory_space<hbm>>
    %dma_start3A_372 = arith.constant 30 : i32
    %dma_start3A_373 = arith.constant 0 : i32
    %dma_start3A_374 = tpu.memref_slice %arg6[%dma_start3A_372, %dma_start3A_373] : memref<32x300xf32, #tpu.memory_space<vmem>> -> memref<1x300xf32, #tpu.memory_space<vmem>>
    %dma_start3A_375 = arith.constant 0 : i32
    %dma_start3A_376 = tpu.memref_slice %arg2[%squeeze3A_366, %dma_start3A_375] : memref<100000x300xf32, #tpu.memory_space<hbm>> -> memref<1x300xf32, #tpu.memory_space<hbm>>
    tpu.enqueue_dma source(%dma_start3A_376 : memref<1x300xf32, #tpu.memory_space<hbm>>) target(%dma_start3A_374 : memref<1x300xf32, #tpu.memory_space<vmem>>) target_semaphore(%arg7 : memref<!tpu.dma_semaphore, #tpu.memory_space<semaphore_mem>>)
    %slice3A_377 = vector.extract_strided_slice %get3A_196 {offsets = [15], sizes = [1], strides = [1]} : vector<16xi32> to vector<1xi32>
    %squeeze3A_378 = vector.extract %slice3A_377[0] : i32 from vector<1xi32>
    %dma_start3A_379 = arith.constant 31 : i32
    %dma_start3A_380 = arith.constant 0 : i32
    %dma_start3A_381 = tpu.memref_slice %arg6[%dma_start3A_379, %dma_start3A_380] : memref<32x300xf32, #tpu.memory_space<vmem>> -> memref<1x300xf32, #tpu.memory_space<vmem>>
    %dma_start3A_382 = arith.constant 0 : i32
    %dma_start3A_383 = tpu.memref_slice %arg2[%squeeze3A_378, %dma_start3A_382] : memref<100000x300xf32, #tpu.memory_space<hbm>> -> memref<1x300xf32, #tpu.memory_space<hbm>>
    %dma_start3A_384 = arith.constant 31 : i32
    %dma_start3A_385 = arith.constant 0 : i32
    %dma_start3A_386 = tpu.memref_slice %arg6[%dma_start3A_384, %dma_start3A_385] : memref<32x300xf32, #tpu.memory_space<vmem>> -> memref<1x300xf32, #tpu.memory_space<vmem>>
    %dma_start3A_387 = arith.constant 0 : i32
    %dma_start3A_388 = tpu.memref_slice %arg2[%squeeze3A_378, %dma_start3A_387] : memref<100000x300xf32, #tpu.memory_space<hbm>> -> memref<1x300xf32, #tpu.memory_space<hbm>>
    tpu.enqueue_dma source(%dma_start3A_388 : memref<1x300xf32, #tpu.memory_space<hbm>>) target(%dma_start3A_386 : memref<1x300xf32, #tpu.memory_space<vmem>>) target_semaphore(%arg7 : memref<!tpu.dma_semaphore, #tpu.memory_space<semaphore_mem>>)
    %dma_wait3A = arith.constant 0 : i32
    %dma_wait3A_389 = arith.constant 0 : i32
    %dma_wait3A_390 = tpu.memref_slice %arg6[%dma_wait3A, %dma_wait3A_389] : memref<32x300xf32, #tpu.memory_space<vmem>> -> memref<1x300xf32, #tpu.memory_space<vmem>>
    %dma_wait3A_391 = arith.constant 0 : i32
    %dma_wait3A_392 = tpu.memref_slice %arg2[%squeeze3A, %dma_wait3A_391] : memref<100000x300xf32, #tpu.memory_space<hbm>> -> memref<1x300xf32, #tpu.memory_space<hbm>>
    %dma_wait3A_393 = arith.constant 0 : i32
    %dma_wait3A_394 = arith.constant 0 : i32
    %dma_wait3A_395 = tpu.memref_slice %arg6[%dma_wait3A_393, %dma_wait3A_394] : memref<32x300xf32, #tpu.memory_space<vmem>> -> memref<1x300xf32, #tpu.memory_space<vmem>>
    %dma_wait3A_396 = arith.constant 0 : i32
    %dma_wait3A_397 = tpu.memref_slice %arg2[%squeeze3A, %dma_wait3A_396] : memref<100000x300xf32, #tpu.memory_space<hbm>> -> memref<1x300xf32, #tpu.memory_space<hbm>>
    tpu.wait_dma2 semaphore(%arg7 : memref<!tpu.dma_semaphore, #tpu.memory_space<semaphore_mem>>) src(%dma_wait3A_397 : memref<1x300xf32, #tpu.memory_space<hbm>>) dst(%dma_wait3A_395 : memref<1x300xf32, #tpu.memory_space<vmem>>)
    %dma_wait3A_398 = arith.constant 1 : i32
    %dma_wait3A_399 = arith.constant 0 : i32
    %dma_wait3A_400 = tpu.memref_slice %arg6[%dma_wait3A_398, %dma_wait3A_399] : memref<32x300xf32, #tpu.memory_space<vmem>> -> memref<1x300xf32, #tpu.memory_space<vmem>>
    %dma_wait3A_401 = arith.constant 0 : i32
    %dma_wait3A_402 = tpu.memref_slice %arg2[%squeeze3A_15, %dma_wait3A_401] : memref<100000x300xf32, #tpu.memory_space<hbm>> -> memref<1x300xf32, #tpu.memory_space<hbm>>
    %dma_wait3A_403 = arith.constant 1 : i32
    %dma_wait3A_404 = arith.constant 0 : i32
    %dma_wait3A_405 = tpu.memref_slice %arg6[%dma_wait3A_403, %dma_wait3A_404] : memref<32x300xf32, #tpu.memory_space<vmem>> -> memref<1x300xf32, #tpu.memory_space<vmem>>
    %dma_wait3A_406 = arith.constant 0 : i32
    %dma_wait3A_407 = tpu.memref_slice %arg2[%squeeze3A_15, %dma_wait3A_406] : memref<100000x300xf32, #tpu.memory_space<hbm>> -> memref<1x300xf32, #tpu.memory_space<hbm>>
    tpu.wait_dma2 semaphore(%arg7 : memref<!tpu.dma_semaphore, #tpu.memory_space<semaphore_mem>>) src(%dma_wait3A_407 : memref<1x300xf32, #tpu.memory_space<hbm>>) dst(%dma_wait3A_405 : memref<1x300xf32, #tpu.memory_space<vmem>>)
    %dma_wait3A_408 = arith.constant 2 : i32
    %dma_wait3A_409 = arith.constant 0 : i32
    %dma_wait3A_410 = tpu.memref_slice %arg6[%dma_wait3A_408, %dma_wait3A_409] : memref<32x300xf32, #tpu.memory_space<vmem>> -> memref<1x300xf32, #tpu.memory_space<vmem>>
    %dma_wait3A_411 = arith.constant 0 : i32
    %dma_wait3A_412 = tpu.memref_slice %arg2[%squeeze3A_27, %dma_wait3A_411] : memref<100000x300xf32, #tpu.memory_space<hbm>> -> memref<1x300xf32, #tpu.memory_space<hbm>>
    %dma_wait3A_413 = arith.constant 2 : i32
    %dma_wait3A_414 = arith.constant 0 : i32
    %dma_wait3A_415 = tpu.memref_slice %arg6[%dma_wait3A_413, %dma_wait3A_414] : memref<32x300xf32, #tpu.memory_space<vmem>> -> memref<1x300xf32, #tpu.memory_space<vmem>>
    %dma_wait3A_416 = arith.constant 0 : i32
    %dma_wait3A_417 = tpu.memref_slice %arg2[%squeeze3A_27, %dma_wait3A_416] : memref<100000x300xf32, #tpu.memory_space<hbm>> -> memref<1x300xf32, #tpu.memory_space<hbm>>
    tpu.wait_dma2 semaphore(%arg7 : memref<!tpu.dma_semaphore, #tpu.memory_space<semaphore_mem>>) src(%dma_wait3A_417 : memref<1x300xf32, #tpu.memory_space<hbm>>) dst(%dma_wait3A_415 : memref<1x300xf32, #tpu.memory_space<vmem>>)
    %dma_wait3A_418 = arith.constant 3 : i32
    %dma_wait3A_419 = arith.constant 0 : i32
    %dma_wait3A_420 = tpu.memref_slice %arg6[%dma_wait3A_418, %dma_wait3A_419] : memref<32x300xf32, #tpu.memory_space<vmem>> -> memref<1x300xf32, #tpu.memory_space<vmem>>
    %dma_wait3A_421 = arith.constant 0 : i32
    %dma_wait3A_422 = tpu.memref_slice %arg2[%squeeze3A_39, %dma_wait3A_421] : memref<100000x300xf32, #tpu.memory_space<hbm>> -> memref<1x300xf32, #tpu.memory_space<hbm>>
    %dma_wait3A_423 = arith.constant 3 : i32
    %dma_wait3A_424 = arith.constant 0 : i32
    %dma_wait3A_425 = tpu.memref_slice %arg6[%dma_wait3A_423, %dma_wait3A_424] : memref<32x300xf32, #tpu.memory_space<vmem>> -> memref<1x300xf32, #tpu.memory_space<vmem>>
    %dma_wait3A_426 = arith.constant 0 : i32
    %dma_wait3A_427 = tpu.memref_slice %arg2[%squeeze3A_39, %dma_wait3A_426] : memref<100000x300xf32, #tpu.memory_space<hbm>> -> memref<1x300xf32, #tpu.memory_space<hbm>>
    tpu.wait_dma2 semaphore(%arg7 : memref<!tpu.dma_semaphore, #tpu.memory_space<semaphore_mem>>) src(%dma_wait3A_427 : memref<1x300xf32, #tpu.memory_space<hbm>>) dst(%dma_wait3A_425 : memref<1x300xf32, #tpu.memory_space<vmem>>)
    %dma_wait3A_428 = arith.constant 4 : i32
    %dma_wait3A_429 = arith.constant 0 : i32
    %dma_wait3A_430 = tpu.memref_slice %arg6[%dma_wait3A_428, %dma_wait3A_429] : memref<32x300xf32, #tpu.memory_space<vmem>> -> memref<1x300xf32, #tpu.memory_space<vmem>>
    %dma_wait3A_431 = arith.constant 0 : i32
    %dma_wait3A_432 = tpu.memref_slice %arg2[%squeeze3A_51, %dma_wait3A_431] : memref<100000x300xf32, #tpu.memory_space<hbm>> -> memref<1x300xf32, #tpu.memory_space<hbm>>
    %dma_wait3A_433 = arith.constant 4 : i32
    %dma_wait3A_434 = arith.constant 0 : i32
    %dma_wait3A_435 = tpu.memref_slice %arg6[%dma_wait3A_433, %dma_wait3A_434] : memref<32x300xf32, #tpu.memory_space<vmem>> -> memref<1x300xf32, #tpu.memory_space<vmem>>
    %dma_wait3A_436 = arith.constant 0 : i32
    %dma_wait3A_437 = tpu.memref_slice %arg2[%squeeze3A_51, %dma_wait3A_436] : memref<100000x300xf32, #tpu.memory_space<hbm>> -> memref<1x300xf32, #tpu.memory_space<hbm>>
    tpu.wait_dma2 semaphore(%arg7 : memref<!tpu.dma_semaphore, #tpu.memory_space<semaphore_mem>>) src(%dma_wait3A_437 : memref<1x300xf32, #tpu.memory_space<hbm>>) dst(%dma_wait3A_435 : memref<1x300xf32, #tpu.memory_space<vmem>>)
    %dma_wait3A_438 = arith.constant 5 : i32
    %dma_wait3A_439 = arith.constant 0 : i32
    %dma_wait3A_440 = tpu.memref_slice %arg6[%dma_wait3A_438, %dma_wait3A_439] : memref<32x300xf32, #tpu.memory_space<vmem>> -> memref<1x300xf32, #tpu.memory_space<vmem>>
    %dma_wait3A_441 = arith.constant 0 : i32
    %dma_wait3A_442 = tpu.memref_slice %arg2[%squeeze3A_63, %dma_wait3A_441] : memref<100000x300xf32, #tpu.memory_space<hbm>> -> memref<1x300xf32, #tpu.memory_space<hbm>>
    %dma_wait3A_443 = arith.constant 5 : i32
    %dma_wait3A_444 = arith.constant 0 : i32
    %dma_wait3A_445 = tpu.memref_slice %arg6[%dma_wait3A_443, %dma_wait3A_444] : memref<32x300xf32, #tpu.memory_space<vmem>> -> memref<1x300xf32, #tpu.memory_space<vmem>>
    %dma_wait3A_446 = arith.constant 0 : i32
    %dma_wait3A_447 = tpu.memref_slice %arg2[%squeeze3A_63, %dma_wait3A_446] : memref<100000x300xf32, #tpu.memory_space<hbm>> -> memref<1x300xf32, #tpu.memory_space<hbm>>
    tpu.wait_dma2 semaphore(%arg7 : memref<!tpu.dma_semaphore, #tpu.memory_space<semaphore_mem>>) src(%dma_wait3A_447 : memref<1x300xf32, #tpu.memory_space<hbm>>) dst(%dma_wait3A_445 : memref<1x300xf32, #tpu.memory_space<vmem>>)
    %dma_wait3A_448 = arith.constant 6 : i32
    %dma_wait3A_449 = arith.constant 0 : i32
    %dma_wait3A_450 = tpu.memref_slice %arg6[%dma_wait3A_448, %dma_wait3A_449] : memref<32x300xf32, #tpu.memory_space<vmem>> -> memref<1x300xf32, #tpu.memory_space<vmem>>
    %dma_wait3A_451 = arith.constant 0 : i32
    %dma_wait3A_452 = tpu.memref_slice %arg2[%squeeze3A_75, %dma_wait3A_451] : memref<100000x300xf32, #tpu.memory_space<hbm>> -> memref<1x300xf32, #tpu.memory_space<hbm>>
    %dma_wait3A_453 = arith.constant 6 : i32
    %dma_wait3A_454 = arith.constant 0 : i32
    %dma_wait3A_455 = tpu.memref_slice %arg6[%dma_wait3A_453, %dma_wait3A_454] : memref<32x300xf32, #tpu.memory_space<vmem>> -> memref<1x300xf32, #tpu.memory_space<vmem>>
    %dma_wait3A_456 = arith.constant 0 : i32
    %dma_wait3A_457 = tpu.memref_slice %arg2[%squeeze3A_75, %dma_wait3A_456] : memref<100000x300xf32, #tpu.memory_space<hbm>> -> memref<1x300xf32, #tpu.memory_space<hbm>>
    tpu.wait_dma2 semaphore(%arg7 : memref<!tpu.dma_semaphore, #tpu.memory_space<semaphore_mem>>) src(%dma_wait3A_457 : memref<1x300xf32, #tpu.memory_space<hbm>>) dst(%dma_wait3A_455 : memref<1x300xf32, #tpu.memory_space<vmem>>)
    %dma_wait3A_458 = arith.constant 7 : i32
    %dma_wait3A_459 = arith.constant 0 : i32
    %dma_wait3A_460 = tpu.memref_slice %arg6[%dma_wait3A_458, %dma_wait3A_459] : memref<32x300xf32, #tpu.memory_space<vmem>> -> memref<1x300xf32, #tpu.memory_space<vmem>>
    %dma_wait3A_461 = arith.constant 0 : i32
    %dma_wait3A_462 = tpu.memref_slice %arg2[%squeeze3A_87, %dma_wait3A_461] : memref<100000x300xf32, #tpu.memory_space<hbm>> -> memref<1x300xf32, #tpu.memory_space<hbm>>
    %dma_wait3A_463 = arith.constant 7 : i32
    %dma_wait3A_464 = arith.constant 0 : i32
    %dma_wait3A_465 = tpu.memref_slice %arg6[%dma_wait3A_463, %dma_wait3A_464] : memref<32x300xf32, #tpu.memory_space<vmem>> -> memref<1x300xf32, #tpu.memory_space<vmem>>
    %dma_wait3A_466 = arith.constant 0 : i32
    %dma_wait3A_467 = tpu.memref_slice %arg2[%squeeze3A_87, %dma_wait3A_466] : memref<100000x300xf32, #tpu.memory_space<hbm>> -> memref<1x300xf32, #tpu.memory_space<hbm>>
    tpu.wait_dma2 semaphore(%arg7 : memref<!tpu.dma_semaphore, #tpu.memory_space<semaphore_mem>>) src(%dma_wait3A_467 : memref<1x300xf32, #tpu.memory_space<hbm>>) dst(%dma_wait3A_465 : memref<1x300xf32, #tpu.memory_space<vmem>>)
    %dma_wait3A_468 = arith.constant 8 : i32
    %dma_wait3A_469 = arith.constant 0 : i32
    %dma_wait3A_470 = tpu.memref_slice %arg6[%dma_wait3A_468, %dma_wait3A_469] : memref<32x300xf32, #tpu.memory_space<vmem>> -> memref<1x300xf32, #tpu.memory_space<vmem>>
    %dma_wait3A_471 = arith.constant 0 : i32
    %dma_wait3A_472 = tpu.memref_slice %arg2[%squeeze3A_99, %dma_wait3A_471] : memref<100000x300xf32, #tpu.memory_space<hbm>> -> memref<1x300xf32, #tpu.memory_space<hbm>>
    %dma_wait3A_473 = arith.constant 8 : i32
    %dma_wait3A_474 = arith.constant 0 : i32
    %dma_wait3A_475 = tpu.memref_slice %arg6[%dma_wait3A_473, %dma_wait3A_474] : memref<32x300xf32, #tpu.memory_space<vmem>> -> memref<1x300xf32, #tpu.memory_space<vmem>>
    %dma_wait3A_476 = arith.constant 0 : i32
    %dma_wait3A_477 = tpu.memref_slice %arg2[%squeeze3A_99, %dma_wait3A_476] : memref<100000x300xf32, #tpu.memory_space<hbm>> -> memref<1x300xf32, #tpu.memory_space<hbm>>
    tpu.wait_dma2 semaphore(%arg7 : memref<!tpu.dma_semaphore, #tpu.memory_space<semaphore_mem>>) src(%dma_wait3A_477 : memref<1x300xf32, #tpu.memory_space<hbm>>) dst(%dma_wait3A_475 : memref<1x300xf32, #tpu.memory_space<vmem>>)
    %dma_wait3A_478 = arith.constant 9 : i32
    %dma_wait3A_479 = arith.constant 0 : i32
    %dma_wait3A_480 = tpu.memref_slice %arg6[%dma_wait3A_478, %dma_wait3A_479] : memref<32x300xf32, #tpu.memory_space<vmem>> -> memref<1x300xf32, #tpu.memory_space<vmem>>
    %dma_wait3A_481 = arith.constant 0 : i32
    %dma_wait3A_482 = tpu.memref_slice %arg2[%squeeze3A_111, %dma_wait3A_481] : memref<100000x300xf32, #tpu.memory_space<hbm>> -> memref<1x300xf32, #tpu.memory_space<hbm>>
    %dma_wait3A_483 = arith.constant 9 : i32
    %dma_wait3A_484 = arith.constant 0 : i32
    %dma_wait3A_485 = tpu.memref_slice %arg6[%dma_wait3A_483, %dma_wait3A_484] : memref<32x300xf32, #tpu.memory_space<vmem>> -> memref<1x300xf32, #tpu.memory_space<vmem>>
    %dma_wait3A_486 = arith.constant 0 : i32
    %dma_wait3A_487 = tpu.memref_slice %arg2[%squeeze3A_111, %dma_wait3A_486] : memref<100000x300xf32, #tpu.memory_space<hbm>> -> memref<1x300xf32, #tpu.memory_space<hbm>>
    tpu.wait_dma2 semaphore(%arg7 : memref<!tpu.dma_semaphore, #tpu.memory_space<semaphore_mem>>) src(%dma_wait3A_487 : memref<1x300xf32, #tpu.memory_space<hbm>>) dst(%dma_wait3A_485 : memref<1x300xf32, #tpu.memory_space<vmem>>)
    %dma_wait3A_488 = arith.constant 10 : i32
    %dma_wait3A_489 = arith.constant 0 : i32
    %dma_wait3A_490 = tpu.memref_slice %arg6[%dma_wait3A_488, %dma_wait3A_489] : memref<32x300xf32, #tpu.memory_space<vmem>> -> memref<1x300xf32, #tpu.memory_space<vmem>>
    %dma_wait3A_491 = arith.constant 0 : i32
    %dma_wait3A_492 = tpu.memref_slice %arg2[%squeeze3A_123, %dma_wait3A_491] : memref<100000x300xf32, #tpu.memory_space<hbm>> -> memref<1x300xf32, #tpu.memory_space<hbm>>
    %dma_wait3A_493 = arith.constant 10 : i32
    %dma_wait3A_494 = arith.constant 0 : i32
    %dma_wait3A_495 = tpu.memref_slice %arg6[%dma_wait3A_493, %dma_wait3A_494] : memref<32x300xf32, #tpu.memory_space<vmem>> -> memref<1x300xf32, #tpu.memory_space<vmem>>
    %dma_wait3A_496 = arith.constant 0 : i32
    %dma_wait3A_497 = tpu.memref_slice %arg2[%squeeze3A_123, %dma_wait3A_496] : memref<100000x300xf32, #tpu.memory_space<hbm>> -> memref<1x300xf32, #tpu.memory_space<hbm>>
    tpu.wait_dma2 semaphore(%arg7 : memref<!tpu.dma_semaphore, #tpu.memory_space<semaphore_mem>>) src(%dma_wait3A_497 : memref<1x300xf32, #tpu.memory_space<hbm>>) dst(%dma_wait3A_495 : memref<1x300xf32, #tpu.memory_space<vmem>>)
    %dma_wait3A_498 = arith.constant 11 : i32
    %dma_wait3A_499 = arith.constant 0 : i32
    %dma_wait3A_500 = tpu.memref_slice %arg6[%dma_wait3A_498, %dma_wait3A_499] : memref<32x300xf32, #tpu.memory_space<vmem>> -> memref<1x300xf32, #tpu.memory_space<vmem>>
    %dma_wait3A_501 = arith.constant 0 : i32
    %dma_wait3A_502 = tpu.memref_slice %arg2[%squeeze3A_135, %dma_wait3A_501] : memref<100000x300xf32, #tpu.memory_space<hbm>> -> memref<1x300xf32, #tpu.memory_space<hbm>>
    %dma_wait3A_503 = arith.constant 11 : i32
    %dma_wait3A_504 = arith.constant 0 : i32
    %dma_wait3A_505 = tpu.memref_slice %arg6[%dma_wait3A_503, %dma_wait3A_504] : memref<32x300xf32, #tpu.memory_space<vmem>> -> memref<1x300xf32, #tpu.memory_space<vmem>>
    %dma_wait3A_506 = arith.constant 0 : i32
    %dma_wait3A_507 = tpu.memref_slice %arg2[%squeeze3A_135, %dma_wait3A_506] : memref<100000x300xf32, #tpu.memory_space<hbm>> -> memref<1x300xf32, #tpu.memory_space<hbm>>
    tpu.wait_dma2 semaphore(%arg7 : memref<!tpu.dma_semaphore, #tpu.memory_space<semaphore_mem>>) src(%dma_wait3A_507 : memref<1x300xf32, #tpu.memory_space<hbm>>) dst(%dma_wait3A_505 : memref<1x300xf32, #tpu.memory_space<vmem>>)
    %dma_wait3A_508 = arith.constant 12 : i32
    %dma_wait3A_509 = arith.constant 0 : i32
    %dma_wait3A_510 = tpu.memref_slice %arg6[%dma_wait3A_508, %dma_wait3A_509] : memref<32x300xf32, #tpu.memory_space<vmem>> -> memref<1x300xf32, #tpu.memory_space<vmem>>
    %dma_wait3A_511 = arith.constant 0 : i32
    %dma_wait3A_512 = tpu.memref_slice %arg2[%squeeze3A_147, %dma_wait3A_511] : memref<100000x300xf32, #tpu.memory_space<hbm>> -> memref<1x300xf32, #tpu.memory_space<hbm>>
    %dma_wait3A_513 = arith.constant 12 : i32
    %dma_wait3A_514 = arith.constant 0 : i32
    %dma_wait3A_515 = tpu.memref_slice %arg6[%dma_wait3A_513, %dma_wait3A_514] : memref<32x300xf32, #tpu.memory_space<vmem>> -> memref<1x300xf32, #tpu.memory_space<vmem>>
    %dma_wait3A_516 = arith.constant 0 : i32
    %dma_wait3A_517 = tpu.memref_slice %arg2[%squeeze3A_147, %dma_wait3A_516] : memref<100000x300xf32, #tpu.memory_space<hbm>> -> memref<1x300xf32, #tpu.memory_space<hbm>>
    tpu.wait_dma2 semaphore(%arg7 : memref<!tpu.dma_semaphore, #tpu.memory_space<semaphore_mem>>) src(%dma_wait3A_517 : memref<1x300xf32, #tpu.memory_space<hbm>>) dst(%dma_wait3A_515 : memref<1x300xf32, #tpu.memory_space<vmem>>)
    %dma_wait3A_518 = arith.constant 13 : i32
    %dma_wait3A_519 = arith.constant 0 : i32
    %dma_wait3A_520 = tpu.memref_slice %arg6[%dma_wait3A_518, %dma_wait3A_519] : memref<32x300xf32, #tpu.memory_space<vmem>> -> memref<1x300xf32, #tpu.memory_space<vmem>>
    %dma_wait3A_521 = arith.constant 0 : i32
    %dma_wait3A_522 = tpu.memref_slice %arg2[%squeeze3A_159, %dma_wait3A_521] : memref<100000x300xf32, #tpu.memory_space<hbm>> -> memref<1x300xf32, #tpu.memory_space<hbm>>
    %dma_wait3A_523 = arith.constant 13 : i32
    %dma_wait3A_524 = arith.constant 0 : i32
    %dma_wait3A_525 = tpu.memref_slice %arg6[%dma_wait3A_523, %dma_wait3A_524] : memref<32x300xf32, #tpu.memory_space<vmem>> -> memref<1x300xf32, #tpu.memory_space<vmem>>
    %dma_wait3A_526 = arith.constant 0 : i32
    %dma_wait3A_527 = tpu.memref_slice %arg2[%squeeze3A_159, %dma_wait3A_526] : memref<100000x300xf32, #tpu.memory_space<hbm>> -> memref<1x300xf32, #tpu.memory_space<hbm>>
    tpu.wait_dma2 semaphore(%arg7 : memref<!tpu.dma_semaphore, #tpu.memory_space<semaphore_mem>>) src(%dma_wait3A_527 : memref<1x300xf32, #tpu.memory_space<hbm>>) dst(%dma_wait3A_525 : memref<1x300xf32, #tpu.memory_space<vmem>>)
    %dma_wait3A_528 = arith.constant 14 : i32
    %dma_wait3A_529 = arith.constant 0 : i32
    %dma_wait3A_530 = tpu.memref_slice %arg6[%dma_wait3A_528, %dma_wait3A_529] : memref<32x300xf32, #tpu.memory_space<vmem>> -> memref<1x300xf32, #tpu.memory_space<vmem>>
    %dma_wait3A_531 = arith.constant 0 : i32
    %dma_wait3A_532 = tpu.memref_slice %arg2[%squeeze3A_171, %dma_wait3A_531] : memref<100000x300xf32, #tpu.memory_space<hbm>> -> memref<1x300xf32, #tpu.memory_space<hbm>>
    %dma_wait3A_533 = arith.constant 14 : i32
    %dma_wait3A_534 = arith.constant 0 : i32
    %dma_wait3A_535 = tpu.memref_slice %arg6[%dma_wait3A_533, %dma_wait3A_534] : memref<32x300xf32, #tpu.memory_space<vmem>> -> memref<1x300xf32, #tpu.memory_space<vmem>>
    %dma_wait3A_536 = arith.constant 0 : i32
    %dma_wait3A_537 = tpu.memref_slice %arg2[%squeeze3A_171, %dma_wait3A_536] : memref<100000x300xf32, #tpu.memory_space<hbm>> -> memref<1x300xf32, #tpu.memory_space<hbm>>
    tpu.wait_dma2 semaphore(%arg7 : memref<!tpu.dma_semaphore, #tpu.memory_space<semaphore_mem>>) src(%dma_wait3A_537 : memref<1x300xf32, #tpu.memory_space<hbm>>) dst(%dma_wait3A_535 : memref<1x300xf32, #tpu.memory_space<vmem>>)
    %dma_wait3A_538 = arith.constant 15 : i32
    %dma_wait3A_539 = arith.constant 0 : i32
    %dma_wait3A_540 = tpu.memref_slice %arg6[%dma_wait3A_538, %dma_wait3A_539] : memref<32x300xf32, #tpu.memory_space<vmem>> -> memref<1x300xf32, #tpu.memory_space<vmem>>
    %dma_wait3A_541 = arith.constant 0 : i32
    %dma_wait3A_542 = tpu.memref_slice %arg2[%squeeze3A_183, %dma_wait3A_541] : memref<100000x300xf32, #tpu.memory_space<hbm>> -> memref<1x300xf32, #tpu.memory_space<hbm>>
    %dma_wait3A_543 = arith.constant 15 : i32
    %dma_wait3A_544 = arith.constant 0 : i32
    %dma_wait3A_545 = tpu.memref_slice %arg6[%dma_wait3A_543, %dma_wait3A_544] : memref<32x300xf32, #tpu.memory_space<vmem>> -> memref<1x300xf32, #tpu.memory_space<vmem>>
    %dma_wait3A_546 = arith.constant 0 : i32
    %dma_wait3A_547 = tpu.memref_slice %arg2[%squeeze3A_183, %dma_wait3A_546] : memref<100000x300xf32, #tpu.memory_space<hbm>> -> memref<1x300xf32, #tpu.memory_space<hbm>>
    tpu.wait_dma2 semaphore(%arg7 : memref<!tpu.dma_semaphore, #tpu.memory_space<semaphore_mem>>) src(%dma_wait3A_547 : memref<1x300xf32, #tpu.memory_space<hbm>>) dst(%dma_wait3A_545 : memref<1x300xf32, #tpu.memory_space<vmem>>)
    %dma_wait3A_548 = arith.constant 16 : i32
    %dma_wait3A_549 = arith.constant 0 : i32
    %dma_wait3A_550 = tpu.memref_slice %arg6[%dma_wait3A_548, %dma_wait3A_549] : memref<32x300xf32, #tpu.memory_space<vmem>> -> memref<1x300xf32, #tpu.memory_space<vmem>>
    %dma_wait3A_551 = arith.constant 0 : i32
    %dma_wait3A_552 = tpu.memref_slice %arg2[%squeeze3A_198, %dma_wait3A_551] : memref<100000x300xf32, #tpu.memory_space<hbm>> -> memref<1x300xf32, #tpu.memory_space<hbm>>
    %dma_wait3A_553 = arith.constant 16 : i32
    %dma_wait3A_554 = arith.constant 0 : i32
    %dma_wait3A_555 = tpu.memref_slice %arg6[%dma_wait3A_553, %dma_wait3A_554] : memref<32x300xf32, #tpu.memory_space<vmem>> -> memref<1x300xf32, #tpu.memory_space<vmem>>
    %dma_wait3A_556 = arith.constant 0 : i32
    %dma_wait3A_557 = tpu.memref_slice %arg2[%squeeze3A_198, %dma_wait3A_556] : memref<100000x300xf32, #tpu.memory_space<hbm>> -> memref<1x300xf32, #tpu.memory_space<hbm>>
    tpu.wait_dma2 semaphore(%arg7 : memref<!tpu.dma_semaphore, #tpu.memory_space<semaphore_mem>>) src(%dma_wait3A_557 : memref<1x300xf32, #tpu.memory_space<hbm>>) dst(%dma_wait3A_555 : memref<1x300xf32, #tpu.memory_space<vmem>>)
    %dma_wait3A_558 = arith.constant 17 : i32
    %dma_wait3A_559 = arith.constant 0 : i32
    %dma_wait3A_560 = tpu.memref_slice %arg6[%dma_wait3A_558, %dma_wait3A_559] : memref<32x300xf32, #tpu.memory_space<vmem>> -> memref<1x300xf32, #tpu.memory_space<vmem>>
    %dma_wait3A_561 = arith.constant 0 : i32
    %dma_wait3A_562 = tpu.memref_slice %arg2[%squeeze3A_210, %dma_wait3A_561] : memref<100000x300xf32, #tpu.memory_space<hbm>> -> memref<1x300xf32, #tpu.memory_space<hbm>>
    %dma_wait3A_563 = arith.constant 17 : i32
    %dma_wait3A_564 = arith.constant 0 : i32
    %dma_wait3A_565 = tpu.memref_slice %arg6[%dma_wait3A_563, %dma_wait3A_564] : memref<32x300xf32, #tpu.memory_space<vmem>> -> memref<1x300xf32, #tpu.memory_space<vmem>>
    %dma_wait3A_566 = arith.constant 0 : i32
    %dma_wait3A_567 = tpu.memref_slice %arg2[%squeeze3A_210, %dma_wait3A_566] : memref<100000x300xf32, #tpu.memory_space<hbm>> -> memref<1x300xf32, #tpu.memory_space<hbm>>
    tpu.wait_dma2 semaphore(%arg7 : memref<!tpu.dma_semaphore, #tpu.memory_space<semaphore_mem>>) src(%dma_wait3A_567 : memref<1x300xf32, #tpu.memory_space<hbm>>) dst(%dma_wait3A_565 : memref<1x300xf32, #tpu.memory_space<vmem>>)
    %dma_wait3A_568 = arith.constant 18 : i32
    %dma_wait3A_569 = arith.constant 0 : i32
    %dma_wait3A_570 = tpu.memref_slice %arg6[%dma_wait3A_568, %dma_wait3A_569] : memref<32x300xf32, #tpu.memory_space<vmem>> -> memref<1x300xf32, #tpu.memory_space<vmem>>
    %dma_wait3A_571 = arith.constant 0 : i32
    %dma_wait3A_572 = tpu.memref_slice %arg2[%squeeze3A_222, %dma_wait3A_571] : memref<100000x300xf32, #tpu.memory_space<hbm>> -> memref<1x300xf32, #tpu.memory_space<hbm>>
    %dma_wait3A_573 = arith.constant 18 : i32
    %dma_wait3A_574 = arith.constant 0 : i32
    %dma_wait3A_575 = tpu.memref_slice %arg6[%dma_wait3A_573, %dma_wait3A_574] : memref<32x300xf32, #tpu.memory_space<vmem>> -> memref<1x300xf32, #tpu.memory_space<vmem>>
    %dma_wait3A_576 = arith.constant 0 : i32
    %dma_wait3A_577 = tpu.memref_slice %arg2[%squeeze3A_222, %dma_wait3A_576] : memref<100000x300xf32, #tpu.memory_space<hbm>> -> memref<1x300xf32, #tpu.memory_space<hbm>>
    tpu.wait_dma2 semaphore(%arg7 : memref<!tpu.dma_semaphore, #tpu.memory_space<semaphore_mem>>) src(%dma_wait3A_577 : memref<1x300xf32, #tpu.memory_space<hbm>>) dst(%dma_wait3A_575 : memref<1x300xf32, #tpu.memory_space<vmem>>)
    %dma_wait3A_578 = arith.constant 19 : i32
    %dma_wait3A_579 = arith.constant 0 : i32
    %dma_wait3A_580 = tpu.memref_slice %arg6[%dma_wait3A_578, %dma_wait3A_579] : memref<32x300xf32, #tpu.memory_space<vmem>> -> memref<1x300xf32, #tpu.memory_space<vmem>>
    %dma_wait3A_581 = arith.constant 0 : i32
    %dma_wait3A_582 = tpu.memref_slice %arg2[%squeeze3A_234, %dma_wait3A_581] : memref<100000x300xf32, #tpu.memory_space<hbm>> -> memref<1x300xf32, #tpu.memory_space<hbm>>
    %dma_wait3A_583 = arith.constant 19 : i32
    %dma_wait3A_584 = arith.constant 0 : i32
    %dma_wait3A_585 = tpu.memref_slice %arg6[%dma_wait3A_583, %dma_wait3A_584] : memref<32x300xf32, #tpu.memory_space<vmem>> -> memref<1x300xf32, #tpu.memory_space<vmem>>
    %dma_wait3A_586 = arith.constant 0 : i32
    %dma_wait3A_587 = tpu.memref_slice %arg2[%squeeze3A_234, %dma_wait3A_586] : memref<100000x300xf32, #tpu.memory_space<hbm>> -> memref<1x300xf32, #tpu.memory_space<hbm>>
    tpu.wait_dma2 semaphore(%arg7 : memref<!tpu.dma_semaphore, #tpu.memory_space<semaphore_mem>>) src(%dma_wait3A_587 : memref<1x300xf32, #tpu.memory_space<hbm>>) dst(%dma_wait3A_585 : memref<1x300xf32, #tpu.memory_space<vmem>>)
    %dma_wait3A_588 = arith.constant 20 : i32
    %dma_wait3A_589 = arith.constant 0 : i32
    %dma_wait3A_590 = tpu.memref_slice %arg6[%dma_wait3A_588, %dma_wait3A_589] : memref<32x300xf32, #tpu.memory_space<vmem>> -> memref<1x300xf32, #tpu.memory_space<vmem>>
    %dma_wait3A_591 = arith.constant 0 : i32
    %dma_wait3A_592 = tpu.memref_slice %arg2[%squeeze3A_246, %dma_wait3A_591] : memref<100000x300xf32, #tpu.memory_space<hbm>> -> memref<1x300xf32, #tpu.memory_space<hbm>>
    %dma_wait3A_593 = arith.constant 20 : i32
    %dma_wait3A_594 = arith.constant 0 : i32
    %dma_wait3A_595 = tpu.memref_slice %arg6[%dma_wait3A_593, %dma_wait3A_594] : memref<32x300xf32, #tpu.memory_space<vmem>> -> memref<1x300xf32, #tpu.memory_space<vmem>>
    %dma_wait3A_596 = arith.constant 0 : i32
    %dma_wait3A_597 = tpu.memref_slice %arg2[%squeeze3A_246, %dma_wait3A_596] : memref<100000x300xf32, #tpu.memory_space<hbm>> -> memref<1x300xf32, #tpu.memory_space<hbm>>
    tpu.wait_dma2 semaphore(%arg7 : memref<!tpu.dma_semaphore, #tpu.memory_space<semaphore_mem>>) src(%dma_wait3A_597 : memref<1x300xf32, #tpu.memory_space<hbm>>) dst(%dma_wait3A_595 : memref<1x300xf32, #tpu.memory_space<vmem>>)
    %dma_wait3A_598 = arith.constant 21 : i32
    %dma_wait3A_599 = arith.constant 0 : i32
    %dma_wait3A_600 = tpu.memref_slice %arg6[%dma_wait3A_598, %dma_wait3A_599] : memref<32x300xf32, #tpu.memory_space<vmem>> -> memref<1x300xf32, #tpu.memory_space<vmem>>
    %dma_wait3A_601 = arith.constant 0 : i32
    %dma_wait3A_602 = tpu.memref_slice %arg2[%squeeze3A_258, %dma_wait3A_601] : memref<100000x300xf32, #tpu.memory_space<hbm>> -> memref<1x300xf32, #tpu.memory_space<hbm>>
    %dma_wait3A_603 = arith.constant 21 : i32
    %dma_wait3A_604 = arith.constant 0 : i32
    %dma_wait3A_605 = tpu.memref_slice %arg6[%dma_wait3A_603, %dma_wait3A_604] : memref<32x300xf32, #tpu.memory_space<vmem>> -> memref<1x300xf32, #tpu.memory_space<vmem>>
    %dma_wait3A_606 = arith.constant 0 : i32
    %dma_wait3A_607 = tpu.memref_slice %arg2[%squeeze3A_258, %dma_wait3A_606] : memref<100000x300xf32, #tpu.memory_space<hbm>> -> memref<1x300xf32, #tpu.memory_space<hbm>>
    tpu.wait_dma2 semaphore(%arg7 : memref<!tpu.dma_semaphore, #tpu.memory_space<semaphore_mem>>) src(%dma_wait3A_607 : memref<1x300xf32, #tpu.memory_space<hbm>>) dst(%dma_wait3A_605 : memref<1x300xf32, #tpu.memory_space<vmem>>)
    %dma_wait3A_608 = arith.constant 22 : i32
    %dma_wait3A_609 = arith.constant 0 : i32
    %dma_wait3A_610 = tpu.memref_slice %arg6[%dma_wait3A_608, %dma_wait3A_609] : memref<32x300xf32, #tpu.memory_space<vmem>> -> memref<1x300xf32, #tpu.memory_space<vmem>>
    %dma_wait3A_611 = arith.constant 0 : i32
    %dma_wait3A_612 = tpu.memref_slice %arg2[%squeeze3A_270, %dma_wait3A_611] : memref<100000x300xf32, #tpu.memory_space<hbm>> -> memref<1x300xf32, #tpu.memory_space<hbm>>
    %dma_wait3A_613 = arith.constant 22 : i32
    %dma_wait3A_614 = arith.constant 0 : i32
    %dma_wait3A_615 = tpu.memref_slice %arg6[%dma_wait3A_613, %dma_wait3A_614] : memref<32x300xf32, #tpu.memory_space<vmem>> -> memref<1x300xf32, #tpu.memory_space<vmem>>
    %dma_wait3A_616 = arith.constant 0 : i32
    %dma_wait3A_617 = tpu.memref_slice %arg2[%squeeze3A_270, %dma_wait3A_616] : memref<100000x300xf32, #tpu.memory_space<hbm>> -> memref<1x300xf32, #tpu.memory_space<hbm>>
    tpu.wait_dma2 semaphore(%arg7 : memref<!tpu.dma_semaphore, #tpu.memory_space<semaphore_mem>>) src(%dma_wait3A_617 : memref<1x300xf32, #tpu.memory_space<hbm>>) dst(%dma_wait3A_615 : memref<1x300xf32, #tpu.memory_space<vmem>>)
    %dma_wait3A_618 = arith.constant 23 : i32
    %dma_wait3A_619 = arith.constant 0 : i32
    %dma_wait3A_620 = tpu.memref_slice %arg6[%dma_wait3A_618, %dma_wait3A_619] : memref<32x300xf32, #tpu.memory_space<vmem>> -> memref<1x300xf32, #tpu.memory_space<vmem>>
    %dma_wait3A_621 = arith.constant 0 : i32
    %dma_wait3A_622 = tpu.memref_slice %arg2[%squeeze3A_282, %dma_wait3A_621] : memref<100000x300xf32, #tpu.memory_space<hbm>> -> memref<1x300xf32, #tpu.memory_space<hbm>>
    %dma_wait3A_623 = arith.constant 23 : i32
    %dma_wait3A_624 = arith.constant 0 : i32
    %dma_wait3A_625 = tpu.memref_slice %arg6[%dma_wait3A_623, %dma_wait3A_624] : memref<32x300xf32, #tpu.memory_space<vmem>> -> memref<1x300xf32, #tpu.memory_space<vmem>>
    %dma_wait3A_626 = arith.constant 0 : i32
    %dma_wait3A_627 = tpu.memref_slice %arg2[%squeeze3A_282, %dma_wait3A_626] : memref<100000x300xf32, #tpu.memory_space<hbm>> -> memref<1x300xf32, #tpu.memory_space<hbm>>
    tpu.wait_dma2 semaphore(%arg7 : memref<!tpu.dma_semaphore, #tpu.memory_space<semaphore_mem>>) src(%dma_wait3A_627 : memref<1x300xf32, #tpu.memory_space<hbm>>) dst(%dma_wait3A_625 : memref<1x300xf32, #tpu.memory_space<vmem>>)
    %dma_wait3A_628 = arith.constant 24 : i32
    %dma_wait3A_629 = arith.constant 0 : i32
    %dma_wait3A_630 = tpu.memref_slice %arg6[%dma_wait3A_628, %dma_wait3A_629] : memref<32x300xf32, #tpu.memory_space<vmem>> -> memref<1x300xf32, #tpu.memory_space<vmem>>
    %dma_wait3A_631 = arith.constant 0 : i32
    %dma_wait3A_632 = tpu.memref_slice %arg2[%squeeze3A_294, %dma_wait3A_631] : memref<100000x300xf32, #tpu.memory_space<hbm>> -> memref<1x300xf32, #tpu.memory_space<hbm>>
    %dma_wait3A_633 = arith.constant 24 : i32
    %dma_wait3A_634 = arith.constant 0 : i32
    %dma_wait3A_635 = tpu.memref_slice %arg6[%dma_wait3A_633, %dma_wait3A_634] : memref<32x300xf32, #tpu.memory_space<vmem>> -> memref<1x300xf32, #tpu.memory_space<vmem>>
    %dma_wait3A_636 = arith.constant 0 : i32
    %dma_wait3A_637 = tpu.memref_slice %arg2[%squeeze3A_294, %dma_wait3A_636] : memref<100000x300xf32, #tpu.memory_space<hbm>> -> memref<1x300xf32, #tpu.memory_space<hbm>>
    tpu.wait_dma2 semaphore(%arg7 : memref<!tpu.dma_semaphore, #tpu.memory_space<semaphore_mem>>) src(%dma_wait3A_637 : memref<1x300xf32, #tpu.memory_space<hbm>>) dst(%dma_wait3A_635 : memref<1x300xf32, #tpu.memory_space<vmem>>)
    %dma_wait3A_638 = arith.constant 25 : i32
    %dma_wait3A_639 = arith.constant 0 : i32
    %dma_wait3A_640 = tpu.memref_slice %arg6[%dma_wait3A_638, %dma_wait3A_639] : memref<32x300xf32, #tpu.memory_space<vmem>> -> memref<1x300xf32, #tpu.memory_space<vmem>>
    %dma_wait3A_641 = arith.constant 0 : i32
    %dma_wait3A_642 = tpu.memref_slice %arg2[%squeeze3A_306, %dma_wait3A_641] : memref<100000x300xf32, #tpu.memory_space<hbm>> -> memref<1x300xf32, #tpu.memory_space<hbm>>
    %dma_wait3A_643 = arith.constant 25 : i32
    %dma_wait3A_644 = arith.constant 0 : i32
    %dma_wait3A_645 = tpu.memref_slice %arg6[%dma_wait3A_643, %dma_wait3A_644] : memref<32x300xf32, #tpu.memory_space<vmem>> -> memref<1x300xf32, #tpu.memory_space<vmem>>
    %dma_wait3A_646 = arith.constant 0 : i32
    %dma_wait3A_647 = tpu.memref_slice %arg2[%squeeze3A_306, %dma_wait3A_646] : memref<100000x300xf32, #tpu.memory_space<hbm>> -> memref<1x300xf32, #tpu.memory_space<hbm>>
    tpu.wait_dma2 semaphore(%arg7 : memref<!tpu.dma_semaphore, #tpu.memory_space<semaphore_mem>>) src(%dma_wait3A_647 : memref<1x300xf32, #tpu.memory_space<hbm>>) dst(%dma_wait3A_645 : memref<1x300xf32, #tpu.memory_space<vmem>>)
    %dma_wait3A_648 = arith.constant 26 : i32
    %dma_wait3A_649 = arith.constant 0 : i32
    %dma_wait3A_650 = tpu.memref_slice %arg6[%dma_wait3A_648, %dma_wait3A_649] : memref<32x300xf32, #tpu.memory_space<vmem>> -> memref<1x300xf32, #tpu.memory_space<vmem>>
    %dma_wait3A_651 = arith.constant 0 : i32
    %dma_wait3A_652 = tpu.memref_slice %arg2[%squeeze3A_318, %dma_wait3A_651] : memref<100000x300xf32, #tpu.memory_space<hbm>> -> memref<1x300xf32, #tpu.memory_space<hbm>>
    %dma_wait3A_653 = arith.constant 26 : i32
    %dma_wait3A_654 = arith.constant 0 : i32
    %dma_wait3A_655 = tpu.memref_slice %arg6[%dma_wait3A_653, %dma_wait3A_654] : memref<32x300xf32, #tpu.memory_space<vmem>> -> memref<1x300xf32, #tpu.memory_space<vmem>>
    %dma_wait3A_656 = arith.constant 0 : i32
    %dma_wait3A_657 = tpu.memref_slice %arg2[%squeeze3A_318, %dma_wait3A_656] : memref<100000x300xf32, #tpu.memory_space<hbm>> -> memref<1x300xf32, #tpu.memory_space<hbm>>
    tpu.wait_dma2 semaphore(%arg7 : memref<!tpu.dma_semaphore, #tpu.memory_space<semaphore_mem>>) src(%dma_wait3A_657 : memref<1x300xf32, #tpu.memory_space<hbm>>) dst(%dma_wait3A_655 : memref<1x300xf32, #tpu.memory_space<vmem>>)
    %dma_wait3A_658 = arith.constant 27 : i32
    %dma_wait3A_659 = arith.constant 0 : i32
    %dma_wait3A_660 = tpu.memref_slice %arg6[%dma_wait3A_658, %dma_wait3A_659] : memref<32x300xf32, #tpu.memory_space<vmem>> -> memref<1x300xf32, #tpu.memory_space<vmem>>
    %dma_wait3A_661 = arith.constant 0 : i32
    %dma_wait3A_662 = tpu.memref_slice %arg2[%squeeze3A_330, %dma_wait3A_661] : memref<100000x300xf32, #tpu.memory_space<hbm>> -> memref<1x300xf32, #tpu.memory_space<hbm>>
    %dma_wait3A_663 = arith.constant 27 : i32
    %dma_wait3A_664 = arith.constant 0 : i32
    %dma_wait3A_665 = tpu.memref_slice %arg6[%dma_wait3A_663, %dma_wait3A_664] : memref<32x300xf32, #tpu.memory_space<vmem>> -> memref<1x300xf32, #tpu.memory_space<vmem>>
    %dma_wait3A_666 = arith.constant 0 : i32
    %dma_wait3A_667 = tpu.memref_slice %arg2[%squeeze3A_330, %dma_wait3A_666] : memref<100000x300xf32, #tpu.memory_space<hbm>> -> memref<1x300xf32, #tpu.memory_space<hbm>>
    tpu.wait_dma2 semaphore(%arg7 : memref<!tpu.dma_semaphore, #tpu.memory_space<semaphore_mem>>) src(%dma_wait3A_667 : memref<1x300xf32, #tpu.memory_space<hbm>>) dst(%dma_wait3A_665 : memref<1x300xf32, #tpu.memory_space<vmem>>)
    %dma_wait3A_668 = arith.constant 28 : i32
    %dma_wait3A_669 = arith.constant 0 : i32
    %dma_wait3A_670 = tpu.memref_slice %arg6[%dma_wait3A_668, %dma_wait3A_669] : memref<32x300xf32, #tpu.memory_space<vmem>> -> memref<1x300xf32, #tpu.memory_space<vmem>>
    %dma_wait3A_671 = arith.constant 0 : i32
    %dma_wait3A_672 = tpu.memref_slice %arg2[%squeeze3A_342, %dma_wait3A_671] : memref<100000x300xf32, #tpu.memory_space<hbm>> -> memref<1x300xf32, #tpu.memory_space<hbm>>
    %dma_wait3A_673 = arith.constant 28 : i32
    %dma_wait3A_674 = arith.constant 0 : i32
    %dma_wait3A_675 = tpu.memref_slice %arg6[%dma_wait3A_673, %dma_wait3A_674] : memref<32x300xf32, #tpu.memory_space<vmem>> -> memref<1x300xf32, #tpu.memory_space<vmem>>
    %dma_wait3A_676 = arith.constant 0 : i32
    %dma_wait3A_677 = tpu.memref_slice %arg2[%squeeze3A_342, %dma_wait3A_676] : memref<100000x300xf32, #tpu.memory_space<hbm>> -> memref<1x300xf32, #tpu.memory_space<hbm>>
    tpu.wait_dma2 semaphore(%arg7 : memref<!tpu.dma_semaphore, #tpu.memory_space<semaphore_mem>>) src(%dma_wait3A_677 : memref<1x300xf32, #tpu.memory_space<hbm>>) dst(%dma_wait3A_675 : memref<1x300xf32, #tpu.memory_space<vmem>>)
    %dma_wait3A_678 = arith.constant 29 : i32
    %dma_wait3A_679 = arith.constant 0 : i32
    %dma_wait3A_680 = tpu.memref_slice %arg6[%dma_wait3A_678, %dma_wait3A_679] : memref<32x300xf32, #tpu.memory_space<vmem>> -> memref<1x300xf32, #tpu.memory_space<vmem>>
    %dma_wait3A_681 = arith.constant 0 : i32
    %dma_wait3A_682 = tpu.memref_slice %arg2[%squeeze3A_354, %dma_wait3A_681] : memref<100000x300xf32, #tpu.memory_space<hbm>> -> memref<1x300xf32, #tpu.memory_space<hbm>>
    %dma_wait3A_683 = arith.constant 29 : i32
    %dma_wait3A_684 = arith.constant 0 : i32
    %dma_wait3A_685 = tpu.memref_slice %arg6[%dma_wait3A_683, %dma_wait3A_684] : memref<32x300xf32, #tpu.memory_space<vmem>> -> memref<1x300xf32, #tpu.memory_space<vmem>>
    %dma_wait3A_686 = arith.constant 0 : i32
    %dma_wait3A_687 = tpu.memref_slice %arg2[%squeeze3A_354, %dma_wait3A_686] : memref<100000x300xf32, #tpu.memory_space<hbm>> -> memref<1x300xf32, #tpu.memory_space<hbm>>
    tpu.wait_dma2 semaphore(%arg7 : memref<!tpu.dma_semaphore, #tpu.memory_space<semaphore_mem>>) src(%dma_wait3A_687 : memref<1x300xf32, #tpu.memory_space<hbm>>) dst(%dma_wait3A_685 : memref<1x300xf32, #tpu.memory_space<vmem>>)
    %dma_wait3A_688 = arith.constant 30 : i32
    %dma_wait3A_689 = arith.constant 0 : i32
    %dma_wait3A_690 = tpu.memref_slice %arg6[%dma_wait3A_688, %dma_wait3A_689] : memref<32x300xf32, #tpu.memory_space<vmem>> -> memref<1x300xf32, #tpu.memory_space<vmem>>
    %dma_wait3A_691 = arith.constant 0 : i32
    %dma_wait3A_692 = tpu.memref_slice %arg2[%squeeze3A_366, %dma_wait3A_691] : memref<100000x300xf32, #tpu.memory_space<hbm>> -> memref<1x300xf32, #tpu.memory_space<hbm>>
    %dma_wait3A_693 = arith.constant 30 : i32
    %dma_wait3A_694 = arith.constant 0 : i32
    %dma_wait3A_695 = tpu.memref_slice %arg6[%dma_wait3A_693, %dma_wait3A_694] : memref<32x300xf32, #tpu.memory_space<vmem>> -> memref<1x300xf32, #tpu.memory_space<vmem>>
    %dma_wait3A_696 = arith.constant 0 : i32
    %dma_wait3A_697 = tpu.memref_slice %arg2[%squeeze3A_366, %dma_wait3A_696] : memref<100000x300xf32, #tpu.memory_space<hbm>> -> memref<1x300xf32, #tpu.memory_space<hbm>>
    tpu.wait_dma2 semaphore(%arg7 : memref<!tpu.dma_semaphore, #tpu.memory_space<semaphore_mem>>) src(%dma_wait3A_697 : memref<1x300xf32, #tpu.memory_space<hbm>>) dst(%dma_wait3A_695 : memref<1x300xf32, #tpu.memory_space<vmem>>)
    %dma_wait3A_698 = arith.constant 31 : i32
    %dma_wait3A_699 = arith.constant 0 : i32
    %dma_wait3A_700 = tpu.memref_slice %arg6[%dma_wait3A_698, %dma_wait3A_699] : memref<32x300xf32, #tpu.memory_space<vmem>> -> memref<1x300xf32, #tpu.memory_space<vmem>>
    %dma_wait3A_701 = arith.constant 0 : i32
    %dma_wait3A_702 = tpu.memref_slice %arg2[%squeeze3A_378, %dma_wait3A_701] : memref<100000x300xf32, #tpu.memory_space<hbm>> -> memref<1x300xf32, #tpu.memory_space<hbm>>
    %dma_wait3A_703 = arith.constant 31 : i32
    %dma_wait3A_704 = arith.constant 0 : i32
    %dma_wait3A_705 = tpu.memref_slice %arg6[%dma_wait3A_703, %dma_wait3A_704] : memref<32x300xf32, #tpu.memory_space<vmem>> -> memref<1x300xf32, #tpu.memory_space<vmem>>
    %dma_wait3A_706 = arith.constant 0 : i32
    %dma_wait3A_707 = tpu.memref_slice %arg2[%squeeze3A_378, %dma_wait3A_706] : memref<100000x300xf32, #tpu.memory_space<hbm>> -> memref<1x300xf32, #tpu.memory_space<hbm>>
    tpu.wait_dma2 semaphore(%arg7 : memref<!tpu.dma_semaphore, #tpu.memory_space<semaphore_mem>>) src(%dma_wait3A_707 : memref<1x300xf32, #tpu.memory_space<hbm>>) dst(%dma_wait3A_705 : memref<1x300xf32, #tpu.memory_space<vmem>>)
    "tpu.region"() ({
      %run_scoped3A = tpu.sem_alloc : memref<!tpu.dma_semaphore, #tpu.memory_space<semaphore_mem>>
      %dma_start3A_708 = arith.constant 0 : i32
      %dma_start3A_709 = tpu.memref_slice %arg4[%mul3A_2, %dma_start3A_708] : memref<1024x300xf32, #tpu.memory_space<hbm>> -> memref<32x300xf32, #tpu.memory_space<hbm>>
      %dma_start3A_710 = arith.constant 0 : i32
      %dma_start3A_711 = tpu.memref_slice %arg4[%mul3A_2, %dma_start3A_710] : memref<1024x300xf32, #tpu.memory_space<hbm>> -> memref<32x300xf32, #tpu.memory_space<hbm>>
      tpu.enqueue_dma source(%arg6 : memref<32x300xf32, #tpu.memory_space<vmem>>) target(%dma_start3A_711 : memref<32x300xf32, #tpu.memory_space<hbm>>) target_semaphore(%run_scoped3A : memref<!tpu.dma_semaphore, #tpu.memory_space<semaphore_mem>>)
      %dma_wait3A_712 = arith.constant 0 : i32
      %dma_wait3A_713 = tpu.memref_slice %arg4[%mul3A_2, %dma_wait3A_712] : memref<1024x300xf32, #tpu.memory_space<hbm>> -> memref<32x300xf32, #tpu.memory_space<hbm>>
      %dma_wait3A_714 = arith.constant 0 : i32
      %dma_wait3A_715 = tpu.memref_slice %arg4[%mul3A_2, %dma_wait3A_714] : memref<1024x300xf32, #tpu.memory_space<hbm>> -> memref<32x300xf32, #tpu.memory_space<hbm>>
      tpu.wait_dma2 semaphore(%run_scoped3A : memref<!tpu.dma_semaphore, #tpu.memory_space<semaphore_mem>>) src(%arg6 : memref<32x300xf32, #tpu.memory_space<vmem>>) dst(%dma_wait3A_715 : memref<32x300xf32, #tpu.memory_space<hbm>>)
      tpu.yield
    }) : () -> ()
    return
  }
}

module attributes {stable_mosaic.version = 14 : i64} {
  func.func @_tc_body(%arg0: i32, %arg1: memref<1024x300xf32, #tpu.memory_space<vmem>>, %arg2: memref<1x300xf32, #tpu.memory_space<vmem>>, %arg3: memref<1x300xf32, #tpu.memory_space<vmem>>, %arg4: memref<2048x300xf32, #tpu.memory_space<vmem>>, %arg5: memref<32768x300xf32, #tpu.memory_space<any>>, %arg6: memref<1x1024xf32, #tpu.memory_space<vmem>>, %arg7: memref<16x2048xf32, #tpu.memory_space<vmem>>, %arg8: memref<16x300xf32, #tpu.memory_space<vmem>>, %arg9: memref<!tpu.dma_semaphore, #tpu.memory_space<semaphore_mem>>) attributes {dimension_semantics = [#tpu.dimension_semantics<arbitrary>], iteration_bounds = array<i64: 16>, scalar_prefetch = 0 : i64, scratch_operands = 3 : i64, tpu.core_type = #tpu.core_type<tc>, window_params = [{pipeline_mode = #tpu.pipeline_mode<synchronous>, transform_indices = @transform_0, window_bounds = array<i64: 1024, 300>}, {pipeline_mode = #tpu.pipeline_mode<synchronous>, transform_indices = @transform_1, window_bounds = array<i64: 1, 300>}, {pipeline_mode = #tpu.pipeline_mode<synchronous>, transform_indices = @transform_2, window_bounds = array<i64: 1, 300>}, {transform_indices = @transform_3, window_bounds = array<i64: 2048, 300>}, {}, {pipeline_mode = #tpu.pipeline_mode<synchronous>, transform_indices = @transform_5, window_bounds = array<i64: 1, 1024>}]} {
    %get3A = arith.constant 0 : index
    %get3A_0 = arith.constant 0 : index
    %get3A_1 = vector.load %arg1[%get3A, %get3A_0] : memref<1024x300xf32, #tpu.memory_space<vmem>>, vector<1024x300xf32>
    %get3A_2 = arith.constant 0 : index
    %get3A_3 = arith.constant 0 : index
    %get3A_4 = vector.load %arg2[%get3A_2, %get3A_3] : memref<1x300xf32, #tpu.memory_space<vmem>>, vector<1x300xf32>
    %mul3A = vector.broadcast %get3A_4 : vector<1x300xf32> to vector<1024x300xf32>
    %mul3A_5 = arith.mulf %get3A_1, %mul3A : vector<1024x300xf32>
    %get3A_6 = arith.constant 0 : index
    %get3A_7 = arith.constant 0 : index
    %get3A_8 = vector.load %arg4[%get3A_6, %get3A_7] : memref<2048x300xf32, #tpu.memory_space<vmem>>, vector<2048x300xf32>
    %dot_general3A = arith.constant dense<0.000000e+00> : vector<1024x2048xf32>
    %dot_general3A_9 = tpu.matmul %mul3A_5, %get3A_8, %dot_general3A {dimension_numbers = #tpu.dot_dimension_numbers<[1], [1], [0], [0], [0, 0, 1, 0], [], []>, transpose_lhs_hint = false} : vector<1024x300xf32>, vector<2048x300xf32>, vector<1024x2048xf32> -> vector<1024x2048xf32>
    %reduce_max3A = arith.constant dense<0xFF800000> : vector<2048xf32>
    %reduce_max3A_10 = vector.multi_reduction <maximumf>, %dot_general3A_9, %reduce_max3A [0] : vector<1024x2048xf32> to vector<2048xf32>
    %broadcast_in_dim3A = vector.shape_cast %reduce_max3A_10 : vector<2048xf32> to vector<1x2048xf32>
    %swap3A = arith.index_cast %arg0 : i32 to index
    %swap3A_11 = arith.constant 0 : index
    %swap3A_12 = vector.load %arg7[%swap3A, %swap3A_11] : memref<16x2048xf32, #tpu.memory_space<vmem>>, vector<1x2048xf32>
    tpu.vector_store %arg7[%swap3A, %swap3A_11], %broadcast_in_dim3A {strides = array<i32>} : memref<16x2048xf32, #tpu.memory_space<vmem>>, vector<1x2048xf32>,
    %eq3A = arith.constant 15 : i32
    %eq3A_13 = arith.cmpi eq, %arg0, %eq3A : i32
    %convert_element_type3A = arith.extui %eq3A_13 : i1 to i32
    %cond3A = arith.constant 0 : i32
    %cond3A_14 = arith.cmpi ne, %convert_element_type3A, %cond3A : i32
    scf.if %cond3A_14 {
      %get3A_15 = arith.constant 0 : index
      %get3A_16 = arith.constant 0 : index
      %get3A_17 = vector.load %arg7[%get3A_15, %get3A_16] : memref<16x2048xf32, #tpu.memory_space<vmem>>, vector<16x2048xf32>
      %iota3A = tpu.iota {dimensions = array<i32: 0>} : vector<16x2048xi32>
      %mul3A_18 = arith.constant 2048 : i32
      %mul3A_19 = vector.broadcast %mul3A_18 : i32 to vector<16x2048xi32>
      %mul3A_20 = arith.muli %iota3A, %mul3A_19 : vector<16x2048xi32>
      %iota3A_21 = tpu.iota {dimensions = array<i32: 1>} : vector<16x2048xi32>
      %add3A = arith.addi %mul3A_20, %iota3A_21 : vector<16x2048xi32>
      %reduce_max3A_22 = vector.shape_cast %get3A_17 : vector<16x2048xf32> to vector<1x16x2048xf32>
      %reduce_max3A_23 = arith.constant dense<0xFF800000> : vector<1xf32>
      %reduce_max3A_24 = vector.multi_reduction <maximumf>, %reduce_max3A_22, %reduce_max3A_23 [1, 2] : vector<1x16x2048xf32> to vector<1xf32>
      %reduce_max3A_25 = vector.shape_cast %reduce_max3A_24 : vector<1xf32> to vector<1x1x1xf32>
      %reduce_max3A_26 = vector.extract %reduce_max3A_25[0, 0, 0] : f32 from vector<1x1x1xf32>
      %eq3A_27 = vector.broadcast %reduce_max3A_26 : f32 to vector<16x2048xf32>
      %eq3A_28 = arith.cmpf oeq, %get3A_17, %eq3A_27 : vector<16x2048xf32>
      %jit3A = arith.constant 2147483647 : i32
      %broadcast_in_dim3A_29 = vector.broadcast %jit3A : i32 to vector<16x2048xi32>
      %select_n3A = arith.select %eq3A_28, %add3A, %broadcast_in_dim3A_29 : vector<16x2048xi1>, vector<16x2048xi32>
      %reduce_min3A = vector.shape_cast %select_n3A : vector<16x2048xi32> to vector<1x16x2048xi32>
      %reduce_min3A_30 = arith.constant dense<2147483647> : vector<1xi32>
      %reduce_min3A_31 = vector.multi_reduction <minsi>, %reduce_min3A, %reduce_min3A_30 [1, 2] : vector<1x16x2048xi32> to vector<1xi32>
      %reduce_min3A_32 = vector.shape_cast %reduce_min3A_31 : vector<1xi32> to vector<1x1x1xi32>
      %reduce_min3A_33 = vector.extract %reduce_min3A_32[0, 0, 0] : i32 from vector<1x1x1xi32>
      %eq3A_34 = vector.broadcast %reduce_min3A_33 : i32 to vector<16x2048xi32>
      %eq3A_35 = arith.cmpi eq, %add3A, %eq3A_34 : vector<16x2048xi32>
      %jit3A_36 = arith.constant 0xFF800000 : f32
      %broadcast_in_dim3A_37 = vector.broadcast %jit3A_36 : f32 to vector<16x2048xf32>
      %select_n3A_38 = arith.select %eq3A_35, %broadcast_in_dim3A_37, %get3A_17 : vector<16x2048xi1>, vector<16x2048xf32>
      %reduce_max3A_39 = vector.shape_cast %select_n3A_38 : vector<16x2048xf32> to vector<1x16x2048xf32>
      %reduce_max3A_40 = arith.constant dense<0xFF800000> : vector<1xf32>
      %reduce_max3A_41 = vector.multi_reduction <maximumf>, %reduce_max3A_39, %reduce_max3A_40 [1, 2] : vector<1x16x2048xf32> to vector<1xf32>
      %reduce_max3A_42 = vector.shape_cast %reduce_max3A_41 : vector<1xf32> to vector<1x1x1xf32>
      %reduce_max3A_43 = vector.extract %reduce_max3A_42[0, 0, 0] : f32 from vector<1x1x1xf32>
      %eq3A_44 = vector.broadcast %reduce_max3A_43 : f32 to vector<16x2048xf32>
      %eq3A_45 = arith.cmpf oeq, %select_n3A_38, %eq3A_44 : vector<16x2048xf32>
      %jit3A_46 = arith.constant 2147483647 : i32
      %broadcast_in_dim3A_47 = vector.broadcast %jit3A_46 : i32 to vector<16x2048xi32>
      %select_n3A_48 = arith.select %eq3A_45, %add3A, %broadcast_in_dim3A_47 : vector<16x2048xi1>, vector<16x2048xi32>
      %reduce_min3A_49 = vector.shape_cast %select_n3A_48 : vector<16x2048xi32> to vector<1x16x2048xi32>
      %reduce_min3A_50 = arith.constant dense<2147483647> : vector<1xi32>
      %reduce_min3A_51 = vector.multi_reduction <minsi>, %reduce_min3A_49, %reduce_min3A_50 [1, 2] : vector<1x16x2048xi32> to vector<1xi32>
      %reduce_min3A_52 = vector.shape_cast %reduce_min3A_51 : vector<1xi32> to vector<1x1x1xi32>
      %reduce_min3A_53 = vector.extract %reduce_min3A_52[0, 0, 0] : i32 from vector<1x1x1xi32>
      %eq3A_54 = vector.broadcast %reduce_min3A_53 : i32 to vector<16x2048xi32>
      %eq3A_55 = arith.cmpi eq, %add3A, %eq3A_54 : vector<16x2048xi32>
      %jit3A_56 = arith.constant 0xFF800000 : f32
      %broadcast_in_dim3A_57 = vector.broadcast %jit3A_56 : f32 to vector<16x2048xf32>
      %select_n3A_58 = arith.select %eq3A_55, %broadcast_in_dim3A_57, %select_n3A_38 : vector<16x2048xi1>, vector<16x2048xf32>
      %reduce_max3A_59 = vector.shape_cast %select_n3A_58 : vector<16x2048xf32> to vector<1x16x2048xf32>
      %reduce_max3A_60 = arith.constant dense<0xFF800000> : vector<1xf32>
      %reduce_max3A_61 = vector.multi_reduction <maximumf>, %reduce_max3A_59, %reduce_max3A_60 [1, 2] : vector<1x16x2048xf32> to vector<1xf32>
      %reduce_max3A_62 = vector.shape_cast %reduce_max3A_61 : vector<1xf32> to vector<1x1x1xf32>
      %reduce_max3A_63 = vector.extract %reduce_max3A_62[0, 0, 0] : f32 from vector<1x1x1xf32>
      %eq3A_64 = vector.broadcast %reduce_max3A_63 : f32 to vector<16x2048xf32>
      %eq3A_65 = arith.cmpf oeq, %select_n3A_58, %eq3A_64 : vector<16x2048xf32>
      %jit3A_66 = arith.constant 2147483647 : i32
      %broadcast_in_dim3A_67 = vector.broadcast %jit3A_66 : i32 to vector<16x2048xi32>
      %select_n3A_68 = arith.select %eq3A_65, %add3A, %broadcast_in_dim3A_67 : vector<16x2048xi1>, vector<16x2048xi32>
      %reduce_min3A_69 = vector.shape_cast %select_n3A_68 : vector<16x2048xi32> to vector<1x16x2048xi32>
      %reduce_min3A_70 = arith.constant dense<2147483647> : vector<1xi32>
      %reduce_min3A_71 = vector.multi_reduction <minsi>, %reduce_min3A_69, %reduce_min3A_70 [1, 2] : vector<1x16x2048xi32> to vector<1xi32>
      %reduce_min3A_72 = vector.shape_cast %reduce_min3A_71 : vector<1xi32> to vector<1x1x1xi32>
      %reduce_min3A_73 = vector.extract %reduce_min3A_72[0, 0, 0] : i32 from vector<1x1x1xi32>
      %eq3A_74 = vector.broadcast %reduce_min3A_73 : i32 to vector<16x2048xi32>
      %eq3A_75 = arith.cmpi eq, %add3A, %eq3A_74 : vector<16x2048xi32>
      %jit3A_76 = arith.constant 0xFF800000 : f32
      %broadcast_in_dim3A_77 = vector.broadcast %jit3A_76 : f32 to vector<16x2048xf32>
      %select_n3A_78 = arith.select %eq3A_75, %broadcast_in_dim3A_77, %select_n3A_58 : vector<16x2048xi1>, vector<16x2048xf32>
      %reduce_max3A_79 = vector.shape_cast %select_n3A_78 : vector<16x2048xf32> to vector<1x16x2048xf32>
      %reduce_max3A_80 = arith.constant dense<0xFF800000> : vector<1xf32>
      %reduce_max3A_81 = vector.multi_reduction <maximumf>, %reduce_max3A_79, %reduce_max3A_80 [1, 2] : vector<1x16x2048xf32> to vector<1xf32>
      %reduce_max3A_82 = vector.shape_cast %reduce_max3A_81 : vector<1xf32> to vector<1x1x1xf32>
      %reduce_max3A_83 = vector.extract %reduce_max3A_82[0, 0, 0] : f32 from vector<1x1x1xf32>
      %eq3A_84 = vector.broadcast %reduce_max3A_83 : f32 to vector<16x2048xf32>
      %eq3A_85 = arith.cmpf oeq, %select_n3A_78, %eq3A_84 : vector<16x2048xf32>
      %jit3A_86 = arith.constant 2147483647 : i32
      %broadcast_in_dim3A_87 = vector.broadcast %jit3A_86 : i32 to vector<16x2048xi32>
      %select_n3A_88 = arith.select %eq3A_85, %add3A, %broadcast_in_dim3A_87 : vector<16x2048xi1>, vector<16x2048xi32>
      %reduce_min3A_89 = vector.shape_cast %select_n3A_88 : vector<16x2048xi32> to vector<1x16x2048xi32>
      %reduce_min3A_90 = arith.constant dense<2147483647> : vector<1xi32>
      %reduce_min3A_91 = vector.multi_reduction <minsi>, %reduce_min3A_89, %reduce_min3A_90 [1, 2] : vector<1x16x2048xi32> to vector<1xi32>
      %reduce_min3A_92 = vector.shape_cast %reduce_min3A_91 : vector<1xi32> to vector<1x1x1xi32>
      %reduce_min3A_93 = vector.extract %reduce_min3A_92[0, 0, 0] : i32 from vector<1x1x1xi32>
      %eq3A_94 = vector.broadcast %reduce_min3A_93 : i32 to vector<16x2048xi32>
      %eq3A_95 = arith.cmpi eq, %add3A, %eq3A_94 : vector<16x2048xi32>
      %jit3A_96 = arith.constant 0xFF800000 : f32
      %broadcast_in_dim3A_97 = vector.broadcast %jit3A_96 : f32 to vector<16x2048xf32>
      %select_n3A_98 = arith.select %eq3A_95, %broadcast_in_dim3A_97, %select_n3A_78 : vector<16x2048xi1>, vector<16x2048xf32>
      %reduce_max3A_99 = vector.shape_cast %select_n3A_98 : vector<16x2048xf32> to vector<1x16x2048xf32>
      %reduce_max3A_100 = arith.constant dense<0xFF800000> : vector<1xf32>
      %reduce_max3A_101 = vector.multi_reduction <maximumf>, %reduce_max3A_99, %reduce_max3A_100 [1, 2] : vector<1x16x2048xf32> to vector<1xf32>
      %reduce_max3A_102 = vector.shape_cast %reduce_max3A_101 : vector<1xf32> to vector<1x1x1xf32>
      %reduce_max3A_103 = vector.extract %reduce_max3A_102[0, 0, 0] : f32 from vector<1x1x1xf32>
      %eq3A_104 = vector.broadcast %reduce_max3A_103 : f32 to vector<16x2048xf32>
      %eq3A_105 = arith.cmpf oeq, %select_n3A_98, %eq3A_104 : vector<16x2048xf32>
      %jit3A_106 = arith.constant 2147483647 : i32
      %broadcast_in_dim3A_107 = vector.broadcast %jit3A_106 : i32 to vector<16x2048xi32>
      %select_n3A_108 = arith.select %eq3A_105, %add3A, %broadcast_in_dim3A_107 : vector<16x2048xi1>, vector<16x2048xi32>
      %reduce_min3A_109 = vector.shape_cast %select_n3A_108 : vector<16x2048xi32> to vector<1x16x2048xi32>
      %reduce_min3A_110 = arith.constant dense<2147483647> : vector<1xi32>
      %reduce_min3A_111 = vector.multi_reduction <minsi>, %reduce_min3A_109, %reduce_min3A_110 [1, 2] : vector<1x16x2048xi32> to vector<1xi32>
      %reduce_min3A_112 = vector.shape_cast %reduce_min3A_111 : vector<1xi32> to vector<1x1x1xi32>
      %reduce_min3A_113 = vector.extract %reduce_min3A_112[0, 0, 0] : i32 from vector<1x1x1xi32>
      %eq3A_114 = vector.broadcast %reduce_min3A_113 : i32 to vector<16x2048xi32>
      %eq3A_115 = arith.cmpi eq, %add3A, %eq3A_114 : vector<16x2048xi32>
      %jit3A_116 = arith.constant 0xFF800000 : f32
      %broadcast_in_dim3A_117 = vector.broadcast %jit3A_116 : f32 to vector<16x2048xf32>
      %select_n3A_118 = arith.select %eq3A_115, %broadcast_in_dim3A_117, %select_n3A_98 : vector<16x2048xi1>, vector<16x2048xf32>
      %reduce_max3A_119 = vector.shape_cast %select_n3A_118 : vector<16x2048xf32> to vector<1x16x2048xf32>
      %reduce_max3A_120 = arith.constant dense<0xFF800000> : vector<1xf32>
      %reduce_max3A_121 = vector.multi_reduction <maximumf>, %reduce_max3A_119, %reduce_max3A_120 [1, 2] : vector<1x16x2048xf32> to vector<1xf32>
      %reduce_max3A_122 = vector.shape_cast %reduce_max3A_121 : vector<1xf32> to vector<1x1x1xf32>
      %reduce_max3A_123 = vector.extract %reduce_max3A_122[0, 0, 0] : f32 from vector<1x1x1xf32>
      %eq3A_124 = vector.broadcast %reduce_max3A_123 : f32 to vector<16x2048xf32>
      %eq3A_125 = arith.cmpf oeq, %select_n3A_118, %eq3A_124 : vector<16x2048xf32>
      %jit3A_126 = arith.constant 2147483647 : i32
      %broadcast_in_dim3A_127 = vector.broadcast %jit3A_126 : i32 to vector<16x2048xi32>
      %select_n3A_128 = arith.select %eq3A_125, %add3A, %broadcast_in_dim3A_127 : vector<16x2048xi1>, vector<16x2048xi32>
      %reduce_min3A_129 = vector.shape_cast %select_n3A_128 : vector<16x2048xi32> to vector<1x16x2048xi32>
      %reduce_min3A_130 = arith.constant dense<2147483647> : vector<1xi32>
      %reduce_min3A_131 = vector.multi_reduction <minsi>, %reduce_min3A_129, %reduce_min3A_130 [1, 2] : vector<1x16x2048xi32> to vector<1xi32>
      %reduce_min3A_132 = vector.shape_cast %reduce_min3A_131 : vector<1xi32> to vector<1x1x1xi32>
      %reduce_min3A_133 = vector.extract %reduce_min3A_132[0, 0, 0] : i32 from vector<1x1x1xi32>
      %eq3A_134 = vector.broadcast %reduce_min3A_133 : i32 to vector<16x2048xi32>
      %eq3A_135 = arith.cmpi eq, %add3A, %eq3A_134 : vector<16x2048xi32>
      %jit3A_136 = arith.constant 0xFF800000 : f32
      %broadcast_in_dim3A_137 = vector.broadcast %jit3A_136 : f32 to vector<16x2048xf32>
      %select_n3A_138 = arith.select %eq3A_135, %broadcast_in_dim3A_137, %select_n3A_118 : vector<16x2048xi1>, vector<16x2048xf32>
      %reduce_max3A_139 = vector.shape_cast %select_n3A_138 : vector<16x2048xf32> to vector<1x16x2048xf32>
      %reduce_max3A_140 = arith.constant dense<0xFF800000> : vector<1xf32>
      %reduce_max3A_141 = vector.multi_reduction <maximumf>, %reduce_max3A_139, %reduce_max3A_140 [1, 2] : vector<1x16x2048xf32> to vector<1xf32>
      %reduce_max3A_142 = vector.shape_cast %reduce_max3A_141 : vector<1xf32> to vector<1x1x1xf32>
      %reduce_max3A_143 = vector.extract %reduce_max3A_142[0, 0, 0] : f32 from vector<1x1x1xf32>
      %eq3A_144 = vector.broadcast %reduce_max3A_143 : f32 to vector<16x2048xf32>
      %eq3A_145 = arith.cmpf oeq, %select_n3A_138, %eq3A_144 : vector<16x2048xf32>
      %jit3A_146 = arith.constant 2147483647 : i32
      %broadcast_in_dim3A_147 = vector.broadcast %jit3A_146 : i32 to vector<16x2048xi32>
      %select_n3A_148 = arith.select %eq3A_145, %add3A, %broadcast_in_dim3A_147 : vector<16x2048xi1>, vector<16x2048xi32>
      %reduce_min3A_149 = vector.shape_cast %select_n3A_148 : vector<16x2048xi32> to vector<1x16x2048xi32>
      %reduce_min3A_150 = arith.constant dense<2147483647> : vector<1xi32>
      %reduce_min3A_151 = vector.multi_reduction <minsi>, %reduce_min3A_149, %reduce_min3A_150 [1, 2] : vector<1x16x2048xi32> to vector<1xi32>
      %reduce_min3A_152 = vector.shape_cast %reduce_min3A_151 : vector<1xi32> to vector<1x1x1xi32>
      %reduce_min3A_153 = vector.extract %reduce_min3A_152[0, 0, 0] : i32 from vector<1x1x1xi32>
      %eq3A_154 = vector.broadcast %reduce_min3A_153 : i32 to vector<16x2048xi32>
      %eq3A_155 = arith.cmpi eq, %add3A, %eq3A_154 : vector<16x2048xi32>
      %jit3A_156 = arith.constant 0xFF800000 : f32
      %broadcast_in_dim3A_157 = vector.broadcast %jit3A_156 : f32 to vector<16x2048xf32>
      %select_n3A_158 = arith.select %eq3A_155, %broadcast_in_dim3A_157, %select_n3A_138 : vector<16x2048xi1>, vector<16x2048xf32>
      %reduce_max3A_159 = vector.shape_cast %select_n3A_158 : vector<16x2048xf32> to vector<1x16x2048xf32>
      %reduce_max3A_160 = arith.constant dense<0xFF800000> : vector<1xf32>
      %reduce_max3A_161 = vector.multi_reduction <maximumf>, %reduce_max3A_159, %reduce_max3A_160 [1, 2] : vector<1x16x2048xf32> to vector<1xf32>
      %reduce_max3A_162 = vector.shape_cast %reduce_max3A_161 : vector<1xf32> to vector<1x1x1xf32>
      %reduce_max3A_163 = vector.extract %reduce_max3A_162[0, 0, 0] : f32 from vector<1x1x1xf32>
      %eq3A_164 = vector.broadcast %reduce_max3A_163 : f32 to vector<16x2048xf32>
      %eq3A_165 = arith.cmpf oeq, %select_n3A_158, %eq3A_164 : vector<16x2048xf32>
      %jit3A_166 = arith.constant 2147483647 : i32
      %broadcast_in_dim3A_167 = vector.broadcast %jit3A_166 : i32 to vector<16x2048xi32>
      %select_n3A_168 = arith.select %eq3A_165, %add3A, %broadcast_in_dim3A_167 : vector<16x2048xi1>, vector<16x2048xi32>
      %reduce_min3A_169 = vector.shape_cast %select_n3A_168 : vector<16x2048xi32> to vector<1x16x2048xi32>
      %reduce_min3A_170 = arith.constant dense<2147483647> : vector<1xi32>
      %reduce_min3A_171 = vector.multi_reduction <minsi>, %reduce_min3A_169, %reduce_min3A_170 [1, 2] : vector<1x16x2048xi32> to vector<1xi32>
      %reduce_min3A_172 = vector.shape_cast %reduce_min3A_171 : vector<1xi32> to vector<1x1x1xi32>
      %reduce_min3A_173 = vector.extract %reduce_min3A_172[0, 0, 0] : i32 from vector<1x1x1xi32>
      %eq3A_174 = vector.broadcast %reduce_min3A_173 : i32 to vector<16x2048xi32>
      %eq3A_175 = arith.cmpi eq, %add3A, %eq3A_174 : vector<16x2048xi32>
      %jit3A_176 = arith.constant 0xFF800000 : f32
      %broadcast_in_dim3A_177 = vector.broadcast %jit3A_176 : f32 to vector<16x2048xf32>
      %select_n3A_178 = arith.select %eq3A_175, %broadcast_in_dim3A_177, %select_n3A_158 : vector<16x2048xi1>, vector<16x2048xf32>
      %reduce_max3A_179 = vector.shape_cast %select_n3A_178 : vector<16x2048xf32> to vector<1x16x2048xf32>
      %reduce_max3A_180 = arith.constant dense<0xFF800000> : vector<1xf32>
      %reduce_max3A_181 = vector.multi_reduction <maximumf>, %reduce_max3A_179, %reduce_max3A_180 [1, 2] : vector<1x16x2048xf32> to vector<1xf32>
      %reduce_max3A_182 = vector.shape_cast %reduce_max3A_181 : vector<1xf32> to vector<1x1x1xf32>
      %reduce_max3A_183 = vector.extract %reduce_max3A_182[0, 0, 0] : f32 from vector<1x1x1xf32>
      %eq3A_184 = vector.broadcast %reduce_max3A_183 : f32 to vector<16x2048xf32>
      %eq3A_185 = arith.cmpf oeq, %select_n3A_178, %eq3A_184 : vector<16x2048xf32>
      %jit3A_186 = arith.constant 2147483647 : i32
      %broadcast_in_dim3A_187 = vector.broadcast %jit3A_186 : i32 to vector<16x2048xi32>
      %select_n3A_188 = arith.select %eq3A_185, %add3A, %broadcast_in_dim3A_187 : vector<16x2048xi1>, vector<16x2048xi32>
      %reduce_min3A_189 = vector.shape_cast %select_n3A_188 : vector<16x2048xi32> to vector<1x16x2048xi32>
      %reduce_min3A_190 = arith.constant dense<2147483647> : vector<1xi32>
      %reduce_min3A_191 = vector.multi_reduction <minsi>, %reduce_min3A_189, %reduce_min3A_190 [1, 2] : vector<1x16x2048xi32> to vector<1xi32>
      %reduce_min3A_192 = vector.shape_cast %reduce_min3A_191 : vector<1xi32> to vector<1x1x1xi32>
      %reduce_min3A_193 = vector.extract %reduce_min3A_192[0, 0, 0] : i32 from vector<1x1x1xi32>
      %eq3A_194 = vector.broadcast %reduce_min3A_193 : i32 to vector<16x2048xi32>
      %eq3A_195 = arith.cmpi eq, %add3A, %eq3A_194 : vector<16x2048xi32>
      %jit3A_196 = arith.constant 0xFF800000 : f32
      %broadcast_in_dim3A_197 = vector.broadcast %jit3A_196 : f32 to vector<16x2048xf32>
      %select_n3A_198 = arith.select %eq3A_195, %broadcast_in_dim3A_197, %select_n3A_178 : vector<16x2048xi1>, vector<16x2048xf32>
      %reduce_max3A_199 = vector.shape_cast %select_n3A_198 : vector<16x2048xf32> to vector<1x16x2048xf32>
      %reduce_max3A_200 = arith.constant dense<0xFF800000> : vector<1xf32>
      %reduce_max3A_201 = vector.multi_reduction <maximumf>, %reduce_max3A_199, %reduce_max3A_200 [1, 2] : vector<1x16x2048xf32> to vector<1xf32>
      %reduce_max3A_202 = vector.shape_cast %reduce_max3A_201 : vector<1xf32> to vector<1x1x1xf32>
      %reduce_max3A_203 = vector.extract %reduce_max3A_202[0, 0, 0] : f32 from vector<1x1x1xf32>
      %eq3A_204 = vector.broadcast %reduce_max3A_203 : f32 to vector<16x2048xf32>
      %eq3A_205 = arith.cmpf oeq, %select_n3A_198, %eq3A_204 : vector<16x2048xf32>
      %jit3A_206 = arith.constant 2147483647 : i32
      %broadcast_in_dim3A_207 = vector.broadcast %jit3A_206 : i32 to vector<16x2048xi32>
      %select_n3A_208 = arith.select %eq3A_205, %add3A, %broadcast_in_dim3A_207 : vector<16x2048xi1>, vector<16x2048xi32>
      %reduce_min3A_209 = vector.shape_cast %select_n3A_208 : vector<16x2048xi32> to vector<1x16x2048xi32>
      %reduce_min3A_210 = arith.constant dense<2147483647> : vector<1xi32>
      %reduce_min3A_211 = vector.multi_reduction <minsi>, %reduce_min3A_209, %reduce_min3A_210 [1, 2] : vector<1x16x2048xi32> to vector<1xi32>
      %reduce_min3A_212 = vector.shape_cast %reduce_min3A_211 : vector<1xi32> to vector<1x1x1xi32>
      %reduce_min3A_213 = vector.extract %reduce_min3A_212[0, 0, 0] : i32 from vector<1x1x1xi32>
      %eq3A_214 = vector.broadcast %reduce_min3A_213 : i32 to vector<16x2048xi32>
      %eq3A_215 = arith.cmpi eq, %add3A, %eq3A_214 : vector<16x2048xi32>
      %jit3A_216 = arith.constant 0xFF800000 : f32
      %broadcast_in_dim3A_217 = vector.broadcast %jit3A_216 : f32 to vector<16x2048xf32>
      %select_n3A_218 = arith.select %eq3A_215, %broadcast_in_dim3A_217, %select_n3A_198 : vector<16x2048xi1>, vector<16x2048xf32>
      %reduce_max3A_219 = vector.shape_cast %select_n3A_218 : vector<16x2048xf32> to vector<1x16x2048xf32>
      %reduce_max3A_220 = arith.constant dense<0xFF800000> : vector<1xf32>
      %reduce_max3A_221 = vector.multi_reduction <maximumf>, %reduce_max3A_219, %reduce_max3A_220 [1, 2] : vector<1x16x2048xf32> to vector<1xf32>
      %reduce_max3A_222 = vector.shape_cast %reduce_max3A_221 : vector<1xf32> to vector<1x1x1xf32>
      %reduce_max3A_223 = vector.extract %reduce_max3A_222[0, 0, 0] : f32 from vector<1x1x1xf32>
      %eq3A_224 = vector.broadcast %reduce_max3A_223 : f32 to vector<16x2048xf32>
      %eq3A_225 = arith.cmpf oeq, %select_n3A_218, %eq3A_224 : vector<16x2048xf32>
      %jit3A_226 = arith.constant 2147483647 : i32
      %broadcast_in_dim3A_227 = vector.broadcast %jit3A_226 : i32 to vector<16x2048xi32>
      %select_n3A_228 = arith.select %eq3A_225, %add3A, %broadcast_in_dim3A_227 : vector<16x2048xi1>, vector<16x2048xi32>
      %reduce_min3A_229 = vector.shape_cast %select_n3A_228 : vector<16x2048xi32> to vector<1x16x2048xi32>
      %reduce_min3A_230 = arith.constant dense<2147483647> : vector<1xi32>
      %reduce_min3A_231 = vector.multi_reduction <minsi>, %reduce_min3A_229, %reduce_min3A_230 [1, 2] : vector<1x16x2048xi32> to vector<1xi32>
      %reduce_min3A_232 = vector.shape_cast %reduce_min3A_231 : vector<1xi32> to vector<1x1x1xi32>
      %reduce_min3A_233 = vector.extract %reduce_min3A_232[0, 0, 0] : i32 from vector<1x1x1xi32>
      %eq3A_234 = vector.broadcast %reduce_min3A_233 : i32 to vector<16x2048xi32>
      %eq3A_235 = arith.cmpi eq, %add3A, %eq3A_234 : vector<16x2048xi32>
      %jit3A_236 = arith.constant 0xFF800000 : f32
      %broadcast_in_dim3A_237 = vector.broadcast %jit3A_236 : f32 to vector<16x2048xf32>
      %select_n3A_238 = arith.select %eq3A_235, %broadcast_in_dim3A_237, %select_n3A_218 : vector<16x2048xi1>, vector<16x2048xf32>
      %reduce_max3A_239 = vector.shape_cast %select_n3A_238 : vector<16x2048xf32> to vector<1x16x2048xf32>
      %reduce_max3A_240 = arith.constant dense<0xFF800000> : vector<1xf32>
      %reduce_max3A_241 = vector.multi_reduction <maximumf>, %reduce_max3A_239, %reduce_max3A_240 [1, 2] : vector<1x16x2048xf32> to vector<1xf32>
      %reduce_max3A_242 = vector.shape_cast %reduce_max3A_241 : vector<1xf32> to vector<1x1x1xf32>
      %reduce_max3A_243 = vector.extract %reduce_max3A_242[0, 0, 0] : f32 from vector<1x1x1xf32>
      %eq3A_244 = vector.broadcast %reduce_max3A_243 : f32 to vector<16x2048xf32>
      %eq3A_245 = arith.cmpf oeq, %select_n3A_238, %eq3A_244 : vector<16x2048xf32>
      %jit3A_246 = arith.constant 2147483647 : i32
      %broadcast_in_dim3A_247 = vector.broadcast %jit3A_246 : i32 to vector<16x2048xi32>
      %select_n3A_248 = arith.select %eq3A_245, %add3A, %broadcast_in_dim3A_247 : vector<16x2048xi1>, vector<16x2048xi32>
      %reduce_min3A_249 = vector.shape_cast %select_n3A_248 : vector<16x2048xi32> to vector<1x16x2048xi32>
      %reduce_min3A_250 = arith.constant dense<2147483647> : vector<1xi32>
      %reduce_min3A_251 = vector.multi_reduction <minsi>, %reduce_min3A_249, %reduce_min3A_250 [1, 2] : vector<1x16x2048xi32> to vector<1xi32>
      %reduce_min3A_252 = vector.shape_cast %reduce_min3A_251 : vector<1xi32> to vector<1x1x1xi32>
      %reduce_min3A_253 = vector.extract %reduce_min3A_252[0, 0, 0] : i32 from vector<1x1x1xi32>
      %eq3A_254 = vector.broadcast %reduce_min3A_253 : i32 to vector<16x2048xi32>
      %eq3A_255 = arith.cmpi eq, %add3A, %eq3A_254 : vector<16x2048xi32>
      %jit3A_256 = arith.constant 0xFF800000 : f32
      %broadcast_in_dim3A_257 = vector.broadcast %jit3A_256 : f32 to vector<16x2048xf32>
      %select_n3A_258 = arith.select %eq3A_255, %broadcast_in_dim3A_257, %select_n3A_238 : vector<16x2048xi1>, vector<16x2048xf32>
      %reduce_max3A_259 = vector.shape_cast %select_n3A_258 : vector<16x2048xf32> to vector<1x16x2048xf32>
      %reduce_max3A_260 = arith.constant dense<0xFF800000> : vector<1xf32>
      %reduce_max3A_261 = vector.multi_reduction <maximumf>, %reduce_max3A_259, %reduce_max3A_260 [1, 2] : vector<1x16x2048xf32> to vector<1xf32>
      %reduce_max3A_262 = vector.shape_cast %reduce_max3A_261 : vector<1xf32> to vector<1x1x1xf32>
      %reduce_max3A_263 = vector.extract %reduce_max3A_262[0, 0, 0] : f32 from vector<1x1x1xf32>
      %eq3A_264 = vector.broadcast %reduce_max3A_263 : f32 to vector<16x2048xf32>
      %eq3A_265 = arith.cmpf oeq, %select_n3A_258, %eq3A_264 : vector<16x2048xf32>
      %jit3A_266 = arith.constant 2147483647 : i32
      %broadcast_in_dim3A_267 = vector.broadcast %jit3A_266 : i32 to vector<16x2048xi32>
      %select_n3A_268 = arith.select %eq3A_265, %add3A, %broadcast_in_dim3A_267 : vector<16x2048xi1>, vector<16x2048xi32>
      %reduce_min3A_269 = vector.shape_cast %select_n3A_268 : vector<16x2048xi32> to vector<1x16x2048xi32>
      %reduce_min3A_270 = arith.constant dense<2147483647> : vector<1xi32>
      %reduce_min3A_271 = vector.multi_reduction <minsi>, %reduce_min3A_269, %reduce_min3A_270 [1, 2] : vector<1x16x2048xi32> to vector<1xi32>
      %reduce_min3A_272 = vector.shape_cast %reduce_min3A_271 : vector<1xi32> to vector<1x1x1xi32>
      %reduce_min3A_273 = vector.extract %reduce_min3A_272[0, 0, 0] : i32 from vector<1x1x1xi32>
      %eq3A_274 = vector.broadcast %reduce_min3A_273 : i32 to vector<16x2048xi32>
      %eq3A_275 = arith.cmpi eq, %add3A, %eq3A_274 : vector<16x2048xi32>
      %jit3A_276 = arith.constant 0xFF800000 : f32
      %broadcast_in_dim3A_277 = vector.broadcast %jit3A_276 : f32 to vector<16x2048xf32>
      %select_n3A_278 = arith.select %eq3A_275, %broadcast_in_dim3A_277, %select_n3A_258 : vector<16x2048xi1>, vector<16x2048xf32>
      %reduce_max3A_279 = vector.shape_cast %select_n3A_278 : vector<16x2048xf32> to vector<1x16x2048xf32>
      %reduce_max3A_280 = arith.constant dense<0xFF800000> : vector<1xf32>
      %reduce_max3A_281 = vector.multi_reduction <maximumf>, %reduce_max3A_279, %reduce_max3A_280 [1, 2] : vector<1x16x2048xf32> to vector<1xf32>
      %reduce_max3A_282 = vector.shape_cast %reduce_max3A_281 : vector<1xf32> to vector<1x1x1xf32>
      %reduce_max3A_283 = vector.extract %reduce_max3A_282[0, 0, 0] : f32 from vector<1x1x1xf32>
      %eq3A_284 = vector.broadcast %reduce_max3A_283 : f32 to vector<16x2048xf32>
      %eq3A_285 = arith.cmpf oeq, %select_n3A_278, %eq3A_284 : vector<16x2048xf32>
      %jit3A_286 = arith.constant 2147483647 : i32
      %broadcast_in_dim3A_287 = vector.broadcast %jit3A_286 : i32 to vector<16x2048xi32>
      %select_n3A_288 = arith.select %eq3A_285, %add3A, %broadcast_in_dim3A_287 : vector<16x2048xi1>, vector<16x2048xi32>
      %reduce_min3A_289 = vector.shape_cast %select_n3A_288 : vector<16x2048xi32> to vector<1x16x2048xi32>
      %reduce_min3A_290 = arith.constant dense<2147483647> : vector<1xi32>
      %reduce_min3A_291 = vector.multi_reduction <minsi>, %reduce_min3A_289, %reduce_min3A_290 [1, 2] : vector<1x16x2048xi32> to vector<1xi32>
      %reduce_min3A_292 = vector.shape_cast %reduce_min3A_291 : vector<1xi32> to vector<1x1x1xi32>
      %reduce_min3A_293 = vector.extract %reduce_min3A_292[0, 0, 0] : i32 from vector<1x1x1xi32>
      %eq3A_294 = vector.broadcast %reduce_min3A_293 : i32 to vector<16x2048xi32>
      %eq3A_295 = arith.cmpi eq, %add3A, %eq3A_294 : vector<16x2048xi32>
      %jit3A_296 = arith.constant 0xFF800000 : f32
      %broadcast_in_dim3A_297 = vector.broadcast %jit3A_296 : f32 to vector<16x2048xf32>
      %select_n3A_298 = arith.select %eq3A_295, %broadcast_in_dim3A_297, %select_n3A_278 : vector<16x2048xi1>, vector<16x2048xf32>
      %reduce_max3A_299 = vector.shape_cast %select_n3A_298 : vector<16x2048xf32> to vector<1x16x2048xf32>
      %reduce_max3A_300 = arith.constant dense<0xFF800000> : vector<1xf32>
      %reduce_max3A_301 = vector.multi_reduction <maximumf>, %reduce_max3A_299, %reduce_max3A_300 [1, 2] : vector<1x16x2048xf32> to vector<1xf32>
      %reduce_max3A_302 = vector.shape_cast %reduce_max3A_301 : vector<1xf32> to vector<1x1x1xf32>
      %reduce_max3A_303 = vector.extract %reduce_max3A_302[0, 0, 0] : f32 from vector<1x1x1xf32>
      %eq3A_304 = vector.broadcast %reduce_max3A_303 : f32 to vector<16x2048xf32>
      %eq3A_305 = arith.cmpf oeq, %select_n3A_298, %eq3A_304 : vector<16x2048xf32>
      %jit3A_306 = arith.constant 2147483647 : i32
      %broadcast_in_dim3A_307 = vector.broadcast %jit3A_306 : i32 to vector<16x2048xi32>
      %select_n3A_308 = arith.select %eq3A_305, %add3A, %broadcast_in_dim3A_307 : vector<16x2048xi1>, vector<16x2048xi32>
      %reduce_min3A_309 = vector.shape_cast %select_n3A_308 : vector<16x2048xi32> to vector<1x16x2048xi32>
      %reduce_min3A_310 = arith.constant dense<2147483647> : vector<1xi32>
      %reduce_min3A_311 = vector.multi_reduction <minsi>, %reduce_min3A_309, %reduce_min3A_310 [1, 2] : vector<1x16x2048xi32> to vector<1xi32>
      %reduce_min3A_312 = vector.shape_cast %reduce_min3A_311 : vector<1xi32> to vector<1x1x1xi32>
      %reduce_min3A_313 = vector.extract %reduce_min3A_312[0, 0, 0] : i32 from vector<1x1x1xi32>
      %iota3A_314 = tpu.iota {dimensions = array<i32: 1>} : vector<1x128xi32>
      %broadcast_in_dim3A_315 = arith.constant 0xFF800000 : f32
      %broadcast_in_dim3A_316 = vector.broadcast %broadcast_in_dim3A_315 : f32 to vector<1x128xf32>
      %eq3A_317 = arith.constant 0 : i32
      %eq3A_318 = vector.broadcast %eq3A_317 : i32 to vector<1x128xi32>
      %eq3A_319 = arith.cmpi eq, %iota3A_314, %eq3A_318 : vector<1x128xi32>
      %broadcast_in_dim3A_320 = vector.broadcast %reduce_max3A_26 : f32 to vector<1x128xf32>
      %select_n3A_321 = arith.select %eq3A_319, %broadcast_in_dim3A_320, %broadcast_in_dim3A_316 : vector<1x128xi1>, vector<1x128xf32>
      %eq3A_322 = arith.constant 1 : i32
      %eq3A_323 = vector.broadcast %eq3A_322 : i32 to vector<1x128xi32>
      %eq3A_324 = arith.cmpi eq, %iota3A_314, %eq3A_323 : vector<1x128xi32>
      %broadcast_in_dim3A_325 = vector.broadcast %reduce_max3A_43 : f32 to vector<1x128xf32>
      %select_n3A_326 = arith.select %eq3A_324, %broadcast_in_dim3A_325, %select_n3A_321 : vector<1x128xi1>, vector<1x128xf32>
      %eq3A_327 = arith.constant 2 : i32
      %eq3A_328 = vector.broadcast %eq3A_327 : i32 to vector<1x128xi32>
      %eq3A_329 = arith.cmpi eq, %iota3A_314, %eq3A_328 : vector<1x128xi32>
      %broadcast_in_dim3A_330 = vector.broadcast %reduce_max3A_63 : f32 to vector<1x128xf32>
      %select_n3A_331 = arith.select %eq3A_329, %broadcast_in_dim3A_330, %select_n3A_326 : vector<1x128xi1>, vector<1x128xf32>
      %eq3A_332 = arith.constant 3 : i32
      %eq3A_333 = vector.broadcast %eq3A_332 : i32 to vector<1x128xi32>
      %eq3A_334 = arith.cmpi eq, %iota3A_314, %eq3A_333 : vector<1x128xi32>
      %broadcast_in_dim3A_335 = vector.broadcast %reduce_max3A_83 : f32 to vector<1x128xf32>
      %select_n3A_336 = arith.select %eq3A_334, %broadcast_in_dim3A_335, %select_n3A_331 : vector<1x128xi1>, vector<1x128xf32>
      %eq3A_337 = arith.constant 4 : i32
      %eq3A_338 = vector.broadcast %eq3A_337 : i32 to vector<1x128xi32>
      %eq3A_339 = arith.cmpi eq, %iota3A_314, %eq3A_338 : vector<1x128xi32>
      %broadcast_in_dim3A_340 = vector.broadcast %reduce_max3A_103 : f32 to vector<1x128xf32>
      %select_n3A_341 = arith.select %eq3A_339, %broadcast_in_dim3A_340, %select_n3A_336 : vector<1x128xi1>, vector<1x128xf32>
      %eq3A_342 = arith.constant 5 : i32
      %eq3A_343 = vector.broadcast %eq3A_342 : i32 to vector<1x128xi32>
      %eq3A_344 = arith.cmpi eq, %iota3A_314, %eq3A_343 : vector<1x128xi32>
      %broadcast_in_dim3A_345 = vector.broadcast %reduce_max3A_123 : f32 to vector<1x128xf32>
      %select_n3A_346 = arith.select %eq3A_344, %broadcast_in_dim3A_345, %select_n3A_341 : vector<1x128xi1>, vector<1x128xf32>
      %eq3A_347 = arith.constant 6 : i32
      %eq3A_348 = vector.broadcast %eq3A_347 : i32 to vector<1x128xi32>
      %eq3A_349 = arith.cmpi eq, %iota3A_314, %eq3A_348 : vector<1x128xi32>
      %broadcast_in_dim3A_350 = vector.broadcast %reduce_max3A_143 : f32 to vector<1x128xf32>
      %select_n3A_351 = arith.select %eq3A_349, %broadcast_in_dim3A_350, %select_n3A_346 : vector<1x128xi1>, vector<1x128xf32>
      %eq3A_352 = arith.constant 7 : i32
      %eq3A_353 = vector.broadcast %eq3A_352 : i32 to vector<1x128xi32>
      %eq3A_354 = arith.cmpi eq, %iota3A_314, %eq3A_353 : vector<1x128xi32>
      %broadcast_in_dim3A_355 = vector.broadcast %reduce_max3A_163 : f32 to vector<1x128xf32>
      %select_n3A_356 = arith.select %eq3A_354, %broadcast_in_dim3A_355, %select_n3A_351 : vector<1x128xi1>, vector<1x128xf32>
      %eq3A_357 = arith.constant 8 : i32
      %eq3A_358 = vector.broadcast %eq3A_357 : i32 to vector<1x128xi32>
      %eq3A_359 = arith.cmpi eq, %iota3A_314, %eq3A_358 : vector<1x128xi32>
      %broadcast_in_dim3A_360 = vector.broadcast %reduce_max3A_183 : f32 to vector<1x128xf32>
      %select_n3A_361 = arith.select %eq3A_359, %broadcast_in_dim3A_360, %select_n3A_356 : vector<1x128xi1>, vector<1x128xf32>
      %eq3A_362 = arith.constant 9 : i32
      %eq3A_363 = vector.broadcast %eq3A_362 : i32 to vector<1x128xi32>
      %eq3A_364 = arith.cmpi eq, %iota3A_314, %eq3A_363 : vector<1x128xi32>
      %broadcast_in_dim3A_365 = vector.broadcast %reduce_max3A_203 : f32 to vector<1x128xf32>
      %select_n3A_366 = arith.select %eq3A_364, %broadcast_in_dim3A_365, %select_n3A_361 : vector<1x128xi1>, vector<1x128xf32>
      %eq3A_367 = arith.constant 10 : i32
      %eq3A_368 = vector.broadcast %eq3A_367 : i32 to vector<1x128xi32>
      %eq3A_369 = arith.cmpi eq, %iota3A_314, %eq3A_368 : vector<1x128xi32>
      %broadcast_in_dim3A_370 = vector.broadcast %reduce_max3A_223 : f32 to vector<1x128xf32>
      %select_n3A_371 = arith.select %eq3A_369, %broadcast_in_dim3A_370, %select_n3A_366 : vector<1x128xi1>, vector<1x128xf32>
      %eq3A_372 = arith.constant 11 : i32
      %eq3A_373 = vector.broadcast %eq3A_372 : i32 to vector<1x128xi32>
      %eq3A_374 = arith.cmpi eq, %iota3A_314, %eq3A_373 : vector<1x128xi32>
      %broadcast_in_dim3A_375 = vector.broadcast %reduce_max3A_243 : f32 to vector<1x128xf32>
      %select_n3A_376 = arith.select %eq3A_374, %broadcast_in_dim3A_375, %select_n3A_371 : vector<1x128xi1>, vector<1x128xf32>
      %eq3A_377 = arith.constant 12 : i32
      %eq3A_378 = vector.broadcast %eq3A_377 : i32 to vector<1x128xi32>
      %eq3A_379 = arith.cmpi eq, %iota3A_314, %eq3A_378 : vector<1x128xi32>
      %broadcast_in_dim3A_380 = vector.broadcast %reduce_max3A_263 : f32 to vector<1x128xf32>
      %select_n3A_381 = arith.select %eq3A_379, %broadcast_in_dim3A_380, %select_n3A_376 : vector<1x128xi1>, vector<1x128xf32>
      %eq3A_382 = arith.constant 13 : i32
      %eq3A_383 = vector.broadcast %eq3A_382 : i32 to vector<1x128xi32>
      %eq3A_384 = arith.cmpi eq, %iota3A_314, %eq3A_383 : vector<1x128xi32>
      %broadcast_in_dim3A_385 = vector.broadcast %reduce_max3A_283 : f32 to vector<1x128xf32>
      %select_n3A_386 = arith.select %eq3A_384, %broadcast_in_dim3A_385, %select_n3A_381 : vector<1x128xi1>, vector<1x128xf32>
      %eq3A_387 = arith.constant 14 : i32
      %eq3A_388 = vector.broadcast %eq3A_387 : i32 to vector<1x128xi32>
      %eq3A_389 = arith.cmpi eq, %iota3A_314, %eq3A_388 : vector<1x128xi32>
      %broadcast_in_dim3A_390 = vector.broadcast %reduce_max3A_303 : f32 to vector<1x128xf32>
      %select_n3A_391 = arith.select %eq3A_389, %broadcast_in_dim3A_390, %select_n3A_386 : vector<1x128xi1>, vector<1x128xf32>
      %sub3A = vector.broadcast %reduce_max3A_26 : f32 to vector<1x128xf32>
      %sub3A_392 = arith.subf %select_n3A_391, %sub3A : vector<1x128xf32>
      %exp3A = math.exp %sub3A_392 : vector<1x128xf32>
      %reduce_sum3A = vector.shape_cast %exp3A : vector<1x128xf32> to vector<1x1x128xf32>
      %reduce_sum3A_393 = arith.constant dense<0.000000e+00> : vector<1xf32>
      %reduce_sum3A_394 = vector.multi_reduction <add>, %reduce_sum3A, %reduce_sum3A_393 [1, 2] : vector<1x1x128xf32> to vector<1xf32>
      %reduce_sum3A_395 = vector.shape_cast %reduce_sum3A_394 : vector<1xf32> to vector<1x1x1xf32>
      %reduce_sum3A_396 = vector.extract %reduce_sum3A_395[0, 0, 0] : f32 from vector<1x1x1xf32>
      %div3A = vector.broadcast %reduce_sum3A_396 : f32 to vector<1x128xf32>
      %div3A_397 = arith.divf %exp3A, %div3A : vector<1x128xf32>
      %slice3A = vector.extract_strided_slice %div3A_397 {offsets = [0, 0], sizes = [1, 16], strides = [1, 1]} : vector<1x128xf32> to vector<1x16xf32>
      %broadcast_in_dim3A_398 = arith.constant 0.000000e+00 : f32
      %broadcast_in_dim3A_399 = vector.broadcast %broadcast_in_dim3A_398 : f32 to vector<1x300xf32>
      %swap3A_400 = arith.constant 15 : index
      %swap3A_401 = arith.constant 0 : index
      %swap3A_402 = vector.load %arg8[%swap3A_400, %swap3A_401] : memref<16x300xf32, #tpu.memory_space<vmem>>, vector<1x300xf32>
      tpu.vector_store %arg8[%swap3A_400, %swap3A_401], %broadcast_in_dim3A_399 {strides = array<i32>} : memref<16x300xf32, #tpu.memory_space<vmem>>, vector<1x300xf32>,
      %dma_start3A = arith.constant 0 : i32
      %dma_start3A_403 = arith.constant 0 : i32
      %dma_start3A_404 = tpu.memref_slice %arg8[%dma_start3A, %dma_start3A_403] : memref<16x300xf32, #tpu.memory_space<vmem>> -> memref<1x300xf32, #tpu.memory_space<vmem>>
      %dma_start3A_405 = arith.constant 0 : i32
      %dma_start3A_406 = tpu.memref_slice %arg5[%reduce_min3A_33, %dma_start3A_405] : memref<32768x300xf32, #tpu.memory_space<any>> -> memref<1x300xf32, #tpu.memory_space<any>>
      tpu.enqueue_dma source(%dma_start3A_406 : memref<1x300xf32, #tpu.memory_space<any>>) target(%dma_start3A_404 : memref<1x300xf32, #tpu.memory_space<vmem>>) target_semaphore(%arg9 : memref<!tpu.dma_semaphore, #tpu.memory_space<semaphore_mem>>)
      %dma_start3A_407 = arith.constant 1 : i32
      %dma_start3A_408 = arith.constant 0 : i32
      %dma_start3A_409 = tpu.memref_slice %arg8[%dma_start3A_407, %dma_start3A_408] : memref<16x300xf32, #tpu.memory_space<vmem>> -> memref<1x300xf32, #tpu.memory_space<vmem>>
      %dma_start3A_410 = arith.constant 0 : i32
      %dma_start3A_411 = tpu.memref_slice %arg5[%reduce_min3A_53, %dma_start3A_410] : memref<32768x300xf32, #tpu.memory_space<any>> -> memref<1x300xf32, #tpu.memory_space<any>>
      tpu.enqueue_dma source(%dma_start3A_411 : memref<1x300xf32, #tpu.memory_space<any>>) target(%dma_start3A_409 : memref<1x300xf32, #tpu.memory_space<vmem>>) target_semaphore(%arg9 : memref<!tpu.dma_semaphore, #tpu.memory_space<semaphore_mem>>)
      %dma_start3A_412 = arith.constant 2 : i32
      %dma_start3A_413 = arith.constant 0 : i32
      %dma_start3A_414 = tpu.memref_slice %arg8[%dma_start3A_412, %dma_start3A_413] : memref<16x300xf32, #tpu.memory_space<vmem>> -> memref<1x300xf32, #tpu.memory_space<vmem>>
      %dma_start3A_415 = arith.constant 0 : i32
      %dma_start3A_416 = tpu.memref_slice %arg5[%reduce_min3A_73, %dma_start3A_415] : memref<32768x300xf32, #tpu.memory_space<any>> -> memref<1x300xf32, #tpu.memory_space<any>>
      tpu.enqueue_dma source(%dma_start3A_416 : memref<1x300xf32, #tpu.memory_space<any>>) target(%dma_start3A_414 : memref<1x300xf32, #tpu.memory_space<vmem>>) target_semaphore(%arg9 : memref<!tpu.dma_semaphore, #tpu.memory_space<semaphore_mem>>)
      %dma_start3A_417 = arith.constant 3 : i32
      %dma_start3A_418 = arith.constant 0 : i32
      %dma_start3A_419 = tpu.memref_slice %arg8[%dma_start3A_417, %dma_start3A_418] : memref<16x300xf32, #tpu.memory_space<vmem>> -> memref<1x300xf32, #tpu.memory_space<vmem>>
      %dma_start3A_420 = arith.constant 0 : i32
      %dma_start3A_421 = tpu.memref_slice %arg5[%reduce_min3A_93, %dma_start3A_420] : memref<32768x300xf32, #tpu.memory_space<any>> -> memref<1x300xf32, #tpu.memory_space<any>>
      tpu.enqueue_dma source(%dma_start3A_421 : memref<1x300xf32, #tpu.memory_space<any>>) target(%dma_start3A_419 : memref<1x300xf32, #tpu.memory_space<vmem>>) target_semaphore(%arg9 : memref<!tpu.dma_semaphore, #tpu.memory_space<semaphore_mem>>)
      %dma_start3A_422 = arith.constant 4 : i32
      %dma_start3A_423 = arith.constant 0 : i32
      %dma_start3A_424 = tpu.memref_slice %arg8[%dma_start3A_422, %dma_start3A_423] : memref<16x300xf32, #tpu.memory_space<vmem>> -> memref<1x300xf32, #tpu.memory_space<vmem>>
      %dma_start3A_425 = arith.constant 0 : i32
      %dma_start3A_426 = tpu.memref_slice %arg5[%reduce_min3A_113, %dma_start3A_425] : memref<32768x300xf32, #tpu.memory_space<any>> -> memref<1x300xf32, #tpu.memory_space<any>>
      tpu.enqueue_dma source(%dma_start3A_426 : memref<1x300xf32, #tpu.memory_space<any>>) target(%dma_start3A_424 : memref<1x300xf32, #tpu.memory_space<vmem>>) target_semaphore(%arg9 : memref<!tpu.dma_semaphore, #tpu.memory_space<semaphore_mem>>)
      %dma_start3A_427 = arith.constant 5 : i32
      %dma_start3A_428 = arith.constant 0 : i32
      %dma_start3A_429 = tpu.memref_slice %arg8[%dma_start3A_427, %dma_start3A_428] : memref<16x300xf32, #tpu.memory_space<vmem>> -> memref<1x300xf32, #tpu.memory_space<vmem>>
      %dma_start3A_430 = arith.constant 0 : i32
      %dma_start3A_431 = tpu.memref_slice %arg5[%reduce_min3A_133, %dma_start3A_430] : memref<32768x300xf32, #tpu.memory_space<any>> -> memref<1x300xf32, #tpu.memory_space<any>>
      tpu.enqueue_dma source(%dma_start3A_431 : memref<1x300xf32, #tpu.memory_space<any>>) target(%dma_start3A_429 : memref<1x300xf32, #tpu.memory_space<vmem>>) target_semaphore(%arg9 : memref<!tpu.dma_semaphore, #tpu.memory_space<semaphore_mem>>)
      %dma_start3A_432 = arith.constant 6 : i32
      %dma_start3A_433 = arith.constant 0 : i32
      %dma_start3A_434 = tpu.memref_slice %arg8[%dma_start3A_432, %dma_start3A_433] : memref<16x300xf32, #tpu.memory_space<vmem>> -> memref<1x300xf32, #tpu.memory_space<vmem>>
      %dma_start3A_435 = arith.constant 0 : i32
      %dma_start3A_436 = tpu.memref_slice %arg5[%reduce_min3A_153, %dma_start3A_435] : memref<32768x300xf32, #tpu.memory_space<any>> -> memref<1x300xf32, #tpu.memory_space<any>>
      tpu.enqueue_dma source(%dma_start3A_436 : memref<1x300xf32, #tpu.memory_space<any>>) target(%dma_start3A_434 : memref<1x300xf32, #tpu.memory_space<vmem>>) target_semaphore(%arg9 : memref<!tpu.dma_semaphore, #tpu.memory_space<semaphore_mem>>)
      %dma_start3A_437 = arith.constant 7 : i32
      %dma_start3A_438 = arith.constant 0 : i32
      %dma_start3A_439 = tpu.memref_slice %arg8[%dma_start3A_437, %dma_start3A_438] : memref<16x300xf32, #tpu.memory_space<vmem>> -> memref<1x300xf32, #tpu.memory_space<vmem>>
      %dma_start3A_440 = arith.constant 0 : i32
      %dma_start3A_441 = tpu.memref_slice %arg5[%reduce_min3A_173, %dma_start3A_440] : memref<32768x300xf32, #tpu.memory_space<any>> -> memref<1x300xf32, #tpu.memory_space<any>>
      tpu.enqueue_dma source(%dma_start3A_441 : memref<1x300xf32, #tpu.memory_space<any>>) target(%dma_start3A_439 : memref<1x300xf32, #tpu.memory_space<vmem>>) target_semaphore(%arg9 : memref<!tpu.dma_semaphore, #tpu.memory_space<semaphore_mem>>)
      %dma_start3A_442 = arith.constant 8 : i32
      %dma_start3A_443 = arith.constant 0 : i32
      %dma_start3A_444 = tpu.memref_slice %arg8[%dma_start3A_442, %dma_start3A_443] : memref<16x300xf32, #tpu.memory_space<vmem>> -> memref<1x300xf32, #tpu.memory_space<vmem>>
      %dma_start3A_445 = arith.constant 0 : i32
      %dma_start3A_446 = tpu.memref_slice %arg5[%reduce_min3A_193, %dma_start3A_445] : memref<32768x300xf32, #tpu.memory_space<any>> -> memref<1x300xf32, #tpu.memory_space<any>>
      tpu.enqueue_dma source(%dma_start3A_446 : memref<1x300xf32, #tpu.memory_space<any>>) target(%dma_start3A_444 : memref<1x300xf32, #tpu.memory_space<vmem>>) target_semaphore(%arg9 : memref<!tpu.dma_semaphore, #tpu.memory_space<semaphore_mem>>)
      %dma_start3A_447 = arith.constant 9 : i32
      %dma_start3A_448 = arith.constant 0 : i32
      %dma_start3A_449 = tpu.memref_slice %arg8[%dma_start3A_447, %dma_start3A_448] : memref<16x300xf32, #tpu.memory_space<vmem>> -> memref<1x300xf32, #tpu.memory_space<vmem>>
      %dma_start3A_450 = arith.constant 0 : i32
      %dma_start3A_451 = tpu.memref_slice %arg5[%reduce_min3A_213, %dma_start3A_450] : memref<32768x300xf32, #tpu.memory_space<any>> -> memref<1x300xf32, #tpu.memory_space<any>>
      tpu.enqueue_dma source(%dma_start3A_451 : memref<1x300xf32, #tpu.memory_space<any>>) target(%dma_start3A_449 : memref<1x300xf32, #tpu.memory_space<vmem>>) target_semaphore(%arg9 : memref<!tpu.dma_semaphore, #tpu.memory_space<semaphore_mem>>)
      %dma_start3A_452 = arith.constant 10 : i32
      %dma_start3A_453 = arith.constant 0 : i32
      %dma_start3A_454 = tpu.memref_slice %arg8[%dma_start3A_452, %dma_start3A_453] : memref<16x300xf32, #tpu.memory_space<vmem>> -> memref<1x300xf32, #tpu.memory_space<vmem>>
      %dma_start3A_455 = arith.constant 0 : i32
      %dma_start3A_456 = tpu.memref_slice %arg5[%reduce_min3A_233, %dma_start3A_455] : memref<32768x300xf32, #tpu.memory_space<any>> -> memref<1x300xf32, #tpu.memory_space<any>>
      tpu.enqueue_dma source(%dma_start3A_456 : memref<1x300xf32, #tpu.memory_space<any>>) target(%dma_start3A_454 : memref<1x300xf32, #tpu.memory_space<vmem>>) target_semaphore(%arg9 : memref<!tpu.dma_semaphore, #tpu.memory_space<semaphore_mem>>)
      %dma_start3A_457 = arith.constant 11 : i32
      %dma_start3A_458 = arith.constant 0 : i32
      %dma_start3A_459 = tpu.memref_slice %arg8[%dma_start3A_457, %dma_start3A_458] : memref<16x300xf32, #tpu.memory_space<vmem>> -> memref<1x300xf32, #tpu.memory_space<vmem>>
      %dma_start3A_460 = arith.constant 0 : i32
      %dma_start3A_461 = tpu.memref_slice %arg5[%reduce_min3A_253, %dma_start3A_460] : memref<32768x300xf32, #tpu.memory_space<any>> -> memref<1x300xf32, #tpu.memory_space<any>>
      tpu.enqueue_dma source(%dma_start3A_461 : memref<1x300xf32, #tpu.memory_space<any>>) target(%dma_start3A_459 : memref<1x300xf32, #tpu.memory_space<vmem>>) target_semaphore(%arg9 : memref<!tpu.dma_semaphore, #tpu.memory_space<semaphore_mem>>)
      %dma_start3A_462 = arith.constant 12 : i32
      %dma_start3A_463 = arith.constant 0 : i32
      %dma_start3A_464 = tpu.memref_slice %arg8[%dma_start3A_462, %dma_start3A_463] : memref<16x300xf32, #tpu.memory_space<vmem>> -> memref<1x300xf32, #tpu.memory_space<vmem>>
      %dma_start3A_465 = arith.constant 0 : i32
      %dma_start3A_466 = tpu.memref_slice %arg5[%reduce_min3A_273, %dma_start3A_465] : memref<32768x300xf32, #tpu.memory_space<any>> -> memref<1x300xf32, #tpu.memory_space<any>>
      tpu.enqueue_dma source(%dma_start3A_466 : memref<1x300xf32, #tpu.memory_space<any>>) target(%dma_start3A_464 : memref<1x300xf32, #tpu.memory_space<vmem>>) target_semaphore(%arg9 : memref<!tpu.dma_semaphore, #tpu.memory_space<semaphore_mem>>)
      %dma_start3A_467 = arith.constant 13 : i32
      %dma_start3A_468 = arith.constant 0 : i32
      %dma_start3A_469 = tpu.memref_slice %arg8[%dma_start3A_467, %dma_start3A_468] : memref<16x300xf32, #tpu.memory_space<vmem>> -> memref<1x300xf32, #tpu.memory_space<vmem>>
      %dma_start3A_470 = arith.constant 0 : i32
      %dma_start3A_471 = tpu.memref_slice %arg5[%reduce_min3A_293, %dma_start3A_470] : memref<32768x300xf32, #tpu.memory_space<any>> -> memref<1x300xf32, #tpu.memory_space<any>>
      tpu.enqueue_dma source(%dma_start3A_471 : memref<1x300xf32, #tpu.memory_space<any>>) target(%dma_start3A_469 : memref<1x300xf32, #tpu.memory_space<vmem>>) target_semaphore(%arg9 : memref<!tpu.dma_semaphore, #tpu.memory_space<semaphore_mem>>)
      %dma_start3A_472 = arith.constant 14 : i32
      %dma_start3A_473 = arith.constant 0 : i32
      %dma_start3A_474 = tpu.memref_slice %arg8[%dma_start3A_472, %dma_start3A_473] : memref<16x300xf32, #tpu.memory_space<vmem>> -> memref<1x300xf32, #tpu.memory_space<vmem>>
      %dma_start3A_475 = arith.constant 0 : i32
      %dma_start3A_476 = tpu.memref_slice %arg5[%reduce_min3A_313, %dma_start3A_475] : memref<32768x300xf32, #tpu.memory_space<any>> -> memref<1x300xf32, #tpu.memory_space<any>>
      tpu.enqueue_dma source(%dma_start3A_476 : memref<1x300xf32, #tpu.memory_space<any>>) target(%dma_start3A_474 : memref<1x300xf32, #tpu.memory_space<vmem>>) target_semaphore(%arg9 : memref<!tpu.dma_semaphore, #tpu.memory_space<semaphore_mem>>)
      %dma_wait3A = arith.constant 0 : i32
      %dma_wait3A_477 = arith.constant 0 : i32
      %dma_wait3A_478 = tpu.memref_slice %arg8[%dma_wait3A, %dma_wait3A_477] : memref<16x300xf32, #tpu.memory_space<vmem>> -> memref<1x300xf32, #tpu.memory_space<vmem>>
      %dma_wait3A_479 = arith.constant 0 : i32
      %dma_wait3A_480 = tpu.memref_slice %arg5[%reduce_min3A_33, %dma_wait3A_479] : memref<32768x300xf32, #tpu.memory_space<any>> -> memref<1x300xf32, #tpu.memory_space<any>>
      tpu.wait_dma2 semaphore(%arg9 : memref<!tpu.dma_semaphore, #tpu.memory_space<semaphore_mem>>) src(%dma_wait3A_480 : memref<1x300xf32, #tpu.memory_space<any>>) dst(%dma_wait3A_478 : memref<1x300xf32, #tpu.memory_space<vmem>>)
      %dma_wait3A_481 = arith.constant 1 : i32
      %dma_wait3A_482 = arith.constant 0 : i32
      %dma_wait3A_483 = tpu.memref_slice %arg8[%dma_wait3A_481, %dma_wait3A_482] : memref<16x300xf32, #tpu.memory_space<vmem>> -> memref<1x300xf32, #tpu.memory_space<vmem>>
      %dma_wait3A_484 = arith.constant 0 : i32
      %dma_wait3A_485 = tpu.memref_slice %arg5[%reduce_min3A_53, %dma_wait3A_484] : memref<32768x300xf32, #tpu.memory_space<any>> -> memref<1x300xf32, #tpu.memory_space<any>>
      tpu.wait_dma2 semaphore(%arg9 : memref<!tpu.dma_semaphore, #tpu.memory_space<semaphore_mem>>) src(%dma_wait3A_485 : memref<1x300xf32, #tpu.memory_space<any>>) dst(%dma_wait3A_483 : memref<1x300xf32, #tpu.memory_space<vmem>>)
      %dma_wait3A_486 = arith.constant 2 : i32
      %dma_wait3A_487 = arith.constant 0 : i32
      %dma_wait3A_488 = tpu.memref_slice %arg8[%dma_wait3A_486, %dma_wait3A_487] : memref<16x300xf32, #tpu.memory_space<vmem>> -> memref<1x300xf32, #tpu.memory_space<vmem>>
      %dma_wait3A_489 = arith.constant 0 : i32
      %dma_wait3A_490 = tpu.memref_slice %arg5[%reduce_min3A_73, %dma_wait3A_489] : memref<32768x300xf32, #tpu.memory_space<any>> -> memref<1x300xf32, #tpu.memory_space<any>>
      tpu.wait_dma2 semaphore(%arg9 : memref<!tpu.dma_semaphore, #tpu.memory_space<semaphore_mem>>) src(%dma_wait3A_490 : memref<1x300xf32, #tpu.memory_space<any>>) dst(%dma_wait3A_488 : memref<1x300xf32, #tpu.memory_space<vmem>>)
      %dma_wait3A_491 = arith.constant 3 : i32
      %dma_wait3A_492 = arith.constant 0 : i32
      %dma_wait3A_493 = tpu.memref_slice %arg8[%dma_wait3A_491, %dma_wait3A_492] : memref<16x300xf32, #tpu.memory_space<vmem>> -> memref<1x300xf32, #tpu.memory_space<vmem>>
      %dma_wait3A_494 = arith.constant 0 : i32
      %dma_wait3A_495 = tpu.memref_slice %arg5[%reduce_min3A_93, %dma_wait3A_494] : memref<32768x300xf32, #tpu.memory_space<any>> -> memref<1x300xf32, #tpu.memory_space<any>>
      tpu.wait_dma2 semaphore(%arg9 : memref<!tpu.dma_semaphore, #tpu.memory_space<semaphore_mem>>) src(%dma_wait3A_495 : memref<1x300xf32, #tpu.memory_space<any>>) dst(%dma_wait3A_493 : memref<1x300xf32, #tpu.memory_space<vmem>>)
      %dma_wait3A_496 = arith.constant 4 : i32
      %dma_wait3A_497 = arith.constant 0 : i32
      %dma_wait3A_498 = tpu.memref_slice %arg8[%dma_wait3A_496, %dma_wait3A_497] : memref<16x300xf32, #tpu.memory_space<vmem>> -> memref<1x300xf32, #tpu.memory_space<vmem>>
      %dma_wait3A_499 = arith.constant 0 : i32
      %dma_wait3A_500 = tpu.memref_slice %arg5[%reduce_min3A_113, %dma_wait3A_499] : memref<32768x300xf32, #tpu.memory_space<any>> -> memref<1x300xf32, #tpu.memory_space<any>>
      tpu.wait_dma2 semaphore(%arg9 : memref<!tpu.dma_semaphore, #tpu.memory_space<semaphore_mem>>) src(%dma_wait3A_500 : memref<1x300xf32, #tpu.memory_space<any>>) dst(%dma_wait3A_498 : memref<1x300xf32, #tpu.memory_space<vmem>>)
      %dma_wait3A_501 = arith.constant 5 : i32
      %dma_wait3A_502 = arith.constant 0 : i32
      %dma_wait3A_503 = tpu.memref_slice %arg8[%dma_wait3A_501, %dma_wait3A_502] : memref<16x300xf32, #tpu.memory_space<vmem>> -> memref<1x300xf32, #tpu.memory_space<vmem>>
      %dma_wait3A_504 = arith.constant 0 : i32
      %dma_wait3A_505 = tpu.memref_slice %arg5[%reduce_min3A_133, %dma_wait3A_504] : memref<32768x300xf32, #tpu.memory_space<any>> -> memref<1x300xf32, #tpu.memory_space<any>>
      tpu.wait_dma2 semaphore(%arg9 : memref<!tpu.dma_semaphore, #tpu.memory_space<semaphore_mem>>) src(%dma_wait3A_505 : memref<1x300xf32, #tpu.memory_space<any>>) dst(%dma_wait3A_503 : memref<1x300xf32, #tpu.memory_space<vmem>>)
      %dma_wait3A_506 = arith.constant 6 : i32
      %dma_wait3A_507 = arith.constant 0 : i32
      %dma_wait3A_508 = tpu.memref_slice %arg8[%dma_wait3A_506, %dma_wait3A_507] : memref<16x300xf32, #tpu.memory_space<vmem>> -> memref<1x300xf32, #tpu.memory_space<vmem>>
      %dma_wait3A_509 = arith.constant 0 : i32
      %dma_wait3A_510 = tpu.memref_slice %arg5[%reduce_min3A_153, %dma_wait3A_509] : memref<32768x300xf32, #tpu.memory_space<any>> -> memref<1x300xf32, #tpu.memory_space<any>>
      tpu.wait_dma2 semaphore(%arg9 : memref<!tpu.dma_semaphore, #tpu.memory_space<semaphore_mem>>) src(%dma_wait3A_510 : memref<1x300xf32, #tpu.memory_space<any>>) dst(%dma_wait3A_508 : memref<1x300xf32, #tpu.memory_space<vmem>>)
      %dma_wait3A_511 = arith.constant 7 : i32
      %dma_wait3A_512 = arith.constant 0 : i32
      %dma_wait3A_513 = tpu.memref_slice %arg8[%dma_wait3A_511, %dma_wait3A_512] : memref<16x300xf32, #tpu.memory_space<vmem>> -> memref<1x300xf32, #tpu.memory_space<vmem>>
      %dma_wait3A_514 = arith.constant 0 : i32
      %dma_wait3A_515 = tpu.memref_slice %arg5[%reduce_min3A_173, %dma_wait3A_514] : memref<32768x300xf32, #tpu.memory_space<any>> -> memref<1x300xf32, #tpu.memory_space<any>>
      tpu.wait_dma2 semaphore(%arg9 : memref<!tpu.dma_semaphore, #tpu.memory_space<semaphore_mem>>) src(%dma_wait3A_515 : memref<1x300xf32, #tpu.memory_space<any>>) dst(%dma_wait3A_513 : memref<1x300xf32, #tpu.memory_space<vmem>>)
      %dma_wait3A_516 = arith.constant 8 : i32
      %dma_wait3A_517 = arith.constant 0 : i32
      %dma_wait3A_518 = tpu.memref_slice %arg8[%dma_wait3A_516, %dma_wait3A_517] : memref<16x300xf32, #tpu.memory_space<vmem>> -> memref<1x300xf32, #tpu.memory_space<vmem>>
      %dma_wait3A_519 = arith.constant 0 : i32
      %dma_wait3A_520 = tpu.memref_slice %arg5[%reduce_min3A_193, %dma_wait3A_519] : memref<32768x300xf32, #tpu.memory_space<any>> -> memref<1x300xf32, #tpu.memory_space<any>>
      tpu.wait_dma2 semaphore(%arg9 : memref<!tpu.dma_semaphore, #tpu.memory_space<semaphore_mem>>) src(%dma_wait3A_520 : memref<1x300xf32, #tpu.memory_space<any>>) dst(%dma_wait3A_518 : memref<1x300xf32, #tpu.memory_space<vmem>>)
      %dma_wait3A_521 = arith.constant 9 : i32
      %dma_wait3A_522 = arith.constant 0 : i32
      %dma_wait3A_523 = tpu.memref_slice %arg8[%dma_wait3A_521, %dma_wait3A_522] : memref<16x300xf32, #tpu.memory_space<vmem>> -> memref<1x300xf32, #tpu.memory_space<vmem>>
      %dma_wait3A_524 = arith.constant 0 : i32
      %dma_wait3A_525 = tpu.memref_slice %arg5[%reduce_min3A_213, %dma_wait3A_524] : memref<32768x300xf32, #tpu.memory_space<any>> -> memref<1x300xf32, #tpu.memory_space<any>>
      tpu.wait_dma2 semaphore(%arg9 : memref<!tpu.dma_semaphore, #tpu.memory_space<semaphore_mem>>) src(%dma_wait3A_525 : memref<1x300xf32, #tpu.memory_space<any>>) dst(%dma_wait3A_523 : memref<1x300xf32, #tpu.memory_space<vmem>>)
      %dma_wait3A_526 = arith.constant 10 : i32
      %dma_wait3A_527 = arith.constant 0 : i32
      %dma_wait3A_528 = tpu.memref_slice %arg8[%dma_wait3A_526, %dma_wait3A_527] : memref<16x300xf32, #tpu.memory_space<vmem>> -> memref<1x300xf32, #tpu.memory_space<vmem>>
      %dma_wait3A_529 = arith.constant 0 : i32
      %dma_wait3A_530 = tpu.memref_slice %arg5[%reduce_min3A_233, %dma_wait3A_529] : memref<32768x300xf32, #tpu.memory_space<any>> -> memref<1x300xf32, #tpu.memory_space<any>>
      tpu.wait_dma2 semaphore(%arg9 : memref<!tpu.dma_semaphore, #tpu.memory_space<semaphore_mem>>) src(%dma_wait3A_530 : memref<1x300xf32, #tpu.memory_space<any>>) dst(%dma_wait3A_528 : memref<1x300xf32, #tpu.memory_space<vmem>>)
      %dma_wait3A_531 = arith.constant 11 : i32
      %dma_wait3A_532 = arith.constant 0 : i32
      %dma_wait3A_533 = tpu.memref_slice %arg8[%dma_wait3A_531, %dma_wait3A_532] : memref<16x300xf32, #tpu.memory_space<vmem>> -> memref<1x300xf32, #tpu.memory_space<vmem>>
      %dma_wait3A_534 = arith.constant 0 : i32
      %dma_wait3A_535 = tpu.memref_slice %arg5[%reduce_min3A_253, %dma_wait3A_534] : memref<32768x300xf32, #tpu.memory_space<any>> -> memref<1x300xf32, #tpu.memory_space<any>>
      tpu.wait_dma2 semaphore(%arg9 : memref<!tpu.dma_semaphore, #tpu.memory_space<semaphore_mem>>) src(%dma_wait3A_535 : memref<1x300xf32, #tpu.memory_space<any>>) dst(%dma_wait3A_533 : memref<1x300xf32, #tpu.memory_space<vmem>>)
      %dma_wait3A_536 = arith.constant 12 : i32
      %dma_wait3A_537 = arith.constant 0 : i32
      %dma_wait3A_538 = tpu.memref_slice %arg8[%dma_wait3A_536, %dma_wait3A_537] : memref<16x300xf32, #tpu.memory_space<vmem>> -> memref<1x300xf32, #tpu.memory_space<vmem>>
      %dma_wait3A_539 = arith.constant 0 : i32
      %dma_wait3A_540 = tpu.memref_slice %arg5[%reduce_min3A_273, %dma_wait3A_539] : memref<32768x300xf32, #tpu.memory_space<any>> -> memref<1x300xf32, #tpu.memory_space<any>>
      tpu.wait_dma2 semaphore(%arg9 : memref<!tpu.dma_semaphore, #tpu.memory_space<semaphore_mem>>) src(%dma_wait3A_540 : memref<1x300xf32, #tpu.memory_space<any>>) dst(%dma_wait3A_538 : memref<1x300xf32, #tpu.memory_space<vmem>>)
      %dma_wait3A_541 = arith.constant 13 : i32
      %dma_wait3A_542 = arith.constant 0 : i32
      %dma_wait3A_543 = tpu.memref_slice %arg8[%dma_wait3A_541, %dma_wait3A_542] : memref<16x300xf32, #tpu.memory_space<vmem>> -> memref<1x300xf32, #tpu.memory_space<vmem>>
      %dma_wait3A_544 = arith.constant 0 : i32
      %dma_wait3A_545 = tpu.memref_slice %arg5[%reduce_min3A_293, %dma_wait3A_544] : memref<32768x300xf32, #tpu.memory_space<any>> -> memref<1x300xf32, #tpu.memory_space<any>>
      tpu.wait_dma2 semaphore(%arg9 : memref<!tpu.dma_semaphore, #tpu.memory_space<semaphore_mem>>) src(%dma_wait3A_545 : memref<1x300xf32, #tpu.memory_space<any>>) dst(%dma_wait3A_543 : memref<1x300xf32, #tpu.memory_space<vmem>>)
      %dma_wait3A_546 = arith.constant 14 : i32
      %dma_wait3A_547 = arith.constant 0 : i32
      %dma_wait3A_548 = tpu.memref_slice %arg8[%dma_wait3A_546, %dma_wait3A_547] : memref<16x300xf32, #tpu.memory_space<vmem>> -> memref<1x300xf32, #tpu.memory_space<vmem>>
      %dma_wait3A_549 = arith.constant 0 : i32
      %dma_wait3A_550 = tpu.memref_slice %arg5[%reduce_min3A_313, %dma_wait3A_549] : memref<32768x300xf32, #tpu.memory_space<any>> -> memref<1x300xf32, #tpu.memory_space<any>>
      tpu.wait_dma2 semaphore(%arg9 : memref<!tpu.dma_semaphore, #tpu.memory_space<semaphore_mem>>) src(%dma_wait3A_550 : memref<1x300xf32, #tpu.memory_space<any>>) dst(%dma_wait3A_548 : memref<1x300xf32, #tpu.memory_space<vmem>>)
      %get3A_551 = arith.constant 0 : index
      %get3A_552 = arith.constant 0 : index
      %get3A_553 = vector.load %arg8[%get3A_551, %get3A_552] : memref<16x300xf32, #tpu.memory_space<vmem>>, vector<16x300xf32>
      %dot_general3A_554 = arith.constant dense<0.000000e+00> : vector<1x300xf32>
      %dot_general3A_555 = tpu.matmul %slice3A, %get3A_553, %dot_general3A_554 {dimension_numbers = #tpu.dot_dimension_numbers<[1], [0], [0], [1], [0, 0, 1, 1], [], []>, precision = #tpu.contract_precision<fp32>, transpose_lhs_hint = false} : vector<1x16xf32>, vector<16x300xf32>, vector<1x300xf32> -> vector<1x300xf32>
      %get3A_556 = arith.constant 0 : index
      %get3A_557 = arith.constant 0 : index
      %get3A_558 = vector.load %arg3[%get3A_556, %get3A_557] : memref<1x300xf32, #tpu.memory_space<vmem>>, vector<1x300xf32>
      %mul3A_559 = arith.mulf %dot_general3A_555, %get3A_558 : vector<1x300xf32>
      %get3A_560 = arith.constant 0 : index
      %get3A_561 = arith.constant 0 : index
      %get3A_562 = vector.load %arg1[%get3A_560, %get3A_561] : memref<1024x300xf32, #tpu.memory_space<vmem>>, vector<1024x300xf32>
      %dot_general3A_563 = arith.constant dense<0.000000e+00> : vector<1x1024xf32>
      %dot_general3A_564 = tpu.matmul %mul3A_559, %get3A_562, %dot_general3A_563 {dimension_numbers = #tpu.dot_dimension_numbers<[1], [1], [0], [0], [0, 0, 1, 0], [], []>, precision = #tpu.contract_precision<fp32>, transpose_lhs_hint = false} : vector<1x300xf32>, vector<1024x300xf32>, vector<1x1024xf32> -> vector<1x1024xf32>
      %swap3A_565 = arith.constant 0 : index
      %swap3A_566 = arith.constant 0 : index
      %swap3A_567 = vector.load %arg6[%swap3A_565, %swap3A_566] : memref<1x1024xf32, #tpu.memory_space<vmem>>, vector<1x1024xf32>
      tpu.vector_store %arg6[%swap3A_565, %swap3A_566], %dot_general3A_564 {strides = array<i32>} : memref<1x1024xf32, #tpu.memory_space<vmem>>, vector<1x1024xf32>,
    } else {
    }
    return
  }
  func.func @transform_0(%arg0: i32) -> (i32, i32) {
    %c0_i32 = arith.constant 0 : i32
    %c0_i32_0 = arith.constant 0 : i32
    %c0_i32_1 = arith.constant 0 : i32
    return %c0_i32, %c0_i32_0 : i32, i32
  }
  func.func @transform_1(%arg0: i32) -> (i32, i32) {
    %c0_i32 = arith.constant 0 : i32
    %c0_i32_0 = arith.constant 0 : i32
    %c0_i32_1 = arith.constant 0 : i32
    return %c0_i32, %c0_i32_0 : i32, i32
  }
  func.func @transform_2(%arg0: i32) -> (i32, i32) {
    %c0_i32 = arith.constant 0 : i32
    %c0_i32_0 = arith.constant 0 : i32
    %c0_i32_1 = arith.constant 0 : i32
    return %c0_i32, %c0_i32_0 : i32, i32
  }
  func.func @transform_3(%arg0: i32) -> (i32, i32) {
    %c0_i32 = arith.constant 0 : i32
    %c0_i32_0 = arith.constant 0 : i32
    return %arg0, %c0_i32 : i32, i32
  }
  func.func @transform_5(%arg0: i32) -> (i32, i32) {
    %c0_i32 = arith.constant 0 : i32
    %c0_i32_0 = arith.constant 0 : i32
    %c0_i32_1 = arith.constant 0 : i32
    return %c0_i32, %c0_i32_0 : i32, i32
  }
}

</mosaic_0001>

<sc_bundles>
// kernel: kernel.4.cloned.1.call-start
scs
__scs_entry_jumppad:
0x0: {  	(pc) =	sbr.rel $0x88, $3  }
0x1: {  	(tag) =	ssettag $0x0;
	lr =	simm.s32 $0x1  }
0x2: {  	[smem:$0x3F9C] =	sst lr;
	_ =	strace $0xD0000000  }
0x3: {  	_ = 	snop  }
0x4: {  	_ = 	snop  }
0x5: {  	_ = 	snop  }
0x6: {  	_ = 	snop  }
0x7: {  	_ = 	snop  }
__scs_overlays_trampoline_lowered:
0x8: {  	[smem:$0x3FAB] =	sst s0  }
0x9: {  	[smem:$0x3FAC] =	sst s1  }
0xa: {  	[smem:$0x3FAD] =	sst s2  }
0xb: {  	[smem:$0x3FAE] =	sst s3  }
0xc: {  	[smem:$0x3FAF] =	sst s4  }
0xd: {  	[smem:$0x3FB0] =	sst s5  }
0xe: {  	[smem:$0x3FB1] =	sst s6  }
0xf: {  	[smem:$0x3FB2] =	sst s7  }
0x10: {  	[smem:$0x3FB3] =	sst s8  }
0x11: {  	[smem:$0x3FB4] =	sst s9;
	s0 =	simm.s32 @!p0 $0x0  }
0x12: {  	s1 =	sld [smem:$0x3F9A];
	s0 =	simm.s32 @p0 $0x1  }
0x13: {  	[smem:$0x3FB5] =	sst s0;
	s0 =	simm.s32 @!p1 $0x0  }
0x14: {  	s2 =	sld [smem:$0x3F99];
	s0 =	simm.s32 @p1 $0x1  }
0x15: {  	[smem:$0x3FB6] =	sst s0;
	s0 =	simm.s32 @!p2 $0x0  }
0x16: {  	s3 =	sld [smem:$0x3FDB];
	s0 =	simm.s32 @p2 $0x1  }
0x17: {  	s4 =	simm.s32 $0x1BF5;
	[smem:$0x3FB8] =	sst s0  }
0x18: {  	s0 =	sld [smem:$0x3F9B];
	_ =	swait.ge [sflag:s4], $0x0  }
0x19: {  	s7 =	sld [smem:$0x3F9C]  }
0x1a: {  	s8 =	sadd.s32 $0xFFFFE003, lr  }
0x1b: {  	s9 =	sadd.s32 $0xFFFFFEF7, lr;
	s5 =	simm.s32 $0xFFFFFFFF;
	p2 =	slt.u32 s8, $0xFFFFF086  }
0x1c: {  	p1 =	slt.u32 s9, $0xF7A;
	s5 =	simm.s32 @!p2 $0x0  }
0x1d: {  	s5 =	simm.s32 @p1 $0x1;
	p0 =	seq.s32 s7, s2  }
0x1e: {  	s7 =	smul.u32 @!p0 $0xF7A, s2;
	p2 =	seq.s32 @!p0 s5, $0x0  }
0x1f: {  	s9 =	smul.u32 $0xF7A, s1;
	s8 =	simm.s32 @!p0 $0x1BF5;
	p2 =	por !p2, p0  }
0x20: {  	[sflag:s8] =	ssyncset.s32 @!p0 $0xFFFFF086;
	s6 =	sadd.s32 @!p0 s3, s7;
	s7 =	simm.s32 @!p0 $0x108  }
0x21: {  	s3 =	sadd.s32 s3, s9;
	s6 =	sadd.s32 @!p0 $0x88, s6;
	s7 =	simm.s32 @p2 $0x1082  }
0x22: {  	[simem:s7], [sflag:s8] =	dma.local @!p0 [hbm:s6], $0xF7A  }
0x23: {  	s9 =	sor.u32 $0xD0000000, s2;
	s6 =	simm.s32 $0x108;
	_ =	swait.ge @!p0 [sflag:s8], $0x0  }
0x24: {  	s3 =	sadd.s32 $0x88, s3;
	s6 =	simm.s32 @!p1 $0x1082;
	[sflag:s4] =	ssyncset.s32 $0xFFFFF086  }
0x25: {  	[simem:s6], [sflag:s4] =	dma.local [hbm:s3], $0xF7A  }
0x26: {  	[smem:$0x3F9C] =	sst s1;
	(tag) =	ssettag s2;
	_ =	strace s9  }
0x27: {  	s1 =	sld [smem:$0x3FAC]  }
0x28: {  	s2 =	sld [smem:$0x3FAD]  }
0x29: {  	s4 =	sld [smem:$0x3FAF]  }
0x2a: {  	p0 =	seq.s32 s5, $0x0;
	s5 =	sld [smem:$0x3FB0]  }
0x2b: {  	s6 =	sld [smem:$0x3FB1]  }
0x2c: {  	s7 =	sld [smem:$0x3FB2]  }
0x2d: {  	s3 =	simm.s32 $0x108;
	s8 =	sld [smem:$0x3FB3]  }
0x2e: {  	s3 =	simm.s32 @!p0 $0x1082;
	s9 =	sld [smem:$0x3FB4]  }
0x2f: {  	lr =	sadd.s32 s0, s3;
	s0 =	sld [smem:$0x3FAB]  }
0x30: {  	s3 =	sld [smem:$0x3FAE]  }
0x31: {  	[smem:$0x3FB7] =	sst s10  }
0x32: {  	s10 =	sld [smem:$0x3FB5];
	_ =	sdelay $0x3  }
0x33: {  	p0 =	seq.s32 s10, $0x1;
	s10 =	sld [smem:$0x3FB7];
	_ =	sdelay $0x3  }
0x34: {  	[smem:$0x3FB7] =	sst s10  }
0x35: {  	s10 =	sld [smem:$0x3FB6];
	_ =	sdelay $0x3  }
0x36: {  	p1 =	seq.s32 s10, $0x1;
	s10 =	sld [smem:$0x3FB7];
	_ =	sdelay $0x3  }
0x37: {  	[smem:$0x3FB7] =	sst s10  }
0x38: {  	s10 =	sld [smem:$0x3FB8]  }
0x39: {  	_ = 	snop;
	(pc) =	sbr.ind lr, $3  }
0x3a: {  	_ = 	snop  }
0x3b: {  	_ = 	snop  }
0x3c: {  	p2 =	seq.s32 s10, $0x1;
	s10 =	sld [smem:$0x3FB7]  }
0x3d: {  	_ =	shalt  }
0x3e: {  	_ =	shalt  }
0x3f: {  	_ =	shalt  }
0x40: {  	_ =	shalt  }
0x41: {  	_ =	shalt  }
0x42: {  	_ =	shalt  }
0x43: {  	_ =	shalt  }
0x44: {  	_ =	shalt  }
0x45: {  	_ =	shalt  }
0x46: {  	_ =	shalt  }
0x47: {  	_ =	shalt  }
0x48: {  	_ =	shalt  }
0x49: {  	_ =	shalt  }
0x4a: {  	_ =	shalt  }
0x4b: {  	_ =	shalt  }
0x4c: {  	_ =	shalt  }
0x4d: {  	_ =	shalt  }
0x4e: {  	_ =	shalt  }
0x4f: {  	_ =	shalt  }
0x50: {  	_ =	shalt  }
0x51: {  	_ =	shalt  }
0x52: {  	_ =	shalt  }
0x53: {  	_ =	shalt  }
0x54: {  	_ =	shalt  }
0x55: {  	_ =	shalt  }
0x56: {  	_ =	shalt  }
0x57: {  	_ =	shalt  }
0x58: {  	_ =	shalt  }
0x59: {  	_ =	shalt  }
0x5a: {  	_ =	shalt  }
0x5b: {  	_ =	shalt  }
0x5c: {  	_ =	shalt  }
0x5d: {  	_ =	shalt  }
0x5e: {  	_ =	shalt  }
0x5f: {  	_ =	shalt  }
0x60: {  	_ =	shalt  }
0x61: {  	_ =	shalt  }
0x62: {  	_ =	shalt  }
0x63: {  	_ =	shalt  }
0x64: {  	_ =	shalt  }
0x65: {  	_ =	shalt  }
0x66: {  	_ =	shalt  }
0x67: {  	_ =	shalt  }
0x68: {  	_ =	shalt  }
0x69: {  	_ =	shalt  }
0x6a: {  	_ =	shalt  }
0x6b: {  	_ =	shalt  }
0x6c: {  	_ =	shalt  }
0x6d: {  	_ =	shalt  }
0x6e: {  	_ =	shalt  }
0x6f: {  	_ =	shalt  }
0x70: {  	_ =	shalt  }
0x71: {  	_ =	shalt  }
0x72: {  	_ =	shalt  }
0x73: {  	_ =	shalt  }
0x74: {  	_ =	shalt  }
0x75: {  	_ =	shalt  }
0x76: {  	_ =	shalt  }
0x77: {  	_ =	shalt  }
0x78: {  	_ =	shalt  }
0x79: {  	_ =	shalt  }
0x7a: {  	_ =	shalt  }
0x7b: {  	_ =	shalt  }
0x7c: {  	_ =	shalt  }
0x7d: {  	_ =	shalt  }
0x7e: {  	_ =	shalt  }
0x7f: {  	_ =	shalt  }
0x80: {  	_ =	shalt  }
0x81: {  	_ =	shalt  }
0x82: {  	_ =	shalt  }
0x83: {  	_ =	shalt  }
0x84: {  	_ =	shalt  }
0x85: {  	_ =	shalt  }
0x86: {  	_ =	shalt  }
0x87: {  	_ =	shalt  }
.Lfunc_end0:
.L_simem_size_0:
called_computation_lowered:
.L_overlay_start_0:
0x88: {  	s2 =	sld [smem:$0x3FD9]  }
0x89: {  	s3 =	sld [smem:$0x3FFE];
	_ =	sdelay $0x1  }
0x8a: {  	s1 =	srdreg.scid  }
0x8b: {  	s0 =	sand.u32 $0x1, s1  }
0x8c: {  	s17 =	sshll.u32 s0, $0xA;
	s2 =	sadd.s32 s3, s2  }
0x8d: {  	s2 =	sadd.s32 s2, s17  }
0x8e: {  	[smem:$0x3FC3] =	sst s2  }
0x8f: {  	_ = 	snop  }
0x90: {  	s2 =	sld [smem:$0x3FC9];
	(tm) =	ssettm $0x1  }
0x91: {  	s18 =	sld [smem:$0x3FFB];
	_ =	sdelay $0x3  }
0x92: {  	_ =	strace s18  }
0x93: {  	s3 =	sld [smem:$0x3FFC];
	_ =	sdelay $0x3  }
0x94: {  	_ =	strace s3  }
0x95: {  	s3 =	sld [smem:$0x3FFD];
	_ =	sdelay $0x3  }
0x96: {  	_ =	strace s3  }
0x97: {  	_ =	strace $0x8FFFFFFF  }
0x98: {  	s19 =	sld [smem:$0x3FDB];
	_ =	sdelay $0x1  }
0x99: {  	s4 =	simm.s32 $_scs_section_size  }
0x9a: {  	s5 =	simm.s32 $_size__tile_overlayer_lowered;
	s6 =	simm.s32 $_tile_overlayer_lowered  }
0x9b: {  	s22 =	simm.s32 $0x1BFF;
	s21 =	sshll.u32 s6, $0x1;
	s3 =	sadd.s32 s4, s19  }
0x9c: {  	s7 =	simm.s32 $0x0;
	s20 =	sshll.u32 s5, $0x1;
	s5 =	sadd.s32 s21, s3  }
0x9d: {  	[timem:s7], [sflag:s22] =	dma.local [hbm:s5], s20  }
0x9e: {  	_ =	swait.ge [sflag:s22], s20  }
0x9f: {  	s4 =	ssub.s32 $0x0, s20;
	[sflag:s22] =	ssyncset.done $0x0  }
0xa0: {  	[sflag:s22] =	ssyncadd.s32 s4;
	_ =	sdelay $0x1  }
0xa1: {  	s23 =	simm.s32 $0x1B8B  }
0xa2: {  	_ =	swait.ge [sflag:s23], $0x1  }
0xa3: {  	[sflag:s23] =	ssyncset.done $0x0  }
0xa4: {  	s25 =	simm.s32 $0x1B8E;
	s24 =	sld [smem:$0x3FFE];
	[sflag:s23] =	ssyncadd.s32 $0xFFFFFFFF  }
0xa5: {  	s26 =	simm.s32 $execute0_lowered;
	[smem:$0x3FD2] =	sst s25  }
0xa6: {  	s5 =	sshll.u32 s26, $0x1;
	_ =	strace $0x80000046;
	[dreg:$0x1] =	wrdreg $0xFFFFFFFF  }
0xa7: {  	s28 =	simm.s32 $_size_execute0_lowered;
	s3 =	sadd.s32 s3, s5;
	[dreg:$0x0] =	wrdreg $0x0  }
0xa8: {  	s5 =	sshll.u32 s28, $0x1;
	[dreg:$0x2] =	wrdreg s3  }
0xa9: {  	[dreg:$0x3] =	wrdreg s5  }
0xaa: {  	[dreg:$0x4] =	wrdreg $0xC0  }
0xab: {  	_ =	task [dreg:s7], $0x5FFFF  }
0xac: {  	[dreg:$0x1] =	wrdreg $0xFFFFFFFF  }
0xad: {  	[dreg:$0x0] =	wrdreg $0x60  }
0xae: {  	[dreg:$0x2] =	wrdreg s24  }
0xaf: {  	[dreg:$0x3] =	wrdreg s2  }
0xb0: {  	[dreg:$0x4] =	wrdreg $0x9  }
0xb1: {  	_ =	task.clear_ibuf [dreg:s7], $0x5FFFF;
	_ =	strace $0x90000046  }
0xb2: {  	s29 =	simm.s32 $0x9;
	_ =	strace $0x80000048  }
0xb3: {  	_ =	swait.ge [sflag:s29], $0x1  }
0xb4: {  	[sflag:s29] =	ssyncadd.s32 $0xFFFFFFFF  }
0xb5: {  	_ =	strace $0x90000048  }
0xb6: {  	_ =	sfence  }
0xb7: {  	s30 =	sld [smem:$0x0];
	_ =	sdelay $0x2  }
0xb8: {  	s31 =	sshll.u32 s1, $0xD;
	s1 =	sshrl.u32 s1, $0x2  }
0xb9: {  	s3 =	sand.u32 $0x4000, s31;
	s1 =	sadd.s32 s1, s30  }
0xba: {  	s0 =	sor.u32 s3, s0;
	s1 =	sshll.u32 s1, $0x11  }
0xbb: {  	s0 =	sor.u32 s1, s0  }
0xbc: {  	s0 =	sadd.s32 $0x8F2B, s0  }
0xbd: {  	[sflag:s0] =	ssyncadd.remote.s32 $0x1  }
0xbe: {  	_ =	sfence.sel $0xFFFF  }
0xbf: {  	[dreg:$0x0] =	wrdreg $0xFFFFFFFF;
	(pc) =	sbr.abs _section_cstart, $3  }
0xc0: {  	[dreg:$0x1] =	wrdreg $0xFFFFFFFF  }
0xc1: {  	_ =	task.clear_ibuf [dreg:s7], $0x2FFFF;
	_ =	strace $0x9FFFFFFF  }
0xc2: {  	(tm) =	ssettm $0x7FFFFFFF  }
0xc3: {  	_ =	shalt  }
tec
execute0_lowered:
.L_overlay_start_1:
0x0: {  	(tag) =	ssettag $0x1  }
0x1: {  	s1 =	srdreg.scid  }
0x2: {  	s0 =	stileid.u32;
	s3 =	rddreg [dreg:$0x0];
	s4 =	sand.u32 $0x1, s1  }
0x3: {  	s5 =	rddreg [dreg:$0x1];
	s8 =	sshll.u32 s0, $0x3;
	s2 =	sshll.u32 s4, $0x2  }
0x4: {  	s1 =	rddreg [dreg:$0x2];
	s6 =	sor.u32 s2, s8;
	s2 =	simm.s32 $0x0  }
0x5: {  	[smem:$0x7FF] =	sst s2;
	s5 =	sadd.s32 s5, s6  }
0x6: {  	s10 =	simm.s32 $0x480;
	_ =	strace $0x80000047;
	[dreg:$0x3] =	wrdreg s5  }
0x7: {  	s11 =	simm.s32 $0x880;
	[dreg:$0x5] =	wrdreg s10  }
0x8: {  	s12 =	simm.s32 $0x100;
	[dreg:$0x6] =	wrdreg s11  }
0x9: {  	s13 =	simm.s32 $0x500;
	[dreg:$0x7] =	wrdreg s12  }
0xa: {  	s14 =	simm.s32 $0x900;
	[dreg:$0x8] =	wrdreg s13  }
0xb: {  	s15 =	simm.s32 $0x180;
	[dreg:$0x9] =	wrdreg s14  }
0xc: {  	s16 =	simm.s32 $0x580;
	[dreg:$0xa] =	wrdreg s15  }
0xd: {  	s17 =	simm.s32 $0x980;
	[dreg:$0xb] =	wrdreg s16  }
0xe: {  	s18 =	simm.s32 $0x200;
	[dreg:$0xc] =	wrdreg s17  }
0xf: {  	s19 =	simm.s32 $0x600;
	[dreg:$0xd] =	wrdreg s18  }
0x10: {  	s20 =	simm.s32 $0xA00;
	[dreg:$0xe] =	wrdreg s19  }
0x11: {  	s21 =	simm.s32 $0x280;
	[dreg:$0xf] =	wrdreg s20  }
0x12: {  	s22 =	simm.s32 $0x680;
	[dreg:$0x10] =	wrdreg s21  }
0x13: {  	s23 =	simm.s32 $0xA80;
	[dreg:$0x11] =	wrdreg s22  }
0x14: {  	s24 =	simm.s32 $0x300;
	[dreg:$0x12] =	wrdreg s23  }
0x15: {  	s25 =	simm.s32 $0x700;
	[dreg:$0x13] =	wrdreg s24  }
0x16: {  	s26 =	simm.s32 $0xB00;
	[dreg:$0x14] =	wrdreg s25  }
0x17: {  	s28 =	simm.s32 $0x380;
	[dreg:$0x15] =	wrdreg s26  }
0x18: {  	s29 =	simm.s32 $0x780;
	[dreg:$0x16] =	wrdreg s28  }
0x19: {  	s30 =	simm.s32 $0xB80;
	[dreg:$0x17] =	wrdreg s29  }
0x1a: {  	s31 =	simm.s32 $0x400;
	[dreg:$0x18] =	wrdreg s30  }
0x1b: {  	s7 =	smul.u32 $0x180, s6;
	s6 =	simm.s32 $0x800;
	[dreg:$0x19] =	wrdreg s31  }
0x1c: {  	s8 =	simm.s32 $0xC80;
	[dreg:$0x1a] =	wrdreg s6  }
0x1d: {  	[dreg:$0x1c] =	wrdreg s8;
	s10 =	simm.s32 $0x1480  }
0x1e: {  	s11 =	simm.s32 $0xD00;
	[dreg:$0x1e] =	wrdreg s10  }
0x1f: {  	s12 =	simm.s32 $0x1100;
	[dreg:$0x1f] =	wrdreg s11  }
0x20: {  	s13 =	simm.s32 $0x1500;
	[smem:$0x7BA] =	sst s12  }
0x21: {  	s14 =	simm.s32 $0xD80;
	[smem:$0x7BB] =	sst s13  }
0x22: {  	s15 =	simm.s32 $0x1180;
	[smem:$0x7BC] =	sst s14  }
0x23: {  	s16 =	simm.s32 $0x1580;
	[smem:$0x7BD] =	sst s15  }
0x24: {  	s17 =	simm.s32 $0xE00;
	[smem:$0x7BE] =	sst s16  }
0x25: {  	s18 =	simm.s32 $0x1200;
	[smem:$0x7BF] =	sst s17  }
0x26: {  	s19 =	simm.s32 $0x1600;
	[smem:$0x7C0] =	sst s18  }
0x27: {  	s20 =	simm.s32 $0xE80;
	[smem:$0x7C1] =	sst s19  }
0x28: {  	s21 =	simm.s32 $0x1280;
	[smem:$0x7C2] =	sst s20  }
0x29: {  	s22 =	simm.s32 $0x1680;
	[smem:$0x7C3] =	sst s21  }
0x2a: {  	s23 =	simm.s32 $0xF00;
	[smem:$0x7C4] =	sst s22  }
0x2b: {  	s24 =	simm.s32 $0x1300;
	[smem:$0x7C5] =	sst s23  }
0x2c: {  	s25 =	simm.s32 $0x1700;
	[smem:$0x7C6] =	sst s24  }
0x2d: {  	s26 =	simm.s32 $0xF80;
	[smem:$0x7C7] =	sst s25  }
0x2e: {  	s28 =	simm.s32 $0x1380;
	[smem:$0x7C8] =	sst s26  }
0x2f: {  	s29 =	simm.s32 $0x1780;
	[smem:$0x7C9] =	sst s28  }
0x30: {  	s30 =	simm.s32 $0x1000;
	[smem:$0x7CA] =	sst s29  }
0x31: {  	s31 =	simm.s32 $0x1400;
	[smem:$0x7CB] =	sst s30  }
0x32: {  	s6 =	simm.s32 $0x1800;
	[smem:$0x7CC] =	sst s31  }
0x33: {  	s8 =	simm.s32 $0x1C80;
	[smem:$0x7CD] =	sst s6  }
0x34: {  	[smem:$0x7CF] =	sst s8;
	s10 =	simm.s32 $0x1900  }
0x35: {  	s11 =	simm.s32 $0x1D00;
	[smem:$0x7D1] =	sst s10  }
0x36: {  	s12 =	simm.s32 $0x2100;
	[smem:$0x7D2] =	sst s11  }
0x37: {  	s13 =	simm.s32 $0x1980;
	[smem:$0x7D3] =	sst s12  }
0x38: {  	s14 =	simm.s32 $0x1D80;
	[smem:$0x7D4] =	sst s13  }
0x39: {  	s15 =	simm.s32 $0x2180;
	[smem:$0x7D5] =	sst s14  }
0x3a: {  	s16 =	simm.s32 $0x1A00;
	[smem:$0x7D6] =	sst s15  }
0x3b: {  	s17 =	simm.s32 $0x1E00;
	[smem:$0x7D7] =	sst s16  }
0x3c: {  	s18 =	simm.s32 $0x2200;
	[smem:$0x7D8] =	sst s17  }
0x3d: {  	s19 =	simm.s32 $0x1A80;
	[smem:$0x7D9] =	sst s18  }
0x3e: {  	s20 =	simm.s32 $0x1E80;
	[smem:$0x7DA] =	sst s19  }
0x3f: {  	s21 =	simm.s32 $0x2280;
	[smem:$0x7DB] =	sst s20  }
0x40: {  	s22 =	simm.s32 $0x1B00;
	[smem:$0x7DC] =	sst s21  }
0x41: {  	s23 =	simm.s32 $0x1F00;
	[smem:$0x7DD] =	sst s22  }
0x42: {  	s24 =	simm.s32 $0x2300;
	[smem:$0x7DE] =	sst s23  }
0x43: {  	s25 =	simm.s32 $0x1B80;
	[smem:$0x7DF] =	sst s24  }
0x44: {  	s26 =	simm.s32 $0x1F80;
	[smem:$0x7E0] =	sst s25  }
0x45: {  	s28 =	simm.s32 $0x2380;
	[smem:$0x7E1] =	sst s26  }
0x46: {  	s29 =	simm.s32 $0x1C00;
	[smem:$0x7E2] =	sst s28  }
0x47: {  	s30 =	simm.s32 $0x2000;
	[smem:$0x7E3] =	sst s29  }
0x48: {  	s31 =	simm.s32 $0x2400;
	[smem:$0x7E4] =	sst s30  }
0x49: {  	s6 =	simm.s32 $0x2480;
	[smem:$0x7E5] =	sst s31  }
0x4a: {  	s7 =	sadd.s32 s7, s3;
	s8 =	simm.s32 $0x2C80;
	[smem:$0x7E6] =	sst s6  }
0x4b: {  	s9 =	sadd.s32 $0x494800, s7;
	[smem:$0x7E8] =	sst s8  }
0x4c: {  	s7 =	simm.s32 $0xC00;
	[dreg:$0x4] =	wrdreg s9  }
0x4d: {  	s10 =	simm.s32 $0x2900;
	[dreg:$0x1b] =	wrdreg s7  }
0x4e: {  	s11 =	simm.s32 $0x2D00;
	[smem:$0x7EA] =	sst s10  }
0x4f: {  	s12 =	simm.s32 $0x2580;
	[smem:$0x7EB] =	sst s11  }
0x50: {  	s13 =	simm.s32 $0x2980;
	[smem:$0x7EC] =	sst s12  }
0x51: {  	s14 =	simm.s32 $0x2D80;
	[smem:$0x7ED] =	sst s13  }
0x52: {  	s15 =	simm.s32 $0x2600;
	[smem:$0x7EE] =	sst s14  }
0x53: {  	s16 =	simm.s32 $0x2A00;
	[smem:$0x7EF] =	sst s15  }
0x54: {  	s17 =	simm.s32 $0x2E00;
	[smem:$0x7F0] =	sst s16  }
0x55: {  	s18 =	simm.s32 $0x2680;
	[smem:$0x7F1] =	sst s17  }
0x56: {  	s19 =	simm.s32 $0x2A80;
	[smem:$0x7F2] =	sst s18  }
0x57: {  	s20 =	simm.s32 $0x2E80;
	[smem:$0x7F3] =	sst s19  }
0x58: {  	s21 =	simm.s32 $0x2700;
	[smem:$0x7F4] =	sst s20  }
0x59: {  	s22 =	simm.s32 $0x2B00;
	[smem:$0x7F5] =	sst s21  }
0x5a: {  	s23 =	simm.s32 $0x2F00;
	[smem:$0x7F6] =	sst s22  }
0x5b: {  	s24 =	simm.s32 $0x2780;
	[smem:$0x7F7] =	sst s23  }
0x5c: {  	s25 =	simm.s32 $0x2B80;
	[smem:$0x7F8] =	sst s24  }
0x5d: {  	s28 =	simm.s32 $0x2F80;
	[smem:$0x7F9] =	sst s25  }
0x5e: {  	s29 =	simm.s32 $0x2800;
	[smem:$0x7FA] =	sst s28  }
0x5f: {  	s30 =	simm.s32 $0x2C00;
	[smem:$0x7FB] =	sst s29  }
0x60: {  	s4 =	ssub.s32 $0x2, s4;
	s31 =	simm.s32 $0x3000;
	[smem:$0x7FC] =	sst s30  }
0x61: {  	s5 =	simm.s32 $0x2;
	s9 =	simm.s32 $0x1080;
	[smem:$0x7FD] =	sst s31  }
0x62: {  	s3 =	sadd.s32 $0xA00, s3;
	s7 =	simm.s32 $0x1880;
	[dreg:$0x1d] =	wrdreg s9  }
0x63: {  	s26 =	sshrl.u32 s4, $0x1;
	[smem:$0x7CE] =	sst s7;
	s9 =	simm.s32 $0x2080  }
0x64: {  	s6 =	simm.s32 $0x80;
	s7 =	simm.s32 $0x2880;
	[smem:$0x7D0] =	sst s9  }
0x65: {  	s4 =	ssub.s32 s4, s26;
	[smem:$0x7E7] =	sst s7;
	s9 =	simm.s32 $0x2500  }
0x66: {  	s4 =	smax.u32 s4, $0x1;
	s7 =	simm.s32 $0x1;
	[smem:$0x7E9] =	sst s9  }
.LBB2_1:
0x67: {  	s8 =	rddreg [dreg:$0x3]  }
0x68: {  	[tilespmem:s2], [sflag:$0x2] =	stream.linear.gather [hbm4b:s8+s2], $0x20, $0x38;
	[tilespmem:$0x3080] =	vst v63  }
0x69: {  	_ =	swait.ge [sflag:s5], $0x20  }
0x6a: {  	[sflag:s5] =	ssyncset.done $0x0  }
0x6b: {  	[sflag:s5] =	ssyncadd.s32 $0xFFFFFFE0  }
0x6c: {  	v0 =	vld [tilespmem:$0x0];
	_ =	sdelay $0x4  }
0x6d: {  	(v2sf) =	vpush v0, $0x0;
	_ =	sdelay $0x7  }
0x6e: {  	(v2sf) =	vpush v0, $0x1;
	_ =	sdelay $0x6  }
0x6f: {  	s22 =	spop (v2sf)  }
0x70: {  	s9 =	sshrl.u32 s22, $0x3  }
0x71: {  	s8 =	sshll.u32 s22, $0x7;
	s9 =	smul.u32 $0xC00, s9  }
0x72: {  	(v2sf) =	vpush v0, $0x2;
	s8 =	sand.u32 $0x380, s8  }
0x73: {  	s8 =	sor.u32 s8, s9  }
0x74: {  	s8 =	sshrl.u32 s8, $0x3  }
0x75: {  	s8 =	sadd.s32 s3, s8  }
0x76: {  	[tilespmem:s6], [sflag:$0x1] =	stream.linear.gather [hbm4b:s8+s2], $0x80, $0x38;
	[tilespmem:$0x3080] =	vst v63  }
0x77: {  	s23 =	rddreg [dreg:$0x5];
	s24 =	spop (v2sf);
	s10 =	sadd.s32 $0x80, s8  }
0x78: {  	[tilespmem:s23], [sflag:$0x1] =	stream.linear.gather [hbm4b:s10+s2], $0x80, $0x38;
	[tilespmem:$0x3080] =	vst v63  }
0x79: {  	s11 =	rddreg [dreg:$0x6];
	s25 =	sshrl.u32 s24, $0x3;
	s8 =	sadd.s32 $0x100, s8  }
0x7a: {  	[tilespmem:s11], [sflag:$0x1] =	stream.linear.gather [hbm4b:s8+s2], $0x80, $0x38;
	[tilespmem:$0x3080] =	vst v63  }
0x7b: {  	s9 =	smul.u32 $0xC00, s25;
	s8 =	sshll.u32 s24, $0x7  }
0x7c: {  	(v2sf) =	vpush v0, $0x3;
	s8 =	sand.u32 $0x380, s8  }
0x7d: {  	s8 =	sor.u32 s8, s9  }
0x7e: {  	s8 =	sshrl.u32 s8, $0x3  }
0x7f: {  	s26 =	rddreg [dreg:$0x7];
	s8 =	sadd.s32 s3, s8  }
0x80: {  	[tilespmem:s26], [sflag:$0x1] =	stream.linear.gather [hbm4b:s8+s2], $0x80, $0x38;
	[tilespmem:$0x3080] =	vst v63  }
0x81: {  	s28 =	rddreg [dreg:$0x8];
	s31 =	spop (v2sf);
	s29 =	sadd.s32 $0x80, s8  }
0x82: {  	[tilespmem:s28], [sflag:$0x1] =	stream.linear.gather [hbm4b:s29+s2], $0x80, $0x38;
	[tilespmem:$0x3080] =	vst v63  }
0x83: {  	s30 =	rddreg [dreg:$0x9];
	s8 =	sadd.s32 $0x100, s8;
	s10 =	sshrl.u32 s31, $0x3  }
0x84: {  	[tilespmem:s30], [sflag:$0x1] =	stream.linear.gather [hbm4b:s8+s2], $0x80, $0x38;
	[tilespmem:$0x3080] =	vst v63  }
0x85: {  	s9 =	smul.u32 $0xC00, s10;
	s8 =	sshll.u32 s31, $0x7  }
0x86: {  	(v2sf) =	vpush v0, $0x4;
	s8 =	sand.u32 $0x380, s8  }
0x87: {  	s8 =	sor.u32 s8, s9  }
0x88: {  	s8 =	sshrl.u32 s8, $0x3  }
0x89: {  	s11 =	rddreg [dreg:$0xa];
	s8 =	sadd.s32 s3, s8  }
0x8a: {  	[tilespmem:s11], [sflag:$0x1] =	stream.linear.gather [hbm4b:s8+s2], $0x80, $0x38;
	[tilespmem:$0x3080] =	vst v63  }
0x8b: {  	s12 =	rddreg [dreg:$0xb];
	s15 =	spop (v2sf);
	s13 =	sadd.s32 $0x80, s8  }
0x8c: {  	[tilespmem:s12], [sflag:$0x1] =	stream.linear.gather [hbm4b:s13+s2], $0x80, $0x38;
	[tilespmem:$0x3080] =	vst v63  }
0x8d: {  	s14 =	rddreg [dreg:$0xc];
	s16 =	sshrl.u32 s15, $0x3;
	s8 =	sadd.s32 $0x100, s8  }
0x8e: {  	[tilespmem:s14], [sflag:$0x1] =	stream.linear.gather [hbm4b:s8+s2], $0x80, $0x38;
	[tilespmem:$0x3080] =	vst v63  }
0x8f: {  	s9 =	smul.u32 $0xC00, s16;
	s8 =	sshll.u32 s15, $0x7  }
0x90: {  	(v2sf) =	vpush v0, $0x5;
	s8 =	sand.u32 $0x380, s8  }
0x91: {  	s8 =	sor.u32 s8, s9  }
0x92: {  	s8 =	sshrl.u32 s8, $0x3  }
0x93: {  	s17 =	rddreg [dreg:$0xd];
	s8 =	sadd.s32 s3, s8  }
0x94: {  	[tilespmem:s17], [sflag:$0x1] =	stream.linear.gather [hbm4b:s8+s2], $0x80, $0x38;
	[tilespmem:$0x3080] =	vst v63  }
0x95: {  	s18 =	rddreg [dreg:$0xe];
	s21 =	spop (v2sf);
	s19 =	sadd.s32 $0x80, s8  }
0x96: {  	[tilespmem:s18], [sflag:$0x1] =	stream.linear.gather [hbm4b:s19+s2], $0x80, $0x38;
	[tilespmem:$0x3080] =	vst v63  }
0x97: {  	s20 =	rddreg [dreg:$0xf];
	s22 =	sshrl.u32 s21, $0x3;
	s8 =	sadd.s32 $0x100, s8  }
0x98: {  	[tilespmem:s20], [sflag:$0x1] =	stream.linear.gather [hbm4b:s8+s2], $0x80, $0x38;
	[tilespmem:$0x3080] =	vst v63  }
0x99: {  	s9 =	smul.u32 $0xC00, s22;
	s8 =	sshll.u32 s21, $0x7  }
0x9a: {  	(v2sf) =	vpush v0, $0x6;
	s8 =	sand.u32 $0x380, s8  }
0x9b: {  	s8 =	sor.u32 s8, s9  }
0x9c: {  	s8 =	sshrl.u32 s8, $0x3  }
0x9d: {  	s23 =	rddreg [dreg:$0x10];
	s8 =	sadd.s32 s3, s8  }
0x9e: {  	[tilespmem:s23], [sflag:$0x1] =	stream.linear.gather [hbm4b:s8+s2], $0x80, $0x38;
	[tilespmem:$0x3080] =	vst v63  }
0x9f: {  	s24 =	rddreg [dreg:$0x11];
	s28 =	spop (v2sf);
	s25 =	sadd.s32 $0x80, s8  }
0xa0: {  	[tilespmem:s24], [sflag:$0x1] =	stream.linear.gather [hbm4b:s25+s2], $0x80, $0x38;
	[tilespmem:$0x3080] =	vst v63  }
0xa1: {  	s26 =	rddreg [dreg:$0x12];
	s29 =	sshrl.u32 s28, $0x3;
	s8 =	sadd.s32 $0x100, s8  }
0xa2: {  	[tilespmem:s26], [sflag:$0x1] =	stream.linear.gather [hbm4b:s8+s2], $0x80, $0x38;
	[tilespmem:$0x3080] =	vst v63  }
0xa3: {  	s9 =	smul.u32 $0xC00, s29;
	s8 =	sshll.u32 s28, $0x7  }
0xa4: {  	(v2sf) =	vpush v0, $0x7;
	s8 =	sand.u32 $0x380, s8  }
0xa5: {  	s8 =	sor.u32 s8, s9  }
0xa6: {  	s8 =	sshrl.u32 s8, $0x3  }
0xa7: {  	s30 =	rddreg [dreg:$0x13];
	s8 =	sadd.s32 s3, s8  }
0xa8: {  	[tilespmem:s30], [sflag:$0x1] =	stream.linear.gather [hbm4b:s8+s2], $0x80, $0x38;
	[tilespmem:$0x3080] =	vst v63  }
0xa9: {  	s31 =	rddreg [dreg:$0x14];
	s13 =	spop (v2sf);
	s11 =	sadd.s32 $0x80, s8  }
0xaa: {  	[tilespmem:s31], [sflag:$0x1] =	stream.linear.gather [hbm4b:s11+s2], $0x80, $0x38;
	[tilespmem:$0x3080] =	vst v63  }
0xab: {  	s12 =	rddreg [dreg:$0x15];
	s14 =	sshrl.u32 s13, $0x3;
	s8 =	sadd.s32 $0x100, s8  }
0xac: {  	[tilespmem:s12], [sflag:$0x1] =	stream.linear.gather [hbm4b:s8+s2], $0x80, $0x38;
	[tilespmem:$0x3080] =	vst v63  }
0xad: {  	s9 =	smul.u32 $0xC00, s14;
	s8 =	sshll.u32 s13, $0x7  }
0xae: {  	(v2sf) =	vpush v0, $0x8;
	s8 =	sand.u32 $0x380, s8  }
0xaf: {  	s8 =	sor.u32 s8, s9  }
0xb0: {  	s8 =	sshrl.u32 s8, $0x3  }
0xb1: {  	s15 =	rddreg [dreg:$0x16];
	s8 =	sadd.s32 s3, s8  }
0xb2: {  	[tilespmem:s15], [sflag:$0x1] =	stream.linear.gather [hbm4b:s8+s2], $0x80, $0x38;
	[tilespmem:$0x3080] =	vst v63  }
0xb3: {  	s16 =	rddreg [dreg:$0x17];
	s19 =	spop (v2sf);
	s17 =	sadd.s32 $0x80, s8  }
0xb4: {  	[tilespmem:s16], [sflag:$0x1] =	stream.linear.gather [hbm4b:s17+s2], $0x80, $0x38;
	[tilespmem:$0x3080] =	vst v63  }
0xb5: {  	s18 =	rddreg [dreg:$0x18];
	s20 =	sshrl.u32 s19, $0x3;
	s8 =	sadd.s32 $0x100, s8  }
0xb6: {  	[tilespmem:s18], [sflag:$0x1] =	stream.linear.gather [hbm4b:s8+s2], $0x80, $0x38;
	[tilespmem:$0x3080] =	vst v63  }
0xb7: {  	s9 =	smul.u32 $0xC00, s20;
	s8 =	sshll.u32 s19, $0x7  }
0xb8: {  	(v2sf) =	vpush v0, $0x9;
	s8 =	sand.u32 $0x380, s8  }
0xb9: {  	s8 =	sor.u32 s8, s9  }
0xba: {  	s8 =	sshrl.u32 s8, $0x3  }
0xbb: {  	s21 =	rddreg [dreg:$0x19];
	s8 =	sadd.s32 s3, s8  }
0xbc: {  	[tilespmem:s21], [sflag:$0x1] =	stream.linear.gather [hbm4b:s8+s2], $0x80, $0x38;
	[tilespmem:$0x3080] =	vst v63  }
0xbd: {  	s22 =	rddreg [dreg:$0x1a];
	s25 =	spop (v2sf);
	s23 =	sadd.s32 $0x80, s8  }
0xbe: {  	[tilespmem:s22], [sflag:$0x1] =	stream.linear.gather [hbm4b:s23+s2], $0x80, $0x38;
	[tilespmem:$0x3080] =	vst v63  }
0xbf: {  	s24 =	rddreg [dreg:$0x1b];
	s26 =	sshrl.u32 s25, $0x3;
	s8 =	sadd.s32 $0x100, s8  }
0xc0: {  	[tilespmem:s24], [sflag:$0x1] =	stream.linear.gather [hbm4b:s8+s2], $0x80, $0x38;
	[tilespmem:$0x3080] =	vst v63  }
0xc1: {  	s9 =	smul.u32 $0xC00, s26;
	s8 =	sshll.u32 s25, $0x7  }
0xc2: {  	(v2sf) =	vpush v0, $0xA;
	s8 =	sand.u32 $0x380, s8  }
0xc3: {  	s8 =	sor.u32 s8, s9  }
0xc4: {  	s8 =	sshrl.u32 s8, $0x3  }
0xc5: {  	s28 =	rddreg [dreg:$0x1c];
	s8 =	sadd.s32 s3, s8  }
0xc6: {  	[tilespmem:s28], [sflag:$0x1] =	stream.linear.gather [hbm4b:s8+s2], $0x80, $0x38;
	[tilespmem:$0x3080] =	vst v63  }
0xc7: {  	s29 =	rddreg [dreg:$0x1d];
	s12 =	spop (v2sf);
	s30 =	sadd.s32 $0x80, s8  }
0xc8: {  	[tilespmem:s29], [sflag:$0x1] =	stream.linear.gather [hbm4b:s30+s2], $0x80, $0x38;
	[tilespmem:$0x3080] =	vst v63  }
0xc9: {  	s31 =	rddreg [dreg:$0x1e];
	s13 =	sshrl.u32 s12, $0x3;
	s8 =	sadd.s32 $0x100, s8  }
0xca: {  	[tilespmem:s31], [sflag:$0x1] =	stream.linear.gather [hbm4b:s8+s2], $0x80, $0x38;
	[tilespmem:$0x3080] =	vst v63  }
0xcb: {  	s9 =	smul.u32 $0xC00, s13;
	s8 =	sshll.u32 s12, $0x7  }
0xcc: {  	(v2sf) =	vpush v0, $0xB;
	s8 =	sand.u32 $0x380, s8  }
0xcd: {  	s8 =	sor.u32 s8, s9  }
0xce: {  	s14 =	rddreg [dreg:$0x1f];
	s8 =	sshrl.u32 s8, $0x3  }
0xcf: {  	s15 =	sld [smem:$0x7BA];
	s8 =	sadd.s32 s3, s8  }
0xd0: {  	[tilespmem:s14], [sflag:$0x1] =	stream.linear.gather [hbm4b:s8+s2], $0x80, $0x38;
	[tilespmem:$0x3080] =	vst v63  }
0xd1: {  	s17 =	sld [smem:$0x7BB];
	s18 =	spop (v2sf);
	s16 =	sadd.s32 $0x80, s8  }
0xd2: {  	[tilespmem:s15], [sflag:$0x1] =	stream.linear.gather [hbm4b:s16+s2], $0x80, $0x38;
	[tilespmem:$0x3080] =	vst v63  }
0xd3: {  	s19 =	sshrl.u32 s18, $0x3;
	s8 =	sadd.s32 $0x100, s8  }
0xd4: {  	[tilespmem:s17], [sflag:$0x1] =	stream.linear.gather [hbm4b:s8+s2], $0x80, $0x38;
	[tilespmem:$0x3080] =	vst v63  }
0xd5: {  	s9 =	smul.u32 $0xC00, s19;
	s8 =	sshll.u32 s18, $0x7  }
0xd6: {  	(v2sf) =	vpush v0, $0xC;
	s8 =	sand.u32 $0x380, s8  }
0xd7: {  	s20 =	sld [smem:$0x7BC];
	s8 =	sor.u32 s8, s9  }
0xd8: {  	s8 =	sshrl.u32 s8, $0x3  }
0xd9: {  	s21 =	sld [smem:$0x7BD];
	s8 =	sadd.s32 s3, s8  }
0xda: {  	[tilespmem:s20], [sflag:$0x1] =	stream.linear.gather [hbm4b:s8+s2], $0x80, $0x38;
	[tilespmem:$0x3080] =	vst v63  }
0xdb: {  	s23 =	sld [smem:$0x7BE];
	s24 =	spop (v2sf);
	s22 =	sadd.s32 $0x80, s8  }
0xdc: {  	[tilespmem:s21], [sflag:$0x1] =	stream.linear.gather [hbm4b:s22+s2], $0x80, $0x38;
	[tilespmem:$0x3080] =	vst v63  }
0xdd: {  	s25 =	sshrl.u32 s24, $0x3;
	s8 =	sadd.s32 $0x100, s8  }
0xde: {  	[tilespmem:s23], [sflag:$0x1] =	stream.linear.gather [hbm4b:s8+s2], $0x80, $0x38;
	[tilespmem:$0x3080] =	vst v63  }
0xdf: {  	s9 =	smul.u32 $0xC00, s25;
	s8 =	sshll.u32 s24, $0x7  }
0xe0: {  	(v2sf) =	vpush v0, $0xD;
	s8 =	sand.u32 $0x380, s8  }
0xe1: {  	s26 =	sld [smem:$0x7BF];
	s8 =	sor.u32 s8, s9  }
0xe2: {  	s8 =	sshrl.u32 s8, $0x3  }
0xe3: {  	s28 =	sld [smem:$0x7C0];
	s8 =	sadd.s32 s3, s8  }
0xe4: {  	[tilespmem:s26], [sflag:$0x1] =	stream.linear.gather [hbm4b:s8+s2], $0x80, $0x38;
	[tilespmem:$0x3080] =	vst v63  }
0xe5: {  	s30 =	sld [smem:$0x7C1];
	s31 =	spop (v2sf);
	s29 =	sadd.s32 $0x80, s8  }
0xe6: {  	[tilespmem:s28], [sflag:$0x1] =	stream.linear.gather [hbm4b:s29+s2], $0x80, $0x38;
	[tilespmem:$0x3080] =	vst v63  }
0xe7: {  	s10 =	sshrl.u32 s31, $0x3;
	s8 =	sadd.s32 $0x100, s8  }
0xe8: {  	[tilespmem:s30], [sflag:$0x1] =	stream.linear.gather [hbm4b:s8+s2], $0x80, $0x38;
	[tilespmem:$0x3080] =	vst v63  }
0xe9: {  	s9 =	smul.u32 $0xC00, s10;
	s8 =	sshll.u32 s31, $0x7  }
0xea: {  	(v2sf) =	vpush v0, $0xE;
	s8 =	sand.u32 $0x380, s8  }
0xeb: {  	s11 =	sld [smem:$0x7C2];
	s8 =	sor.u32 s8, s9  }
0xec: {  	s8 =	sshrl.u32 s8, $0x3  }
0xed: {  	s12 =	sld [smem:$0x7C3];
	s8 =	sadd.s32 s3, s8  }
0xee: {  	[tilespmem:s11], [sflag:$0x1] =	stream.linear.gather [hbm4b:s8+s2], $0x80, $0x38;
	[tilespmem:$0x3080] =	vst v63  }
0xef: {  	s14 =	sld [smem:$0x7C4];
	s15 =	spop (v2sf);
	s13 =	sadd.s32 $0x80, s8  }
0xf0: {  	[tilespmem:s12], [sflag:$0x1] =	stream.linear.gather [hbm4b:s13+s2], $0x80, $0x38;
	[tilespmem:$0x3080] =	vst v63  }
0xf1: {  	s16 =	sshrl.u32 s15, $0x3;
	s8 =	sadd.s32 $0x100, s8  }
0xf2: {  	[tilespmem:s14], [sflag:$0x1] =	stream.linear.gather [hbm4b:s8+s2], $0x80, $0x38;
	[tilespmem:$0x3080] =	vst v63  }
0xf3: {  	s9 =	smul.u32 $0xC00, s16;
	s8 =	sshll.u32 s15, $0x7  }
0xf4: {  	(v2sf) =	vpush v0, $0xF;
	s8 =	sand.u32 $0x380, s8  }
0xf5: {  	s17 =	sld [smem:$0x7C5];
	s8 =	sor.u32 s8, s9  }
0xf6: {  	s8 =	sshrl.u32 s8, $0x3  }
0xf7: {  	s18 =	sld [smem:$0x7C6];
	s8 =	sadd.s32 s3, s8  }
0xf8: {  	[tilespmem:s17], [sflag:$0x1] =	stream.linear.gather [hbm4b:s8+s2], $0x80, $0x38;
	[tilespmem:$0x3080] =	vst v63  }
0xf9: {  	s20 =	sld [smem:$0x7C7];
	s21 =	spop (v2sf);
	s19 =	sadd.s32 $0x80, s8  }
0xfa: {  	[tilespmem:s18], [sflag:$0x1] =	stream.linear.gather [hbm4b:s19+s2], $0x80, $0x38;
	[tilespmem:$0x3080] =	vst v63  }
0xfb: {  	s22 =	sshrl.u32 s21, $0x3;
	s8 =	sadd.s32 $0x100, s8  }
0xfc: {  	[tilespmem:s20], [sflag:$0x1] =	stream.linear.gather [hbm4b:s8+s2], $0x80, $0x38;
	[tilespmem:$0x3080] =	vst v63  }
0xfd: {  	s9 =	smul.u32 $0xC00, s22;
	s8 =	sshll.u32 s21, $0x7  }
0xfe: {  	s8 =	sand.u32 $0x380, s8  }
0xff: {  	s23 =	sld [smem:$0x7C8];
	s8 =	sor.u32 s8, s9  }
0x100: {  	s8 =	sshrl.u32 s8, $0x3  }
0x101: {  	s24 =	sld [smem:$0x7C9];
	s8 =	sadd.s32 s3, s8  }
0x102: {  	[tilespmem:s23], [sflag:$0x1] =	stream.linear.gather [hbm4b:s8+s2], $0x80, $0x38;
	[tilespmem:$0x3080] =	vst v63  }
0x103: {  	s26 =	sld [smem:$0x7CA];
	s28 =	spop (v2sf);
	s25 =	sadd.s32 $0x80, s8  }
0x104: {  	[tilespmem:s24], [sflag:$0x1] =	stream.linear.gather [hbm4b:s25+s2], $0x80, $0x38;
	[tilespmem:$0x3080] =	vst v63  }
0x105: {  	s29 =	sshrl.u32 s28, $0x3;
	s8 =	sadd.s32 $0x100, s8  }
0x106: {  	[tilespmem:s26], [sflag:$0x1] =	stream.linear.gather [hbm4b:s8+s2], $0x80, $0x38;
	[tilespmem:$0x3080] =	vst v63  }
0x107: {  	s9 =	smul.u32 $0xC00, s29;
	s8 =	sshll.u32 s28, $0x7  }
0x108: {  	s8 =	sand.u32 $0x380, s8  }
0x109: {  	s30 =	sld [smem:$0x7CB];
	s8 =	sor.u32 s8, s9  }
0x10a: {  	s8 =	sshrl.u32 s8, $0x3  }
0x10b: {  	s31 =	sld [smem:$0x7CC];
	s8 =	sadd.s32 s3, s8  }
0x10c: {  	[tilespmem:s30], [sflag:$0x1] =	stream.linear.gather [hbm4b:s8+s2], $0x80, $0x38;
	[tilespmem:$0x3080] =	vst v63  }
0x10d: {  	s12 =	sld [smem:$0x7CD];
	s11 =	sadd.s32 $0x80, s8  }
0x10e: {  	[tilespmem:s31], [sflag:$0x1] =	stream.linear.gather [hbm4b:s11+s2], $0x80, $0x38;
	[tilespmem:$0x3080] =	vst v63  }
0x10f: {  	s8 =	sadd.s32 $0x100, s8  }
0x110: {  	[tilespmem:s12], [sflag:$0x1] =	stream.linear.gather [hbm4b:s8+s2], $0x80, $0x38;
	[tilespmem:$0x3080] =	vst v63  }
0x111: {  	v63 =	vld [tilespmem:$0x10];
	_ =	sdelay $0x4  }
0x112: {  	(v2sf) =	vpush v63, $0x0;
	_ =	sdelay $0x7  }
0x113: {  	(v2sf) =	vpush v63, $0x1;
	_ =	sdelay $0x6  }
0x114: {  	s13 =	spop (v2sf)  }
0x115: {  	s14 =	sshrl.u32 s13, $0x3  }
0x116: {  	s8 =	sshll.u32 s13, $0x7;
	s9 =	smul.u32 $0xC00, s14  }
0x117: {  	(v2sf) =	vpush v63, $0x2;
	s8 =	sand.u32 $0x380, s8  }
0x118: {  	s15 =	sld [smem:$0x7CE];
	s8 =	sor.u32 s8, s9  }
0x119: {  	s8 =	sshrl.u32 s8, $0x3  }
0x11a: {  	s16 =	sld [smem:$0x7CF];
	s8 =	sadd.s32 s3, s8  }
0x11b: {  	[tilespmem:s15], [sflag:$0x1] =	stream.linear.gather [hbm4b:s8+s2], $0x80, $0x38;
	[tilespmem:$0x3080] =	vst v63  }
0x11c: {  	s18 =	sld [smem:$0x7D0];
	s19 =	spop (v2sf);
	s17 =	sadd.s32 $0x80, s8  }
0x11d: {  	[tilespmem:s16], [sflag:$0x1] =	stream.linear.gather [hbm4b:s17+s2], $0x80, $0x38;
	[tilespmem:$0x3080] =	vst v63  }
0x11e: {  	s20 =	sshrl.u32 s19, $0x3;
	s8 =	sadd.s32 $0x100, s8  }
0x11f: {  	[tilespmem:s18], [sflag:$0x1] =	stream.linear.gather [hbm4b:s8+s2], $0x80, $0x38;
	[tilespmem:$0x3080] =	vst v63  }
0x120: {  	s9 =	smul.u32 $0xC00, s20;
	s8 =	sshll.u32 s19, $0x7  }
0x121: {  	(v2sf) =	vpush v63, $0x3;
	s8 =	sand.u32 $0x380, s8  }
0x122: {  	s21 =	sld [smem:$0x7D1];
	s8 =	sor.u32 s8, s9  }
0x123: {  	s8 =	sshrl.u32 s8, $0x3  }
0x124: {  	s22 =	sld [smem:$0x7D2];
	s8 =	sadd.s32 s3, s8  }
0x125: {  	[tilespmem:s21], [sflag:$0x1] =	stream.linear.gather [hbm4b:s8+s2], $0x80, $0x38;
	[tilespmem:$0x3080] =	vst v63  }
0x126: {  	s24 =	sld [smem:$0x7D3];
	s25 =	spop (v2sf);
	s23 =	sadd.s32 $0x80, s8  }
0x127: {  	[tilespmem:s22], [sflag:$0x1] =	stream.linear.gather [hbm4b:s23+s2], $0x80, $0x38;
	[tilespmem:$0x3080] =	vst v63  }
0x128: {  	s8 =	sadd.s32 $0x100, s8;
	s26 =	sshrl.u32 s25, $0x3  }
0x129: {  	[tilespmem:s24], [sflag:$0x1] =	stream.linear.gather [hbm4b:s8+s2], $0x80, $0x38;
	[tilespmem:$0x3080] =	vst v63  }
0x12a: {  	s9 =	smul.u32 $0xC00, s26;
	s8 =	sshll.u32 s25, $0x7  }
0x12b: {  	(v2sf) =	vpush v63, $0x4;
	s8 =	sand.u32 $0x380, s8  }
0x12c: {  	s28 =	sld [smem:$0x7D4];
	s8 =	sor.u32 s8, s9  }
0x12d: {  	s8 =	sshrl.u32 s8, $0x3  }
0x12e: {  	s29 =	sld [smem:$0x7D5];
	s8 =	sadd.s32 s3, s8  }
0x12f: {  	[tilespmem:s28], [sflag:$0x1] =	stream.linear.gather [hbm4b:s8+s2], $0x80, $0x38;
	[tilespmem:$0x3080] =	vst v63  }
0x130: {  	s31 =	sld [smem:$0x7D6];
	s12 =	spop (v2sf);
	s30 =	sadd.s32 $0x80, s8  }
0x131: {  	[tilespmem:s29], [sflag:$0x1] =	stream.linear.gather [hbm4b:s30+s2], $0x80, $0x38;
	[tilespmem:$0x3080] =	vst v63  }
0x132: {  	s13 =	sshrl.u32 s12, $0x3;
	s8 =	sadd.s32 $0x100, s8  }
0x133: {  	[tilespmem:s31], [sflag:$0x1] =	stream.linear.gather [hbm4b:s8+s2], $0x80, $0x38;
	[tilespmem:$0x3080] =	vst v63  }
0x134: {  	s9 =	smul.u32 $0xC00, s13;
	s8 =	sshll.u32 s12, $0x7  }
0x135: {  	(v2sf) =	vpush v63, $0x5;
	s8 =	sand.u32 $0x380, s8  }
0x136: {  	s14 =	sld [smem:$0x7D7];
	s8 =	sor.u32 s8, s9  }
0x137: {  	s8 =	sshrl.u32 s8, $0x3  }
0x138: {  	s15 =	sld [smem:$0x7D8];
	s8 =	sadd.s32 s3, s8  }
0x139: {  	[tilespmem:s14], [sflag:$0x1] =	stream.linear.gather [hbm4b:s8+s2], $0x80, $0x38;
	[tilespmem:$0x3080] =	vst v63  }
0x13a: {  	s17 =	sld [smem:$0x7D9];
	s18 =	spop (v2sf);
	s16 =	sadd.s32 $0x80, s8  }
0x13b: {  	[tilespmem:s15], [sflag:$0x1] =	stream.linear.gather [hbm4b:s16+s2], $0x80, $0x38;
	[tilespmem:$0x3080] =	vst v63  }
0x13c: {  	s19 =	sshrl.u32 s18, $0x3;
	s8 =	sadd.s32 $0x100, s8  }
0x13d: {  	[tilespmem:s17], [sflag:$0x1] =	stream.linear.gather [hbm4b:s8+s2], $0x80, $0x38;
	[tilespmem:$0x3080] =	vst v63  }
0x13e: {  	s9 =	smul.u32 $0xC00, s19;
	s8 =	sshll.u32 s18, $0x7  }
0x13f: {  	(v2sf) =	vpush v63, $0x6;
	s8 =	sand.u32 $0x380, s8  }
0x140: {  	s20 =	sld [smem:$0x7DA];
	s8 =	sor.u32 s8, s9  }
0x141: {  	s8 =	sshrl.u32 s8, $0x3  }
0x142: {  	s21 =	sld [smem:$0x7DB];
	s8 =	sadd.s32 s3, s8  }
0x143: {  	[tilespmem:s20], [sflag:$0x1] =	stream.linear.gather [hbm4b:s8+s2], $0x80, $0x38;
	[tilespmem:$0x3080] =	vst v63  }
0x144: {  	s23 =	sld [smem:$0x7DC];
	s24 =	spop (v2sf);
	s22 =	sadd.s32 $0x80, s8  }
0x145: {  	[tilespmem:s21], [sflag:$0x1] =	stream.linear.gather [hbm4b:s22+s2], $0x80, $0x38;
	[tilespmem:$0x3080] =	vst v63  }
0x146: {  	s25 =	sshrl.u32 s24, $0x3;
	s8 =	sadd.s32 $0x100, s8  }
0x147: {  	[tilespmem:s23], [sflag:$0x1] =	stream.linear.gather [hbm4b:s8+s2], $0x80, $0x38;
	[tilespmem:$0x3080] =	vst v63  }
0x148: {  	s9 =	smul.u32 $0xC00, s25;
	s8 =	sshll.u32 s24, $0x7  }
0x149: {  	(v2sf) =	vpush v63, $0x7;
	s8 =	sand.u32 $0x380, s8  }
0x14a: {  	s26 =	sld [smem:$0x7DD];
	s8 =	sor.u32 s8, s9  }
0x14b: {  	s8 =	sshrl.u32 s8, $0x3  }
0x14c: {  	s28 =	sld [smem:$0x7DE];
	s8 =	sadd.s32 s3, s8  }
0x14d: {  	[tilespmem:s26], [sflag:$0x1] =	stream.linear.gather [hbm4b:s8+s2], $0x80, $0x38;
	[tilespmem:$0x3080] =	vst v63  }
0x14e: {  	s30 =	sld [smem:$0x7DF];
	s31 =	spop (v2sf);
	s29 =	sadd.s32 $0x80, s8  }
0x14f: {  	[tilespmem:s28], [sflag:$0x1] =	stream.linear.gather [hbm4b:s29+s2], $0x80, $0x38;
	[tilespmem:$0x3080] =	vst v63  }
0x150: {  	s10 =	sshrl.u32 s31, $0x3;
	s8 =	sadd.s32 $0x100, s8  }
0x151: {  	[tilespmem:s30], [sflag:$0x1] =	stream.linear.gather [hbm4b:s8+s2], $0x80, $0x38;
	[tilespmem:$0x3080] =	vst v63  }
0x152: {  	s9 =	smul.u32 $0xC00, s10;
	s8 =	sshll.u32 s31, $0x7  }
0x153: {  	(v2sf) =	vpush v63, $0x8;
	s8 =	sand.u32 $0x380, s8  }
0x154: {  	s11 =	sld [smem:$0x7E0];
	s8 =	sor.u32 s8, s9  }
0x155: {  	s8 =	sshrl.u32 s8, $0x3  }
0x156: {  	s12 =	sld [smem:$0x7E1];
	s8 =	sadd.s32 s3, s8  }
0x157: {  	[tilespmem:s11], [sflag:$0x1] =	stream.linear.gather [hbm4b:s8+s2], $0x80, $0x38;
	[tilespmem:$0x3080] =	vst v63  }
0x158: {  	s14 =	sld [smem:$0x7E2];
	s15 =	spop (v2sf);
	s13 =	sadd.s32 $0x80, s8  }
0x159: {  	[tilespmem:s12], [sflag:$0x1] =	stream.linear.gather [hbm4b:s13+s2], $0x80, $0x38;
	[tilespmem:$0x3080] =	vst v63  }
0x15a: {  	s16 =	sshrl.u32 s15, $0x3;
	s8 =	sadd.s32 $0x100, s8  }
0x15b: {  	[tilespmem:s14], [sflag:$0x1] =	stream.linear.gather [hbm4b:s8+s2], $0x80, $0x38;
	[tilespmem:$0x3080] =	vst v63  }
0x15c: {  	s9 =	smul.u32 $0xC00, s16;
	s8 =	sshll.u32 s15, $0x7  }
0x15d: {  	(v2sf) =	vpush v63, $0x9;
	s8 =	sand.u32 $0x380, s8  }
0x15e: {  	s17 =	sld [smem:$0x7E3];
	s8 =	sor.u32 s8, s9  }
0x15f: {  	s8 =	sshrl.u32 s8, $0x3  }
0x160: {  	s18 =	sld [smem:$0x7E4];
	s8 =	sadd.s32 s3, s8  }
0x161: {  	[tilespmem:s17], [sflag:$0x1] =	stream.linear.gather [hbm4b:s8+s2], $0x80, $0x38;
	[tilespmem:$0x3080] =	vst v63  }
0x162: {  	s20 =	sld [smem:$0x7E5];
	s21 =	spop (v2sf);
	s19 =	sadd.s32 $0x80, s8  }
0x163: {  	[tilespmem:s18], [sflag:$0x1] =	stream.linear.gather [hbm4b:s19+s2], $0x80, $0x38;
	[tilespmem:$0x3080] =	vst v63  }
0x164: {  	s22 =	sshrl.u32 s21, $0x3;
	s8 =	sadd.s32 $0x100, s8  }
0x165: {  	[tilespmem:s20], [sflag:$0x1] =	stream.linear.gather [hbm4b:s8+s2], $0x80, $0x38;
	[tilespmem:$0x3080] =	vst v63  }
0x166: {  	s9 =	smul.u32 $0xC00, s22;
	s8 =	sshll.u32 s21, $0x7  }
0x167: {  	(v2sf) =	vpush v63, $0xA;
	s8 =	sand.u32 $0x380, s8  }
0x168: {  	s23 =	sld [smem:$0x7E6];
	s8 =	sor.u32 s8, s9  }
0x169: {  	s8 =	sshrl.u32 s8, $0x3  }
0x16a: {  	s24 =	sld [smem:$0x7E7];
	s8 =	sadd.s32 s3, s8  }
0x16b: {  	[tilespmem:s23], [sflag:$0x1] =	stream.linear.gather [hbm4b:s8+s2], $0x80, $0x38;
	[tilespmem:$0x3080] =	vst v63  }
0x16c: {  	s26 =	sld [smem:$0x7E8];
	s28 =	spop (v2sf);
	s25 =	sadd.s32 $0x80, s8  }
0x16d: {  	[tilespmem:s24], [sflag:$0x1] =	stream.linear.gather [hbm4b:s25+s2], $0x80, $0x38;
	[tilespmem:$0x3080] =	vst v63  }
0x16e: {  	s29 =	sshrl.u32 s28, $0x3;
	s8 =	sadd.s32 $0x100, s8  }
0x16f: {  	[tilespmem:s26], [sflag:$0x1] =	stream.linear.gather [hbm4b:s8+s2], $0x80, $0x38;
	[tilespmem:$0x3080] =	vst v63  }
0x170: {  	s9 =	smul.u32 $0xC00, s29;
	s8 =	sshll.u32 s28, $0x7  }
0x171: {  	(v2sf) =	vpush v63, $0xB;
	s8 =	sand.u32 $0x380, s8  }
0x172: {  	s30 =	sld [smem:$0x7E9];
	s8 =	sor.u32 s8, s9  }
0x173: {  	s8 =	sshrl.u32 s8, $0x3  }
0x174: {  	s31 =	sld [smem:$0x7EA];
	s8 =	sadd.s32 s3, s8  }
0x175: {  	[tilespmem:s30], [sflag:$0x1] =	stream.linear.gather [hbm4b:s8+s2], $0x80, $0x38;
	[tilespmem:$0x3080] =	vst v63  }
0x176: {  	s12 =	sld [smem:$0x7EB];
	s13 =	spop (v2sf);
	s11 =	sadd.s32 $0x80, s8  }
0x177: {  	[tilespmem:s31], [sflag:$0x1] =	stream.linear.gather [hbm4b:s11+s2], $0x80, $0x38;
	[tilespmem:$0x3080] =	vst v63  }
0x178: {  	s14 =	sshrl.u32 s13, $0x3;
	s8 =	sadd.s32 $0x100, s8  }
0x179: {  	[tilespmem:s12], [sflag:$0x1] =	stream.linear.gather [hbm4b:s8+s2], $0x80, $0x38;
	[tilespmem:$0x3080] =	vst v63  }
0x17a: {  	s9 =	smul.u32 $0xC00, s14;
	s8 =	sshll.u32 s13, $0x7  }
0x17b: {  	(v2sf) =	vpush v63, $0xC;
	s8 =	sand.u32 $0x380, s8  }
0x17c: {  	s15 =	sld [smem:$0x7EC];
	s8 =	sor.u32 s8, s9  }
0x17d: {  	s8 =	sshrl.u32 s8, $0x3  }
0x17e: {  	s16 =	sld [smem:$0x7ED];
	s8 =	sadd.s32 s3, s8  }
0x17f: {  	[tilespmem:s15], [sflag:$0x1] =	stream.linear.gather [hbm4b:s8+s2], $0x80, $0x38;
	[tilespmem:$0x3080] =	vst v63  }
0x180: {  	s18 =	sld [smem:$0x7EE];
	s19 =	spop (v2sf);
	s17 =	sadd.s32 $0x80, s8  }
0x181: {  	[tilespmem:s16], [sflag:$0x1] =	stream.linear.gather [hbm4b:s17+s2], $0x80, $0x38;
	[tilespmem:$0x3080] =	vst v63  }
0x182: {  	s20 =	sshrl.u32 s19, $0x3;
	s8 =	sadd.s32 $0x100, s8  }
0x183: {  	[tilespmem:s18], [sflag:$0x1] =	stream.linear.gather [hbm4b:s8+s2], $0x80, $0x38;
	[tilespmem:$0x3080] =	vst v63  }
0x184: {  	s9 =	smul.u32 $0xC00, s20;
	s8 =	sshll.u32 s19, $0x7  }
0x185: {  	(v2sf) =	vpush v63, $0xD;
	s8 =	sand.u32 $0x380, s8  }
0x186: {  	s21 =	sld [smem:$0x7EF];
	s8 =	sor.u32 s8, s9  }
0x187: {  	s8 =	sshrl.u32 s8, $0x3  }
0x188: {  	s22 =	sld [smem:$0x7F0];
	s8 =	sadd.s32 s3, s8  }
0x189: {  	[tilespmem:s21], [sflag:$0x1] =	stream.linear.gather [hbm4b:s8+s2], $0x80, $0x38;
	[tilespmem:$0x3080] =	vst v63  }
0x18a: {  	s24 =	sld [smem:$0x7F1];
	s25 =	spop (v2sf);
	s23 =	sadd.s32 $0x80, s8  }
0x18b: {  	[tilespmem:s22], [sflag:$0x1] =	stream.linear.gather [hbm4b:s23+s2], $0x80, $0x38;
	[tilespmem:$0x3080] =	vst v63  }
0x18c: {  	s26 =	sshrl.u32 s25, $0x3;
	s8 =	sadd.s32 $0x100, s8  }
0x18d: {  	[tilespmem:s24], [sflag:$0x1] =	stream.linear.gather [hbm4b:s8+s2], $0x80, $0x38;
	[tilespmem:$0x3080] =	vst v63  }
0x18e: {  	s9 =	smul.u32 $0xC00, s26;
	s8 =	sshll.u32 s25, $0x7  }
0x18f: {  	(v2sf) =	vpush v63, $0xE;
	s8 =	sand.u32 $0x380, s8  }
0x190: {  	s28 =	sld [smem:$0x7F2];
	s8 =	sor.u32 s8, s9  }
0x191: {  	s8 =	sshrl.u32 s8, $0x3  }
0x192: {  	s29 =	sld [smem:$0x7F3];
	s8 =	sadd.s32 s3, s8  }
0x193: {  	[tilespmem:s28], [sflag:$0x1] =	stream.linear.gather [hbm4b:s8+s2], $0x80, $0x38;
	[tilespmem:$0x3080] =	vst v63  }
0x194: {  	s31 =	sld [smem:$0x7F4];
	s12 =	spop (v2sf);
	s30 =	sadd.s32 $0x80, s8  }
0x195: {  	[tilespmem:s29], [sflag:$0x1] =	stream.linear.gather [hbm4b:s30+s2], $0x80, $0x38;
	[tilespmem:$0x3080] =	vst v63  }
0x196: {  	s13 =	sshrl.u32 s12, $0x3;
	s8 =	sadd.s32 $0x100, s8  }
0x197: {  	[tilespmem:s31], [sflag:$0x1] =	stream.linear.gather [hbm4b:s8+s2], $0x80, $0x38;
	[tilespmem:$0x3080] =	vst v63  }
0x198: {  	s9 =	smul.u32 $0xC00, s13;
	s8 =	sshll.u32 s12, $0x7  }
0x199: {  	(v2sf) =	vpush v63, $0xF;
	s8 =	sand.u32 $0x380, s8  }
0x19a: {  	s14 =	sld [smem:$0x7F5];
	s8 =	sor.u32 s8, s9  }
0x19b: {  	s8 =	sshrl.u32 s8, $0x3  }
0x19c: {  	s15 =	sld [smem:$0x7F6];
	s8 =	sadd.s32 s3, s8  }
0x19d: {  	[tilespmem:s14], [sflag:$0x1] =	stream.linear.gather [hbm4b:s8+s2], $0x80, $0x38;
	[tilespmem:$0x3080] =	vst v63  }
0x19e: {  	s17 =	sld [smem:$0x7F7];
	s18 =	spop (v2sf);
	s16 =	sadd.s32 $0x80, s8  }
0x19f: {  	[tilespmem:s15], [sflag:$0x1] =	stream.linear.gather [hbm4b:s16+s2], $0x80, $0x38;
	[tilespmem:$0x3080] =	vst v63  }
0x1a0: {  	s19 =	sshrl.u32 s18, $0x3;
	s8 =	sadd.s32 $0x100, s8  }
0x1a1: {  	[tilespmem:s17], [sflag:$0x1] =	stream.linear.gather [hbm4b:s8+s2], $0x80, $0x38;
	[tilespmem:$0x3080] =	vst v63  }
0x1a2: {  	s9 =	sshll.u32 s18, $0x7;
	s8 =	smul.u32 $0xC00, s19  }
0x1a3: {  	s9 =	sand.u32 $0x380, s9  }
0x1a4: {  	s20 =	sld [smem:$0x7F8];
	s8 =	sor.u32 s9, s8  }
0x1a5: {  	s8 =	sshrl.u32 s8, $0x3  }
0x1a6: {  	s21 =	sld [smem:$0x7F9];
	s8 =	sadd.s32 s3, s8  }
0x1a7: {  	[tilespmem:s20], [sflag:$0x1] =	stream.linear.gather [hbm4b:s8+s2], $0x80, $0x38;
	[tilespmem:$0x3080] =	vst v63  }
0x1a8: {  	s23 =	sld [smem:$0x7FA];
	s24 =	spop (v2sf);
	s22 =	sadd.s32 $0x80, s8  }
0x1a9: {  	[tilespmem:s21], [sflag:$0x1] =	stream.linear.gather [hbm4b:s22+s2], $0x80, $0x38;
	[tilespmem:$0x3080] =	vst v63  }
0x1aa: {  	s25 =	sshrl.u32 s24, $0x3;
	s8 =	sadd.s32 $0x100, s8  }
0x1ab: {  	[tilespmem:s23], [sflag:$0x1] =	stream.linear.gather [hbm4b:s8+s2], $0x80, $0x38;
	[tilespmem:$0x3080] =	vst v63  }
0x1ac: {  	s9 =	smul.u32 $0xC00, s25;
	s8 =	sshll.u32 s24, $0x7  }
0x1ad: {  	s8 =	sand.u32 $0x380, s8  }
0x1ae: {  	s26 =	sld [smem:$0x7FB];
	s8 =	sor.u32 s8, s9  }
0x1af: {  	s8 =	sshrl.u32 s8, $0x3  }
0x1b0: {  	s28 =	sld [smem:$0x7FC];
	s8 =	sadd.s32 s3, s8  }
0x1b1: {  	[tilespmem:s26], [sflag:$0x1] =	stream.linear.gather [hbm4b:s8+s2], $0x80, $0x38;
	[tilespmem:$0x3080] =	vst v63  }
0x1b2: {  	s30 =	sld [smem:$0x7FD];
	s29 =	sadd.s32 $0x80, s8  }
0x1b3: {  	[tilespmem:s28], [sflag:$0x1] =	stream.linear.gather [hbm4b:s29+s2], $0x80, $0x38;
	[tilespmem:$0x3080] =	vst v63  }
0x1b4: {  	s8 =	sadd.s32 $0x100, s8  }
0x1b5: {  	[tilespmem:s30], [sflag:$0x1] =	stream.linear.gather [hbm4b:s8+s2], $0x80, $0x38;
	[tilespmem:$0x3080] =	vst v63  }
0x1b6: {  	_ =	swait.ge [sflag:s7], $0x180  }
0x1b7: {  	[sflag:s7] =	ssyncset.done $0x0  }
0x1b8: {  	[sflag:s7] =	ssyncadd.s32 $0xFFFFFE80  }
0x1b9: {  	_ =	swait.ge [sflag:s7], $0x180  }
0x1ba: {  	[sflag:s7] =	ssyncset.done $0x0  }
0x1bb: {  	[sflag:s7] =	ssyncadd.s32 $0xFFFFFE80  }
0x1bc: {  	_ =	swait.ge [sflag:s7], $0x180  }
0x1bd: {  	[sflag:s7] =	ssyncset.done $0x0  }
0x1be: {  	[sflag:s7] =	ssyncadd.s32 $0xFFFFFE80  }
0x1bf: {  	_ =	swait.ge [sflag:s7], $0x180  }
0x1c0: {  	[sflag:s7] =	ssyncset.done $0x0  }
0x1c1: {  	[sflag:s7] =	ssyncadd.s32 $0xFFFFFE80  }
0x1c2: {  	_ =	swait.ge [sflag:s7], $0x180  }
0x1c3: {  	[sflag:s7] =	ssyncset.done $0x0  }
0x1c4: {  	[sflag:s7] =	ssyncadd.s32 $0xFFFFFE80  }
0x1c5: {  	_ =	swait.ge [sflag:s7], $0x180  }
0x1c6: {  	[sflag:s7] =	ssyncset.done $0x0  }
0x1c7: {  	[sflag:s7] =	ssyncadd.s32 $0xFFFFFE80  }
0x1c8: {  	_ =	swait.ge [sflag:s7], $0x180  }
0x1c9: {  	[sflag:s7] =	ssyncset.done $0x0  }
0x1ca: {  	[sflag:s7] =	ssyncadd.s32 $0xFFFFFE80  }
0x1cb: {  	_ =	swait.ge [sflag:s7], $0x180  }
0x1cc: {  	[sflag:s7] =	ssyncset.done $0x0  }
0x1cd: {  	[sflag:s7] =	ssyncadd.s32 $0xFFFFFE80  }
0x1ce: {  	_ =	swait.ge [sflag:s7], $0x180  }
0x1cf: {  	[sflag:s7] =	ssyncset.done $0x0  }
0x1d0: {  	[sflag:s7] =	ssyncadd.s32 $0xFFFFFE80  }
0x1d1: {  	_ =	swait.ge [sflag:s7], $0x180  }
0x1d2: {  	[sflag:s7] =	ssyncset.done $0x0  }
0x1d3: {  	[sflag:s7] =	ssyncadd.s32 $0xFFFFFE80  }
0x1d4: {  	_ =	swait.ge [sflag:s7], $0x180  }
0x1d5: {  	[sflag:s7] =	ssyncset.done $0x0  }
0x1d6: {  	[sflag:s7] =	ssyncadd.s32 $0xFFFFFE80  }
0x1d7: {  	_ =	swait.ge [sflag:s7], $0x180  }
0x1d8: {  	[sflag:s7] =	ssyncset.done $0x0  }
0x1d9: {  	[sflag:s7] =	ssyncadd.s32 $0xFFFFFE80  }
0x1da: {  	_ =	swait.ge [sflag:s7], $0x180  }
0x1db: {  	[sflag:s7] =	ssyncset.done $0x0  }
0x1dc: {  	[sflag:s7] =	ssyncadd.s32 $0xFFFFFE80  }
0x1dd: {  	_ =	swait.ge [sflag:s7], $0x180  }
0x1de: {  	[sflag:s7] =	ssyncset.done $0x0  }
0x1df: {  	[sflag:s7] =	ssyncadd.s32 $0xFFFFFE80  }
0x1e0: {  	_ =	swait.ge [sflag:s7], $0x180  }
0x1e1: {  	[sflag:s7] =	ssyncset.done $0x0  }
0x1e2: {  	[sflag:s7] =	ssyncadd.s32 $0xFFFFFE80  }
0x1e3: {  	_ =	swait.ge [sflag:s7], $0x180  }
0x1e4: {  	[sflag:s7] =	ssyncset.done $0x0  }
0x1e5: {  	[sflag:s7] =	ssyncadd.s32 $0xFFFFFE80  }
0x1e6: {  	_ =	swait.ge [sflag:s7], $0x180  }
0x1e7: {  	[sflag:s7] =	ssyncset.done $0x0  }
0x1e8: {  	[sflag:s7] =	ssyncadd.s32 $0xFFFFFE80  }
0x1e9: {  	_ =	swait.ge [sflag:s7], $0x180  }
0x1ea: {  	[sflag:s7] =	ssyncset.done $0x0  }
0x1eb: {  	[sflag:s7] =	ssyncadd.s32 $0xFFFFFE80  }
0x1ec: {  	_ =	swait.ge [sflag:s7], $0x180  }
0x1ed: {  	[sflag:s7] =	ssyncset.done $0x0  }
0x1ee: {  	[sflag:s7] =	ssyncadd.s32 $0xFFFFFE80  }
0x1ef: {  	_ =	swait.ge [sflag:s7], $0x180  }
0x1f0: {  	[sflag:s7] =	ssyncset.done $0x0  }
0x1f1: {  	[sflag:s7] =	ssyncadd.s32 $0xFFFFFE80  }
0x1f2: {  	_ =	swait.ge [sflag:s7], $0x180  }
0x1f3: {  	[sflag:s7] =	ssyncset.done $0x0  }
0x1f4: {  	[sflag:s7] =	ssyncadd.s32 $0xFFFFFE80  }
0x1f5: {  	_ =	swait.ge [sflag:s7], $0x180  }
0x1f6: {  	[sflag:s7] =	ssyncset.done $0x0  }
0x1f7: {  	[sflag:s7] =	ssyncadd.s32 $0xFFFFFE80  }
0x1f8: {  	_ =	swait.ge [sflag:s7], $0x180  }
0x1f9: {  	[sflag:s7] =	ssyncset.done $0x0  }
0x1fa: {  	[sflag:s7] =	ssyncadd.s32 $0xFFFFFE80  }
0x1fb: {  	_ =	swait.ge [sflag:s7], $0x180  }
0x1fc: {  	[sflag:s7] =	ssyncset.done $0x0  }
0x1fd: {  	[sflag:s7] =	ssyncadd.s32 $0xFFFFFE80  }
0x1fe: {  	_ =	swait.ge [sflag:s7], $0x180  }
0x1ff: {  	[sflag:s7] =	ssyncset.done $0x0  }
0x200: {  	[sflag:s7] =	ssyncadd.s32 $0xFFFFFE80  }
0x201: {  	_ =	swait.ge [sflag:s7], $0x180  }
0x202: {  	[sflag:s7] =	ssyncset.done $0x0  }
0x203: {  	[sflag:s7] =	ssyncadd.s32 $0xFFFFFE80  }
0x204: {  	_ =	swait.ge [sflag:s7], $0x180  }
0x205: {  	[sflag:s7] =	ssyncset.done $0x0  }
0x206: {  	[sflag:s7] =	ssyncadd.s32 $0xFFFFFE80  }
0x207: {  	_ =	swait.ge [sflag:s7], $0x180  }
0x208: {  	[sflag:s7] =	ssyncset.done $0x0  }
0x209: {  	[sflag:s7] =	ssyncadd.s32 $0xFFFFFE80  }
0x20a: {  	_ =	swait.ge [sflag:s7], $0x180  }
0x20b: {  	[sflag:s7] =	ssyncset.done $0x0  }
0x20c: {  	[sflag:s7] =	ssyncadd.s32 $0xFFFFFE80  }
0x20d: {  	_ =	swait.ge [sflag:s7], $0x180  }
0x20e: {  	[sflag:s7] =	ssyncset.done $0x0  }
0x20f: {  	[sflag:s7] =	ssyncadd.s32 $0xFFFFFE80  }
0x210: {  	_ =	swait.ge [sflag:s7], $0x180  }
0x211: {  	[sflag:s7] =	ssyncset.done $0x0  }
0x212: {  	[sflag:s7] =	ssyncadd.s32 $0xFFFFFE80  }
0x213: {  	_ =	swait.ge [sflag:s7], $0x180  }
0x214: {  	p0 =	sne.s32 s4, $0x1;
	[sflag:s7] =	ssyncset.done $0x0  }
.Ltmp0:
0x215: {  	s31 =	rddreg [dreg:$0x4];
	[sflag:s7] =	ssyncadd.s32 $0xFFFFFE80;
	(pc) =	sbr.rel @p0 .LBB2_1-.Ltmp0, $4  }
0x216: {  	[hbm4b:s31+s2] =	stream.linear.scatter [tilespmem:s6], [sflag:$0x2], $0x3000, $0x38;
	[tilespmem:$0x3080] =	vst v63  }
0x217: {  	_ =	swait.ge [sflag:s5], $0x3000  }
0x218: {  	[sflag:s5] =	ssyncset.done $0x0  }
0x219: {  	s4 =	sadd.s32 $0xFFFFFFFF, s4;
	[sflag:s5] =	ssyncadd.s32 $0xFFFFD000  }
0x21a: {  	_ =	sfence.sel $0x180000  }
0x21b: {  	[bflag:$0x0] =	sbarrier.arrive $0xFFFF  }
0x21c: {  	p0 =	sne.s32 s0, $0x0;
	_ =	strace $0x90000047  }
0x21d: {  	s0 =	sadd.s32 @!p0 $0x100000, s1;
	[bflag:$0x2] =	sbarrier.arrive $0xFFFF  }
0x21e: {  	[sflag:s0] =	ssyncadd.tile.s32 @!p0 $0x1;
	_ =	shalt  }
.Lfunc_end2:
_tile_overlayer_lowered:
.L_overlay_start_2:
0x21f: {  	(tag) =	ssettag $0x2  }
0x220: {  	s0 =	rddreg [dreg:$0x0];
	s2 =	stileid.u32  }
0x221: {  	s1 =	rddreg [dreg:$0x1];
	p0 =	sne.s32 s2, $0x0  }
0x222: {  	s3 =	rddreg [dreg:$0x2];
	[bflag:$0x3] =	sbarrier.arrive $0xFFFF;
	s2 =	simm.s32 @!p0 $0x1C02  }
0x223: {  	[timem:s3], [sflag:s2] =	dma.local @!p0 [hbm:s0], s1  }
0x224: {  	s0 =	simm.s32 @!p0 $0x2  }
0x225: {  	_ =	swait.ge @!p0 [sflag:s0], s1  }
0x226: {  	s1 =	ssub.s32 @!p0 $0x0, s1;
	[sflag:s0] =	ssyncset.done @!p0 $0x0  }
0x227: {  	[sflag:s0] =	ssyncadd.s32 @!p0 s1  }
0x228: {  	[bflag:$0x3] =	sbarrier.arrive $0xFFFF  }
0x229: {  	_ =	shalt  }

</sc_bundles>
